<compile_context>
chip_gen: v7x
topology: tpu7x:2x2x1
jax: 0.10.2.dev20260603
libtpu: 0.0.44.dev20260713+nightly
codegen_flags: <defaults>
</compile_context>

<pallas_src>
import functools

import jax
import jax.numpy as jnp
from jax import lax
from jax.experimental import pallas as pl
from jax.experimental.pallas import tpu as pltpu
from jax.experimental.pallas import tpu_sc as plsc

_N = 10000
_E = 320000
_D = 128
_NC = 2
_NS = 16
_NW = _NC * _NS
_TPW = _E // _NW
_K = 80
_NCH = _TPW // _K
_ROWS = 624
_REM = _N - _NS * _ROWS

_mesh = plsc.VectorSubcoreMesh(
    core_axis_name="c", subcore_axis_name="s", num_cores=_NC, num_subcores=_NS
)


def _sc_body(with_deg, table, pk_i, z2, *rest):
    if with_deg:
        (z1, out, deg_out, pk_v, sidx, didx, buf_a, buf_b, buf_c, ones_v,
         acc, dacc, sem_a, sem_b, sem_c) = rest
    else:
        (out, pk_v, sidx, didx, buf_a, buf_b, buf_c, acc,
         sem_a, sem_b, sem_c) = rest
    cid = lax.axis_index("c")
    sid = lax.axis_index("s")
    wid = cid * _NS + sid
    pltpu.sync_copy(pk_i.at[wid], pk_v)
    base = pl.multiple_of(sid * _ROWS, 8)
    pltpu.sync_copy(z2.at[pl.ds(base, _ROWS)], acc.at[pl.ds(base, _ROWS)])

    @pl.when(sid == _NS - 1)
    def _():
        pltpu.sync_copy(
            z2.at[pl.ds(_NS * _ROWS, _REM)], acc.at[pl.ds(_NS * _ROWS, _REM)]
        )
    if with_deg:
        @pl.when(sid == 0)
        def _():
            pltpu.sync_copy(z1, dacc)
        for i in range(_K // 16):
            ones_v[pl.ds(i * 16, 16)] = jnp.ones((16,), jnp.float32)
    plsc.subcore_barrier()

    slots = ((buf_a, sem_a), (buf_b, sem_b), (buf_c, sem_c))

    def prep(j, slot):
        for i in range(_K // 16):
            v = pk_v[j, pl.ds(16 * i, 16)]
            sidx[slot, pl.ds(16 * i, 16)] = v & 0xFFFF
            didx[slot, pl.ds(16 * i, 16)] = lax.shift_right_logical(v, 16)

    def issue(slot):
        buf, sem = slots[slot]
        pltpu.async_copy(table.at[sidx.at[slot]], buf, sem)

    def drain(slot):
        buf, sem = slots[slot]
        pltpu.make_async_copy(table.at[sidx.at[slot]], buf, sem).wait()

    def scat(slot):
        buf, _ = slots[slot]
        pltpu.sync_copy(buf, acc.at[didx.at[slot]], add=True)
        if with_deg:
            pltpu.sync_copy(ones_v, dacc.at[didx.at[slot]], add=True)

    def step(j, s):
        drain(s)
        prep(j + 2, (s + 2) % 3)
        issue((s + 2) % 3)
        scat(s)

    prep(0, 0)
    issue(0)
    prep(1, 1)
    issue(1)

    def loop_body(i, carry):
        j = 3 * i
        step(j, 0)
        step(j + 1, 1)
        step(j + 2, 2)
        return carry

    lax.fori_loop(0, (_NCH - 2) // 3, loop_body, 0)
    for j in range(3 * ((_NCH - 2) // 3), _NCH):
        s = j % 3
        drain(s)
        if j + 2 < _NCH:
            prep(j + 2, (s + 2) % 3)
            issue((s + 2) % 3)
        scat(s)
    plsc.subcore_barrier()
    pltpu.sync_copy(
        acc.at[pl.ds(base, _ROWS)], out.at[cid, pl.ds(base, _ROWS)]
    )

    @pl.when(sid == _NS - 1)
    def _():
        pltpu.sync_copy(
            acc.at[pl.ds(_NS * _ROWS, _REM)], out.at[cid, pl.ds(_NS * _ROWS, _REM)]
        )
    if with_deg:
        @pl.when(sid == 0)
        def _():
            pltpu.sync_copy(dacc, deg_out.at[cid])


_sc_pass_deg = functools.partial(
    pl.kernel,
    out_type=[
        jax.ShapeDtypeStruct((_NC, _N, _D), jnp.float32),
        jax.ShapeDtypeStruct((_NC, _N), jnp.float32),
    ],
    mesh=_mesh,
    scratch_types=[
        pltpu.VMEM((_NCH, _K), jnp.int32),
        pltpu.VMEM((3, _K), jnp.int32),
        pltpu.VMEM((3, _K), jnp.int32),
        pltpu.VMEM((_K, _D), jnp.float32),
        pltpu.VMEM((_K, _D), jnp.float32),
        pltpu.VMEM((_K, _D), jnp.float32),
        pltpu.VMEM((_K,), jnp.float32),
        pltpu.VMEM_SHARED((_N, _D), jnp.float32),
        pltpu.VMEM_SHARED((_N,), jnp.float32),
        pltpu.SemaphoreType.DMA,
        pltpu.SemaphoreType.DMA,
        pltpu.SemaphoreType.DMA,
    ],
)(functools.partial(_sc_body, True))

_sc_pass = functools.partial(
    pl.kernel,
    out_type=jax.ShapeDtypeStruct((_NC, _N, _D), jnp.float32),
    mesh=_mesh,
    scratch_types=[
        pltpu.VMEM((_NCH, _K), jnp.int32),
        pltpu.VMEM((3, _K), jnp.int32),
        pltpu.VMEM((3, _K), jnp.int32),
        pltpu.VMEM((_K, _D), jnp.float32),
        pltpu.VMEM((_K, _D), jnp.float32),
        pltpu.VMEM((_K, _D), jnp.float32),
        pltpu.VMEM_SHARED((_N, _D), jnp.float32),
        pltpu.SemaphoreType.DMA,
        pltpu.SemaphoreType.DMA,
        pltpu.SemaphoreType.DMA,
    ],
)(functools.partial(_sc_body, False))


def _dense1_body(p_ref, x_ref, deg_ref, w_ref, b_ref, h_ref):
    s = p_ref[0] + p_ref[1] + x_ref[...]
    d = deg_ref[0] + deg_ref[1] + 1.0
    hn = s / d
    h = jnp.dot(hn, w_ref[...], preferred_element_type=jnp.float32,
                precision=lax.Precision.HIGHEST) + b_ref[...]
    h_ref[...] = jnp.maximum(h, 0.0)


def _dense2_body(h_ref, p_ref, deg_ref, ws_ref, wn_ref, b_ref, o_ref):
    d = jnp.maximum(deg_ref[0] + deg_ref[1], 1.0)
    hn = (p_ref[0] + p_ref[1]) / d
    o = jnp.dot(h_ref[...], ws_ref[...], preferred_element_type=jnp.float32,
                precision=lax.Precision.HIGHEST)
    o += jnp.dot(hn, wn_ref[...], preferred_element_type=jnp.float32,
                 precision=lax.Precision.HIGHEST)
    o_ref[...] = o + b_ref[...]


_BLK = 1000
_GRID = _N // _BLK


def _dense1(p, x, deg, w, b):
    return pl.pallas_call(
        _dense1_body,
        grid=(_GRID,),
        in_specs=[
            pl.BlockSpec((_NC, _BLK, _D), lambda i: (0, i, 0)),
            pl.BlockSpec((_BLK, _D), lambda i: (i, 0)),
            pl.BlockSpec((_NC, _BLK, 1), lambda i: (0, i, 0)),
            pl.BlockSpec((_D, _D), lambda i: (0, 0)),
            pl.BlockSpec((1, _D), lambda i: (0, 0)),
        ],
        out_specs=pl.BlockSpec((_BLK, _D), lambda i: (i, 0)),
        out_shape=jax.ShapeDtypeStruct((_N, _D), jnp.float32),
    )(p, x, deg, w, b)


def _dense2(h, p, deg, ws, wn, b):
    return pl.pallas_call(
        _dense2_body,
        grid=(_GRID,),
        in_specs=[
            pl.BlockSpec((_BLK, _D), lambda i: (i, 0)),
            pl.BlockSpec((_NC, _BLK, _D), lambda i: (0, i, 0)),
            pl.BlockSpec((_NC, _BLK, 1), lambda i: (0, i, 0)),
            pl.BlockSpec((_D, _D), lambda i: (0, 0)),
            pl.BlockSpec((_D, _D), lambda i: (0, 0)),
            pl.BlockSpec((1, _D), lambda i: (0, 0)),
        ],
        out_specs=pl.BlockSpec((_BLK, _D), lambda i: (i, 0)),
        out_shape=jax.ShapeDtypeStruct((_N, _D), jnp.float32),
    )(h, p, deg, ws, wn, b)


def kernel(x, edge_index, W_neigh1, b1, W_self2, W_neigh2, b2):
    packed = (edge_index[0] | (edge_index[1] << 16)).reshape(_NW, _NCH, _K)
    z2 = jnp.zeros((_N, _D), jnp.float32)
    z1 = jnp.zeros((_N,), jnp.float32)
    p1, degp = _sc_pass_deg(x, packed, z2, z1)
    degp3 = degp.reshape(_NC, _N, 1)
    h = _dense1(p1, x, degp3, W_neigh1, b1.reshape(1, _D))
    p2 = _sc_pass(h, packed, z2)
    return _dense2(h, p2, degp3, W_self2, W_neigh2, b2.reshape(1, _D))

# --- scband reference (transcript-rebuilt; emitter-appended) ---
"""Pipeline reference for scband-sage-64141041599037 (READ-ONLY COPY).

The authoritative reference and input builder live on the scoring server;
editing this copy changes nothing except your own understanding.
"""

import jax, jax.numpy as jnp
import numpy as np

N = 10000
E = 320000
D = 128
H = 128
O = 128


def setup_inputs(seed: int = 0) -> dict:
    key = jax.random.key(seed)
    ks = jax.random.split(key, 8)
    x = jax.random.normal(ks[0], (N, D), dtype=jnp.float32)
    edge_index = jax.random.randint(ks[1], (2, E), 0, N, dtype=jnp.int32)
    # layer 1: SAGEConv(gcn) -> only fc_neigh + bias
    W_neigh1 = jax.random.normal(ks[2], (D, H), dtype=jnp.float32) * 0.05
    b1 = jnp.zeros((H,), dtype=jnp.float32)
    # layer 2: SAGEConv(mean) -> fc_self + fc_neigh + bias
    W_self2 = jax.random.normal(ks[3], (H, O), dtype=jnp.float32) * 0.05
    W_neigh2 = jax.random.normal(ks[4], (H, O), dtype=jnp.float32) * 0.05
    b2 = jnp.zeros((O,), dtype=jnp.float32)
    return {"x": x, "edge_index": edge_index, "W_neigh1": W_neigh1, "b1": b1,
            "W_self2": W_self2, "W_neigh2": W_neigh2, "b2": b2}


def reference(x, edge_index, W_neigh1, b1, W_self2, W_neigh2, b2):
    src = edge_index[0]
    dst = edge_index[1]
    deg = jax.ops.segment_sum(jnp.ones((E,), dtype=x.dtype), dst, num_segments=N)
    # ---- layer 1: SAGEConv aggregator_type='gcn' (dropout is identity at eval) ----
    msg1 = jnp.take(x, src, axis=0)
    summed1 = jax.ops.segment_sum(msg1, dst, num_segments=N)
    h_neigh1 = (summed1 + x) / (deg[:, None] + 1.0)
    h = h_neigh1 @ W_neigh1 + b1
    # ---- inter-layer: relu + dropout(eval=identity) ----
    h = jax.nn.relu(h)
    # ---- layer 2: SAGEConv aggregator_type='mean' ----
    msg2 = jnp.take(h, src, axis=0)
    summed2 = jax.ops.segment_sum(msg2, dst, num_segments=N)
    h_neigh2 = summed2 / jnp.maximum(deg, 1.0)[:, None]
    out = h @ W_self2 + h_neigh2 @ W_neigh2 + b2
    return out

if __name__ == "__main__":
    import jax
    _d = setup_inputs()
    print(jax.jit(kernel)(*tuple(_d.values())))

</pallas_src>

<mosaic_0001>
#map = affine_map<(d0, d1) -> (0, 0)>
#map1 = affine_map<(d0, d1) -> (0, 0, 0)>
#map2 = affine_map<(d0, d1) -> (0)>
module attributes {stable_mosaic.version = 14 : i64} {
  func.func @_sc_body(%arg0: i32, %arg1: i32, %arg2: memref<10000x128xf32, #tpu.memory_space<hbm>>, %arg3: memref<32x125x80xi32, #tpu.memory_space<hbm>>, %arg4: memref<10000x128xf32, #tpu.memory_space<hbm>>, %arg5: memref<10000xf32, #tpu.memory_space<hbm>>, %arg6: memref<2x10000x128xf32, #tpu.memory_space<hbm>>, %arg7: memref<2x10000xf32, #tpu.memory_space<hbm>>, %arg8: memref<125x80xi32, #tpu.memory_space<vmem>>, %arg9: memref<3x80xi32, #tpu.memory_space<vmem>>, %arg10: memref<3x80xi32, #tpu.memory_space<vmem>>, %arg11: memref<80x128xf32, #tpu.memory_space<vmem>>, %arg12: memref<80x128xf32, #tpu.memory_space<vmem>>, %arg13: memref<80x128xf32, #tpu.memory_space<vmem>>, %arg14: memref<80xf32, #tpu.memory_space<vmem>>, %arg15: memref<10000x128xf32, #tpu.memory_space<vmem_shared>>, %arg16: memref<10000xf32, #tpu.memory_space<vmem_shared>>, %arg17: memref<!tpu.dma_semaphore, #tpu.memory_space<semaphore_mem>>, %arg18: memref<!tpu.dma_semaphore, #tpu.memory_space<semaphore_mem>>, %arg19: memref<!tpu.dma_semaphore, #tpu.memory_space<semaphore_mem>>) attributes {dimension_semantics = [#tpu.dimension_semantics<core_parallel>, #tpu.dimension_semantics<subcore_parallel>], iteration_bounds = array<i64: 2, 16>, scalar_prefetch = 0 : i64, scratch_operands = 12 : i64, tpu.core_type = #tpu.core_type<sc_vector_subcore>, window_params = [{transform_indices = #map}, {transform_indices = #map1}, {transform_indices = #map}, {transform_indices = #map2}, {transform_indices = #map1}, {transform_indices = #map}]} {
    %mul3A = arith.constant 16 : i32
    %mul3A_0 = arith.muli %arg0, %mul3A : i32
    %add3A = arith.addi %mul3A_0, %arg1 : i32
    "tpu.region"() ({
      %run_scoped3A_310 = tpu.sem_alloc : memref<!tpu.dma_semaphore, #tpu.memory_space<semaphore_mem>>
      %dma_start3A_311 = arith.constant 0 : i32
      %dma_start3A_312 = arith.constant 0 : i32
      %dma_start3A_313 = tpu.memref_slice %arg3[%add3A, %dma_start3A_311, %dma_start3A_312] : memref<32x125x80xi32, #tpu.memory_space<hbm>> -> memref<1x125x80xi32, #tpu.memory_space<hbm>>
      %dma_start3A_314 = tpu.memref_squeeze %dma_start3A_313 : memref<1x125x80xi32, #tpu.memory_space<hbm>> -> memref<125x80xi32, #tpu.memory_space<hbm>>
      %dma_start3A_315 = arith.constant 0 : i32
      %dma_start3A_316 = arith.constant 0 : i32
      %dma_start3A_317 = tpu.memref_slice %arg3[%add3A, %dma_start3A_315, %dma_start3A_316] : memref<32x125x80xi32, #tpu.memory_space<hbm>> -> memref<1x125x80xi32, #tpu.memory_space<hbm>>
      %dma_start3A_318 = tpu.memref_squeeze %dma_start3A_317 : memref<1x125x80xi32, #tpu.memory_space<hbm>> -> memref<125x80xi32, #tpu.memory_space<hbm>>
      tpu.enqueue_dma source(%dma_start3A_318 : memref<125x80xi32, #tpu.memory_space<hbm>>) target(%arg8 : memref<125x80xi32, #tpu.memory_space<vmem>>) target_semaphore(%run_scoped3A_310 : memref<!tpu.dma_semaphore, #tpu.memory_space<semaphore_mem>>)
      %dma_wait3A_319 = arith.constant 0 : i32
      %dma_wait3A_320 = arith.constant 0 : i32
      %dma_wait3A_321 = tpu.memref_slice %arg3[%add3A, %dma_wait3A_319, %dma_wait3A_320] : memref<32x125x80xi32, #tpu.memory_space<hbm>> -> memref<1x125x80xi32, #tpu.memory_space<hbm>>
      %dma_wait3A_322 = tpu.memref_squeeze %dma_wait3A_321 : memref<1x125x80xi32, #tpu.memory_space<hbm>> -> memref<125x80xi32, #tpu.memory_space<hbm>>
      %dma_wait3A_323 = arith.constant 0 : i32
      %dma_wait3A_324 = arith.constant 0 : i32
      %dma_wait3A_325 = tpu.memref_slice %arg3[%add3A, %dma_wait3A_323, %dma_wait3A_324] : memref<32x125x80xi32, #tpu.memory_space<hbm>> -> memref<1x125x80xi32, #tpu.memory_space<hbm>>
      %dma_wait3A_326 = tpu.memref_squeeze %dma_wait3A_325 : memref<1x125x80xi32, #tpu.memory_space<hbm>> -> memref<125x80xi32, #tpu.memory_space<hbm>>
      tpu.wait_dma2 semaphore(%run_scoped3A_310 : memref<!tpu.dma_semaphore, #tpu.memory_space<semaphore_mem>>) src(%dma_wait3A_326 : memref<125x80xi32, #tpu.memory_space<hbm>>) dst(%arg8 : memref<125x80xi32, #tpu.memory_space<vmem>>)
      tpu.yield
    }) : () -> ()
    %mul3A_1 = arith.constant 624 : i32
    %mul3A_2 = arith.muli %arg1, %mul3A_1 : i32
    %multiple_of3A = tpu.assume_multiple %mul3A_2, 8 : i32
    "tpu.region"() ({
      %run_scoped3A_310 = tpu.sem_alloc : memref<!tpu.dma_semaphore, #tpu.memory_space<semaphore_mem>>
      %dma_start3A_311 = arith.constant 0 : i32
      %dma_start3A_312 = tpu.memref_slice %arg15[%multiple_of3A, %dma_start3A_311] : memref<10000x128xf32, #tpu.memory_space<vmem_shared>> -> memref<624x128xf32, #tpu.memory_space<vmem_shared>>
      %dma_start3A_313 = arith.constant 0 : i32
      %dma_start3A_314 = tpu.memref_slice %arg4[%multiple_of3A, %dma_start3A_313] : memref<10000x128xf32, #tpu.memory_space<hbm>> -> memref<624x128xf32, #tpu.memory_space<hbm>>
      tpu.enqueue_dma source(%dma_start3A_314 : memref<624x128xf32, #tpu.memory_space<hbm>>) target(%dma_start3A_312 : memref<624x128xf32, #tpu.memory_space<vmem_shared>>) target_semaphore(%run_scoped3A_310 : memref<!tpu.dma_semaphore, #tpu.memory_space<semaphore_mem>>)
      %dma_wait3A_315 = arith.constant 0 : i32
      %dma_wait3A_316 = tpu.memref_slice %arg15[%multiple_of3A, %dma_wait3A_315] : memref<10000x128xf32, #tpu.memory_space<vmem_shared>> -> memref<624x128xf32, #tpu.memory_space<vmem_shared>>
      %dma_wait3A_317 = arith.constant 0 : i32
      %dma_wait3A_318 = tpu.memref_slice %arg4[%multiple_of3A, %dma_wait3A_317] : memref<10000x128xf32, #tpu.memory_space<hbm>> -> memref<624x128xf32, #tpu.memory_space<hbm>>
      tpu.wait_dma2 semaphore(%run_scoped3A_310 : memref<!tpu.dma_semaphore, #tpu.memory_space<semaphore_mem>>) src(%dma_wait3A_318 : memref<624x128xf32, #tpu.memory_space<hbm>>) dst(%dma_wait3A_316 : memref<624x128xf32, #tpu.memory_space<vmem_shared>>)
      tpu.yield
    }) : () -> ()
    %eq3A = arith.constant 15 : i32
    %eq3A_3 = arith.cmpi eq, %arg1, %eq3A : i32
    %convert_element_type3A = arith.extui %eq3A_3 : i1 to i32
    %cond3A = arith.constant 0 : i32
    %cond3A_4 = arith.cmpi ne, %convert_element_type3A, %cond3A : i32
    scf.if %cond3A_4 {
      "tpu.region"() ({
        %run_scoped3A_310 = tpu.sem_alloc : memref<!tpu.dma_semaphore, #tpu.memory_space<semaphore_mem>>
        %dma_start3A_311 = arith.constant 9984 : i32
        %dma_start3A_312 = arith.constant 0 : i32
        %dma_start3A_313 = tpu.memref_slice %arg15[%dma_start3A_311, %dma_start3A_312] : memref<10000x128xf32, #tpu.memory_space<vmem_shared>> -> memref<16x128xf32, #tpu.memory_space<vmem_shared>>
        %dma_start3A_314 = arith.constant 9984 : i32
        %dma_start3A_315 = arith.constant 0 : i32
        %dma_start3A_316 = tpu.memref_slice %arg4[%dma_start3A_314, %dma_start3A_315] : memref<10000x128xf32, #tpu.memory_space<hbm>> -> memref<16x128xf32, #tpu.memory_space<hbm>>
        tpu.enqueue_dma source(%dma_start3A_316 : memref<16x128xf32, #tpu.memory_space<hbm>>) target(%dma_start3A_313 : memref<16x128xf32, #tpu.memory_space<vmem_shared>>) target_semaphore(%run_scoped3A_310 : memref<!tpu.dma_semaphore, #tpu.memory_space<semaphore_mem>>)
        %dma_wait3A_317 = arith.constant 9984 : i32
        %dma_wait3A_318 = arith.constant 0 : i32
        %dma_wait3A_319 = tpu.memref_slice %arg15[%dma_wait3A_317, %dma_wait3A_318] : memref<10000x128xf32, #tpu.memory_space<vmem_shared>> -> memref<16x128xf32, #tpu.memory_space<vmem_shared>>
        %dma_wait3A_320 = arith.constant 9984 : i32
        %dma_wait3A_321 = arith.constant 0 : i32
        %dma_wait3A_322 = tpu.memref_slice %arg4[%dma_wait3A_320, %dma_wait3A_321] : memref<10000x128xf32, #tpu.memory_space<hbm>> -> memref<16x128xf32, #tpu.memory_space<hbm>>
        tpu.wait_dma2 semaphore(%run_scoped3A_310 : memref<!tpu.dma_semaphore, #tpu.memory_space<semaphore_mem>>) src(%dma_wait3A_322 : memref<16x128xf32, #tpu.memory_space<hbm>>) dst(%dma_wait3A_319 : memref<16x128xf32, #tpu.memory_space<vmem_shared>>)
        tpu.yield
      }) : () -> ()
    } else {
    }
    %eq3A_5 = arith.constant 0 : i32
    %eq3A_6 = arith.cmpi eq, %arg1, %eq3A_5 : i32
    %convert_element_type3A_7 = arith.extui %eq3A_6 : i1 to i32
    %cond3A_8 = arith.constant 0 : i32
    %cond3A_9 = arith.cmpi ne, %convert_element_type3A_7, %cond3A_8 : i32
    scf.if %cond3A_9 {
      "tpu.region"() ({
        %run_scoped3A_310 = tpu.sem_alloc : memref<!tpu.dma_semaphore, #tpu.memory_space<semaphore_mem>>
        tpu.enqueue_dma source(%arg5 : memref<10000xf32, #tpu.memory_space<hbm>>) target(%arg16 : memref<10000xf32, #tpu.memory_space<vmem_shared>>) target_semaphore(%run_scoped3A_310 : memref<!tpu.dma_semaphore, #tpu.memory_space<semaphore_mem>>)
        tpu.wait_dma2 semaphore(%run_scoped3A_310 : memref<!tpu.dma_semaphore, #tpu.memory_space<semaphore_mem>>) src(%arg5 : memref<10000xf32, #tpu.memory_space<hbm>>) dst(%arg16 : memref<10000xf32, #tpu.memory_space<vmem_shared>>)
        tpu.yield
      }) : () -> ()
    } else {
    }
    %broadcast_in_dim3A = arith.constant 1.000000e+00 : f32
    %broadcast_in_dim3A_10 = vector.broadcast %broadcast_in_dim3A : f32 to vector<16xf32>
    %swap3A = arith.constant 0 : index
    %swap3A_11 = tpu.vector_load %arg14[%swap3A] {strides = array<i32>} : memref<80xf32, #tpu.memory_space<vmem>>, vector<16xf32>,
    %swap3A_12 = vector.shape_cast %swap3A_11 : vector<16xf32> to vector<16xf32>
    %swap3A_13 = vector.shape_cast %broadcast_in_dim3A_10 : vector<16xf32> to vector<16xf32>
    tpu.vector_store %arg14[%swap3A], %swap3A_13 {strides = array<i32>} : memref<80xf32, #tpu.memory_space<vmem>>, vector<16xf32>,
    %broadcast_in_dim3A_14 = arith.constant 1.000000e+00 : f32
    %broadcast_in_dim3A_15 = vector.broadcast %broadcast_in_dim3A_14 : f32 to vector<16xf32>
    %swap3A_16 = arith.constant 16 : index
    %swap3A_17 = tpu.vector_load %arg14[%swap3A_16] {strides = array<i32>} : memref<80xf32, #tpu.memory_space<vmem>>, vector<16xf32>,
    %swap3A_18 = vector.shape_cast %swap3A_17 : vector<16xf32> to vector<16xf32>
    %swap3A_19 = vector.shape_cast %broadcast_in_dim3A_15 : vector<16xf32> to vector<16xf32>
    tpu.vector_store %arg14[%swap3A_16], %swap3A_19 {strides = array<i32>} : memref<80xf32, #tpu.memory_space<vmem>>, vector<16xf32>,
    %broadcast_in_dim3A_20 = arith.constant 1.000000e+00 : f32
    %broadcast_in_dim3A_21 = vector.broadcast %broadcast_in_dim3A_20 : f32 to vector<16xf32>
    %swap3A_22 = arith.constant 32 : index
    %swap3A_23 = tpu.vector_load %arg14[%swap3A_22] {strides = array<i32>} : memref<80xf32, #tpu.memory_space<vmem>>, vector<16xf32>,
    %swap3A_24 = vector.shape_cast %swap3A_23 : vector<16xf32> to vector<16xf32>
    %swap3A_25 = vector.shape_cast %broadcast_in_dim3A_21 : vector<16xf32> to vector<16xf32>
    tpu.vector_store %arg14[%swap3A_22], %swap3A_25 {strides = array<i32>} : memref<80xf32, #tpu.memory_space<vmem>>, vector<16xf32>,
    %broadcast_in_dim3A_26 = arith.constant 1.000000e+00 : f32
    %broadcast_in_dim3A_27 = vector.broadcast %broadcast_in_dim3A_26 : f32 to vector<16xf32>
    %swap3A_28 = arith.constant 48 : index
    %swap3A_29 = tpu.vector_load %arg14[%swap3A_28] {strides = array<i32>} : memref<80xf32, #tpu.memory_space<vmem>>, vector<16xf32>,
    %swap3A_30 = vector.shape_cast %swap3A_29 : vector<16xf32> to vector<16xf32>
    %swap3A_31 = vector.shape_cast %broadcast_in_dim3A_27 : vector<16xf32> to vector<16xf32>
    tpu.vector_store %arg14[%swap3A_28], %swap3A_31 {strides = array<i32>} : memref<80xf32, #tpu.memory_space<vmem>>, vector<16xf32>,
    %broadcast_in_dim3A_32 = arith.constant 1.000000e+00 : f32
    %broadcast_in_dim3A_33 = vector.broadcast %broadcast_in_dim3A_32 : f32 to vector<16xf32>
    %swap3A_34 = arith.constant 64 : index
    %swap3A_35 = tpu.vector_load %arg14[%swap3A_34] {strides = array<i32>} : memref<80xf32, #tpu.memory_space<vmem>>, vector<16xf32>,
    %swap3A_36 = vector.shape_cast %swap3A_35 : vector<16xf32> to vector<16xf32>
    %swap3A_37 = vector.shape_cast %broadcast_in_dim3A_33 : vector<16xf32> to vector<16xf32>
    tpu.vector_store %arg14[%swap3A_34], %swap3A_37 {strides = array<i32>} : memref<80xf32, #tpu.memory_space<vmem>>, vector<16xf32>,
    %barrier3A = arith.constant 0 : index
    tpu.barrier barrier_id(%barrier3A)
    %get3A = arith.constant 0 : i32
    %get3A_38 = arith.index_cast %get3A : i32 to index
    %get3A_39 = arith.constant 0 : index
    %get3A_40 = tpu.vector_load %arg8[%get3A_38, %get3A_39] {strides = array<i32>} : memref<125x80xi32, #tpu.memory_space<vmem>>, vector<1x16xi32>,
    %get3A_41 = vector.shape_cast %get3A_40 : vector<1x16xi32> to vector<16xi32>
    %and3A = arith.constant 65535 : i32
    %and3A_42 = vector.broadcast %and3A : i32 to vector<16xi32>
    %and3A_43 = arith.andi %get3A_41, %and3A_42 : vector<16xi32>
    %swap3A_44 = arith.constant 0 : i32
    %swap3A_45 = arith.index_cast %swap3A_44 : i32 to index
    %swap3A_46 = arith.constant 0 : index
    %swap3A_47 = tpu.vector_load %arg9[%swap3A_45, %swap3A_46] {strides = array<i32>} : memref<3x80xi32, #tpu.memory_space<vmem>>, vector<1x16xi32>,
    %swap3A_48 = vector.shape_cast %swap3A_47 : vector<1x16xi32> to vector<16xi32>
    %swap3A_49 = vector.shape_cast %and3A_43 : vector<16xi32> to vector<1x16xi32>
    tpu.vector_store %arg9[%swap3A_45, %swap3A_46], %swap3A_49 {strides = array<i32>} : memref<3x80xi32, #tpu.memory_space<vmem>>, vector<1x16xi32>,
    %shift_right_logical3A = arith.constant 16 : i32
    %shift_right_logical3A_50 = vector.broadcast %shift_right_logical3A : i32 to vector<16xi32>
    %shift_right_logical3A_51 = arith.shrui %get3A_41, %shift_right_logical3A_50 : vector<16xi32>
    %swap3A_52 = arith.constant 0 : i32
    %swap3A_53 = arith.index_cast %swap3A_52 : i32 to index
    %swap3A_54 = arith.constant 0 : index
    %swap3A_55 = tpu.vector_load %arg10[%swap3A_53, %swap3A_54] {strides = array<i32>} : memref<3x80xi32, #tpu.memory_space<vmem>>, vector<1x16xi32>,
    %swap3A_56 = vector.shape_cast %swap3A_55 : vector<1x16xi32> to vector<16xi32>
    %swap3A_57 = vector.shape_cast %shift_right_logical3A_51 : vector<16xi32> to vector<1x16xi32>
    tpu.vector_store %arg10[%swap3A_53, %swap3A_54], %swap3A_57 {strides = array<i32>} : memref<3x80xi32, #tpu.memory_space<vmem>>, vector<1x16xi32>,
    %get3A_58 = arith.constant 0 : i32
    %get3A_59 = arith.index_cast %get3A_58 : i32 to index
    %get3A_60 = arith.constant 16 : index
    %get3A_61 = tpu.vector_load %arg8[%get3A_59, %get3A_60] {strides = array<i32>} : memref<125x80xi32, #tpu.memory_space<vmem>>, vector<1x16xi32>,
    %get3A_62 = vector.shape_cast %get3A_61 : vector<1x16xi32> to vector<16xi32>
    %and3A_63 = arith.constant 65535 : i32
    %and3A_64 = vector.broadcast %and3A_63 : i32 to vector<16xi32>
    %and3A_65 = arith.andi %get3A_62, %and3A_64 : vector<16xi32>
    %swap3A_66 = arith.constant 0 : i32
    %swap3A_67 = arith.index_cast %swap3A_66 : i32 to index
    %swap3A_68 = arith.constant 16 : index
    %swap3A_69 = tpu.vector_load %arg9[%swap3A_67, %swap3A_68] {strides = array<i32>} : memref<3x80xi32, #tpu.memory_space<vmem>>, vector<1x16xi32>,
    %swap3A_70 = vector.shape_cast %swap3A_69 : vector<1x16xi32> to vector<16xi32>
    %swap3A_71 = vector.shape_cast %and3A_65 : vector<16xi32> to vector<1x16xi32>
    tpu.vector_store %arg9[%swap3A_67, %swap3A_68], %swap3A_71 {strides = array<i32>} : memref<3x80xi32, #tpu.memory_space<vmem>>, vector<1x16xi32>,
    %shift_right_logical3A_72 = arith.constant 16 : i32
    %shift_right_logical3A_73 = vector.broadcast %shift_right_logical3A_72 : i32 to vector<16xi32>
    %shift_right_logical3A_74 = arith.shrui %get3A_62, %shift_right_logical3A_73 : vector<16xi32>
    %swap3A_75 = arith.constant 0 : i32
    %swap3A_76 = arith.index_cast %swap3A_75 : i32 to index
    %swap3A_77 = arith.constant 16 : index
    %swap3A_78 = tpu.vector_load %arg10[%swap3A_76, %swap3A_77] {strides = array<i32>} : memref<3x80xi32, #tpu.memory_space<vmem>>, vector<1x16xi32>,
    %swap3A_79 = vector.shape_cast %swap3A_78 : vector<1x16xi32> to vector<16xi32>
    %swap3A_80 = vector.shape_cast %shift_right_logical3A_74 : vector<16xi32> to vector<1x16xi32>
    tpu.vector_store %arg10[%swap3A_76, %swap3A_77], %swap3A_80 {strides = array<i32>} : memref<3x80xi32, #tpu.memory_space<vmem>>, vector<1x16xi32>,
    %get3A_81 = arith.constant 0 : i32
    %get3A_82 = arith.index_cast %get3A_81 : i32 to index
    %get3A_83 = arith.constant 32 : index
    %get3A_84 = tpu.vector_load %arg8[%get3A_82, %get3A_83] {strides = array<i32>} : memref<125x80xi32, #tpu.memory_space<vmem>>, vector<1x16xi32>,
    %get3A_85 = vector.shape_cast %get3A_84 : vector<1x16xi32> to vector<16xi32>
    %and3A_86 = arith.constant 65535 : i32
    %and3A_87 = vector.broadcast %and3A_86 : i32 to vector<16xi32>
    %and3A_88 = arith.andi %get3A_85, %and3A_87 : vector<16xi32>
    %swap3A_89 = arith.constant 0 : i32
    %swap3A_90 = arith.index_cast %swap3A_89 : i32 to index
    %swap3A_91 = arith.constant 32 : index
    %swap3A_92 = tpu.vector_load %arg9[%swap3A_90, %swap3A_91] {strides = array<i32>} : memref<3x80xi32, #tpu.memory_space<vmem>>, vector<1x16xi32>,
    %swap3A_93 = vector.shape_cast %swap3A_92 : vector<1x16xi32> to vector<16xi32>
    %swap3A_94 = vector.shape_cast %and3A_88 : vector<16xi32> to vector<1x16xi32>
    tpu.vector_store %arg9[%swap3A_90, %swap3A_91], %swap3A_94 {strides = array<i32>} : memref<3x80xi32, #tpu.memory_space<vmem>>, vector<1x16xi32>,
    %shift_right_logical3A_95 = arith.constant 16 : i32
    %shift_right_logical3A_96 = vector.broadcast %shift_right_logical3A_95 : i32 to vector<16xi32>
    %shift_right_logical3A_97 = arith.shrui %get3A_85, %shift_right_logical3A_96 : vector<16xi32>
    %swap3A_98 = arith.constant 0 : i32
    %swap3A_99 = arith.index_cast %swap3A_98 : i32 to index
    %swap3A_100 = arith.constant 32 : index
    %swap3A_101 = tpu.vector_load %arg10[%swap3A_99, %swap3A_100] {strides = array<i32>} : memref<3x80xi32, #tpu.memory_space<vmem>>, vector<1x16xi32>,
    %swap3A_102 = vector.shape_cast %swap3A_101 : vector<1x16xi32> to vector<16xi32>
    %swap3A_103 = vector.shape_cast %shift_right_logical3A_97 : vector<16xi32> to vector<1x16xi32>
    tpu.vector_store %arg10[%swap3A_99, %swap3A_100], %swap3A_103 {strides = array<i32>} : memref<3x80xi32, #tpu.memory_space<vmem>>, vector<1x16xi32>,
    %get3A_104 = arith.constant 0 : i32
    %get3A_105 = arith.index_cast %get3A_104 : i32 to index
    %get3A_106 = arith.constant 48 : index
    %get3A_107 = tpu.vector_load %arg8[%get3A_105, %get3A_106] {strides = array<i32>} : memref<125x80xi32, #tpu.memory_space<vmem>>, vector<1x16xi32>,
    %get3A_108 = vector.shape_cast %get3A_107 : vector<1x16xi32> to vector<16xi32>
    %and3A_109 = arith.constant 65535 : i32
    %and3A_110 = vector.broadcast %and3A_109 : i32 to vector<16xi32>
    %and3A_111 = arith.andi %get3A_108, %and3A_110 : vector<16xi32>
    %swap3A_112 = arith.constant 0 : i32
    %swap3A_113 = arith.index_cast %swap3A_112 : i32 to index
    %swap3A_114 = arith.constant 48 : index
    %swap3A_115 = tpu.vector_load %arg9[%swap3A_113, %swap3A_114] {strides = array<i32>} : memref<3x80xi32, #tpu.memory_space<vmem>>, vector<1x16xi32>,
    %swap3A_116 = vector.shape_cast %swap3A_115 : vector<1x16xi32> to vector<16xi32>
    %swap3A_117 = vector.shape_cast %and3A_111 : vector<16xi32> to vector<1x16xi32>
    tpu.vector_store %arg9[%swap3A_113, %swap3A_114], %swap3A_117 {strides = array<i32>} : memref<3x80xi32, #tpu.memory_space<vmem>>, vector<1x16xi32>,
    %shift_right_logical3A_118 = arith.constant 16 : i32
    %shift_right_logical3A_119 = vector.broadcast %shift_right_logical3A_118 : i32 to vector<16xi32>
    %shift_right_logical3A_120 = arith.shrui %get3A_108, %shift_right_logical3A_119 : vector<16xi32>
    %swap3A_121 = arith.constant 0 : i32
    %swap3A_122 = arith.index_cast %swap3A_121 : i32 to index
    %swap3A_123 = arith.constant 48 : index
    %swap3A_124 = tpu.vector_load %arg10[%swap3A_122, %swap3A_123] {strides = array<i32>} : memref<3x80xi32, #tpu.memory_space<vmem>>, vector<1x16xi32>,
    %swap3A_125 = vector.shape_cast %swap3A_124 : vector<1x16xi32> to vector<16xi32>
    %swap3A_126 = vector.shape_cast %shift_right_logical3A_120 : vector<16xi32> to vector<1x16xi32>
    tpu.vector_store %arg10[%swap3A_122, %swap3A_123], %swap3A_126 {strides = array<i32>} : memref<3x80xi32, #tpu.memory_space<vmem>>, vector<1x16xi32>,
    %get3A_127 = arith.constant 0 : i32
    %get3A_128 = arith.index_cast %get3A_127 : i32 to index
    %get3A_129 = arith.constant 64 : index
    %get3A_130 = tpu.vector_load %arg8[%get3A_128, %get3A_129] {strides = array<i32>} : memref<125x80xi32, #tpu.memory_space<vmem>>, vector<1x16xi32>,
    %get3A_131 = vector.shape_cast %get3A_130 : vector<1x16xi32> to vector<16xi32>
    %and3A_132 = arith.constant 65535 : i32
    %and3A_133 = vector.broadcast %and3A_132 : i32 to vector<16xi32>
    %and3A_134 = arith.andi %get3A_131, %and3A_133 : vector<16xi32>
    %swap3A_135 = arith.constant 0 : i32
    %swap3A_136 = arith.index_cast %swap3A_135 : i32 to index
    %swap3A_137 = arith.constant 64 : index
    %swap3A_138 = tpu.vector_load %arg9[%swap3A_136, %swap3A_137] {strides = array<i32>} : memref<3x80xi32, #tpu.memory_space<vmem>>, vector<1x16xi32>,
    %swap3A_139 = vector.shape_cast %swap3A_138 : vector<1x16xi32> to vector<16xi32>
    %swap3A_140 = vector.shape_cast %and3A_134 : vector<16xi32> to vector<1x16xi32>
    tpu.vector_store %arg9[%swap3A_136, %swap3A_137], %swap3A_140 {strides = array<i32>} : memref<3x80xi32, #tpu.memory_space<vmem>>, vector<1x16xi32>,
    %shift_right_logical3A_141 = arith.constant 16 : i32
    %shift_right_logical3A_142 = vector.broadcast %shift_right_logical3A_141 : i32 to vector<16xi32>
    %shift_right_logical3A_143 = arith.shrui %get3A_131, %shift_right_logical3A_142 : vector<16xi32>
    %swap3A_144 = arith.constant 0 : i32
    %swap3A_145 = arith.index_cast %swap3A_144 : i32 to index
    %swap3A_146 = arith.constant 64 : index
    %swap3A_147 = tpu.vector_load %arg10[%swap3A_145, %swap3A_146] {strides = array<i32>} : memref<3x80xi32, #tpu.memory_space<vmem>>, vector<1x16xi32>,
    %swap3A_148 = vector.shape_cast %swap3A_147 : vector<1x16xi32> to vector<16xi32>
    %swap3A_149 = vector.shape_cast %shift_right_logical3A_143 : vector<16xi32> to vector<1x16xi32>
    tpu.vector_store %arg10[%swap3A_145, %swap3A_146], %swap3A_149 {strides = array<i32>} : memref<3x80xi32, #tpu.memory_space<vmem>>, vector<1x16xi32>,
    %dma_start3A = arith.constant 0 : i32
    %dma_start3A_150 = arith.constant 0 : i32
    %dma_start3A_151 = tpu.memref_slice %arg9[%dma_start3A, %dma_start3A_150] : memref<3x80xi32, #tpu.memory_space<vmem>> -> memref<1x80xi32, #tpu.memory_space<vmem>>
    %dma_start3A_152 = tpu.memref_squeeze %dma_start3A_151 : memref<1x80xi32, #tpu.memory_space<vmem>> -> memref<80xi32, #tpu.memory_space<vmem>>
    %dma_start3A_153 = arith.constant 0 : i32
    %dma_start3A_154 = arith.constant 0 : i32
    %dma_start3A_155 = tpu.memref_slice %arg2[%dma_start3A_153, %dma_start3A_154] : memref<10000x128xf32, #tpu.memory_space<hbm>> -> memref<10000x128xf32, #tpu.memory_space<hbm>>
    tpu.enqueue_indirect_dma source(%dma_start3A_155 : memref<10000x128xf32, #tpu.memory_space<hbm>>) target(%arg11 : memref<80x128xf32, #tpu.memory_space<vmem>>) offsets(%dma_start3A_152 : memref<80xi32, #tpu.memory_space<vmem>>) semaphore(%arg17 : memref<!tpu.dma_semaphore, #tpu.memory_space<semaphore_mem>>)
    %get3A_156 = arith.constant 1 : i32
    %get3A_157 = arith.index_cast %get3A_156 : i32 to index
    %get3A_158 = arith.constant 0 : index
    %get3A_159 = tpu.vector_load %arg8[%get3A_157, %get3A_158] {strides = array<i32>} : memref<125x80xi32, #tpu.memory_space<vmem>>, vector<1x16xi32>,
    %get3A_160 = vector.shape_cast %get3A_159 : vector<1x16xi32> to vector<16xi32>
    %and3A_161 = arith.constant 65535 : i32
    %and3A_162 = vector.broadcast %and3A_161 : i32 to vector<16xi32>
    %and3A_163 = arith.andi %get3A_160, %and3A_162 : vector<16xi32>
    %swap3A_164 = arith.constant 1 : i32
    %swap3A_165 = arith.index_cast %swap3A_164 : i32 to index
    %swap3A_166 = arith.constant 0 : index
    %swap3A_167 = tpu.vector_load %arg9[%swap3A_165, %swap3A_166] {strides = array<i32>} : memref<3x80xi32, #tpu.memory_space<vmem>>, vector<1x16xi32>,
    %swap3A_168 = vector.shape_cast %swap3A_167 : vector<1x16xi32> to vector<16xi32>
    %swap3A_169 = vector.shape_cast %and3A_163 : vector<16xi32> to vector<1x16xi32>
    tpu.vector_store %arg9[%swap3A_165, %swap3A_166], %swap3A_169 {strides = array<i32>} : memref<3x80xi32, #tpu.memory_space<vmem>>, vector<1x16xi32>,
    %shift_right_logical3A_170 = arith.constant 16 : i32
    %shift_right_logical3A_171 = vector.broadcast %shift_right_logical3A_170 : i32 to vector<16xi32>
    %shift_right_logical3A_172 = arith.shrui %get3A_160, %shift_right_logical3A_171 : vector<16xi32>
    %swap3A_173 = arith.constant 1 : i32
    %swap3A_174 = arith.index_cast %swap3A_173 : i32 to index
    %swap3A_175 = arith.constant 0 : index
    %swap3A_176 = tpu.vector_load %arg10[%swap3A_174, %swap3A_175] {strides = array<i32>} : memref<3x80xi32, #tpu.memory_space<vmem>>, vector<1x16xi32>,
    %swap3A_177 = vector.shape_cast %swap3A_176 : vector<1x16xi32> to vector<16xi32>
    %swap3A_178 = vector.shape_cast %shift_right_logical3A_172 : vector<16xi32> to vector<1x16xi32>
    tpu.vector_store %arg10[%swap3A_174, %swap3A_175], %swap3A_178 {strides = array<i32>} : memref<3x80xi32, #tpu.memory_space<vmem>>, vector<1x16xi32>,
    %get3A_179 = arith.constant 1 : i32
    %get3A_180 = arith.index_cast %get3A_179 : i32 to index
    %get3A_181 = arith.constant 16 : index
    %get3A_182 = tpu.vector_load %arg8[%get3A_180, %get3A_181] {strides = array<i32>} : memref<125x80xi32, #tpu.memory_space<vmem>>, vector<1x16xi32>,
    %get3A_183 = vector.shape_cast %get3A_182 : vector<1x16xi32> to vector<16xi32>
    %and3A_184 = arith.constant 65535 : i32
    %and3A_185 = vector.broadcast %and3A_184 : i32 to vector<16xi32>
    %and3A_186 = arith.andi %get3A_183, %and3A_185 : vector<16xi32>
    %swap3A_187 = arith.constant 1 : i32
    %swap3A_188 = arith.index_cast %swap3A_187 : i32 to index
    %swap3A_189 = arith.constant 16 : index
    %swap3A_190 = tpu.vector_load %arg9[%swap3A_188, %swap3A_189] {strides = array<i32>} : memref<3x80xi32, #tpu.memory_space<vmem>>, vector<1x16xi32>,
    %swap3A_191 = vector.shape_cast %swap3A_190 : vector<1x16xi32> to vector<16xi32>
    %swap3A_192 = vector.shape_cast %and3A_186 : vector<16xi32> to vector<1x16xi32>
    tpu.vector_store %arg9[%swap3A_188, %swap3A_189], %swap3A_192 {strides = array<i32>} : memref<3x80xi32, #tpu.memory_space<vmem>>, vector<1x16xi32>,
    %shift_right_logical3A_193 = arith.constant 16 : i32
    %shift_right_logical3A_194 = vector.broadcast %shift_right_logical3A_193 : i32 to vector<16xi32>
    %shift_right_logical3A_195 = arith.shrui %get3A_183, %shift_right_logical3A_194 : vector<16xi32>
    %swap3A_196 = arith.constant 1 : i32
    %swap3A_197 = arith.index_cast %swap3A_196 : i32 to index
    %swap3A_198 = arith.constant 16 : index
    %swap3A_199 = tpu.vector_load %arg10[%swap3A_197, %swap3A_198] {strides = array<i32>} : memref<3x80xi32, #tpu.memory_space<vmem>>, vector<1x16xi32>,
    %swap3A_200 = vector.shape_cast %swap3A_199 : vector<1x16xi32> to vector<16xi32>
    %swap3A_201 = vector.shape_cast %shift_right_logical3A_195 : vector<16xi32> to vector<1x16xi32>
    tpu.vector_store %arg10[%swap3A_197, %swap3A_198], %swap3A_201 {strides = array<i32>} : memref<3x80xi32, #tpu.memory_space<vmem>>, vector<1x16xi32>,
    %get3A_202 = arith.constant 1 : i32
    %get3A_203 = arith.index_cast %get3A_202 : i32 to index
    %get3A_204 = arith.constant 32 : index
    %get3A_205 = tpu.vector_load %arg8[%get3A_203, %get3A_204] {strides = array<i32>} : memref<125x80xi32, #tpu.memory_space<vmem>>, vector<1x16xi32>,
    %get3A_206 = vector.shape_cast %get3A_205 : vector<1x16xi32> to vector<16xi32>
    %and3A_207 = arith.constant 65535 : i32
    %and3A_208 = vector.broadcast %and3A_207 : i32 to vector<16xi32>
    %and3A_209 = arith.andi %get3A_206, %and3A_208 : vector<16xi32>
    %swap3A_210 = arith.constant 1 : i32
    %swap3A_211 = arith.index_cast %swap3A_210 : i32 to index
    %swap3A_212 = arith.constant 32 : index
    %swap3A_213 = tpu.vector_load %arg9[%swap3A_211, %swap3A_212] {strides = array<i32>} : memref<3x80xi32, #tpu.memory_space<vmem>>, vector<1x16xi32>,
    %swap3A_214 = vector.shape_cast %swap3A_213 : vector<1x16xi32> to vector<16xi32>
    %swap3A_215 = vector.shape_cast %and3A_209 : vector<16xi32> to vector<1x16xi32>
    tpu.vector_store %arg9[%swap3A_211, %swap3A_212], %swap3A_215 {strides = array<i32>} : memref<3x80xi32, #tpu.memory_space<vmem>>, vector<1x16xi32>,
    %shift_right_logical3A_216 = arith.constant 16 : i32
    %shift_right_logical3A_217 = vector.broadcast %shift_right_logical3A_216 : i32 to vector<16xi32>
    %shift_right_logical3A_218 = arith.shrui %get3A_206, %shift_right_logical3A_217 : vector<16xi32>
    %swap3A_219 = arith.constant 1 : i32
    %swap3A_220 = arith.index_cast %swap3A_219 : i32 to index
    %swap3A_221 = arith.constant 32 : index
    %swap3A_222 = tpu.vector_load %arg10[%swap3A_220, %swap3A_221] {strides = array<i32>} : memref<3x80xi32, #tpu.memory_space<vmem>>, vector<1x16xi32>,
    %swap3A_223 = vector.shape_cast %swap3A_222 : vector<1x16xi32> to vector<16xi32>
    %swap3A_224 = vector.shape_cast %shift_right_logical3A_218 : vector<16xi32> to vector<1x16xi32>
    tpu.vector_store %arg10[%swap3A_220, %swap3A_221], %swap3A_224 {strides = array<i32>} : memref<3x80xi32, #tpu.memory_space<vmem>>, vector<1x16xi32>,
    %get3A_225 = arith.constant 1 : i32
    %get3A_226 = arith.index_cast %get3A_225 : i32 to index
    %get3A_227 = arith.constant 48 : index
    %get3A_228 = tpu.vector_load %arg8[%get3A_226, %get3A_227] {strides = array<i32>} : memref<125x80xi32, #tpu.memory_space<vmem>>, vector<1x16xi32>,
    %get3A_229 = vector.shape_cast %get3A_228 : vector<1x16xi32> to vector<16xi32>
    %and3A_230 = arith.constant 65535 : i32
    %and3A_231 = vector.broadcast %and3A_230 : i32 to vector<16xi32>
    %and3A_232 = arith.andi %get3A_229, %and3A_231 : vector<16xi32>
    %swap3A_233 = arith.constant 1 : i32
    %swap3A_234 = arith.index_cast %swap3A_233 : i32 to index
    %swap3A_235 = arith.constant 48 : index
    %swap3A_236 = tpu.vector_load %arg9[%swap3A_234, %swap3A_235] {strides = array<i32>} : memref<3x80xi32, #tpu.memory_space<vmem>>, vector<1x16xi32>,
    %swap3A_237 = vector.shape_cast %swap3A_236 : vector<1x16xi32> to vector<16xi32>
    %swap3A_238 = vector.shape_cast %and3A_232 : vector<16xi32> to vector<1x16xi32>
    tpu.vector_store %arg9[%swap3A_234, %swap3A_235], %swap3A_238 {strides = array<i32>} : memref<3x80xi32, #tpu.memory_space<vmem>>, vector<1x16xi32>,
    %shift_right_logical3A_239 = arith.constant 16 : i32
    %shift_right_logical3A_240 = vector.broadcast %shift_right_logical3A_239 : i32 to vector<16xi32>
    %shift_right_logical3A_241 = arith.shrui %get3A_229, %shift_right_logical3A_240 : vector<16xi32>
    %swap3A_242 = arith.constant 1 : i32
    %swap3A_243 = arith.index_cast %swap3A_242 : i32 to index
    %swap3A_244 = arith.constant 48 : index
    %swap3A_245 = tpu.vector_load %arg10[%swap3A_243, %swap3A_244] {strides = array<i32>} : memref<3x80xi32, #tpu.memory_space<vmem>>, vector<1x16xi32>,
    %swap3A_246 = vector.shape_cast %swap3A_245 : vector<1x16xi32> to vector<16xi32>
    %swap3A_247 = vector.shape_cast %shift_right_logical3A_241 : vector<16xi32> to vector<1x16xi32>
    tpu.vector_store %arg10[%swap3A_243, %swap3A_244], %swap3A_247 {strides = array<i32>} : memref<3x80xi32, #tpu.memory_space<vmem>>, vector<1x16xi32>,
    %get3A_248 = arith.constant 1 : i32
    %get3A_249 = arith.index_cast %get3A_248 : i32 to index
    %get3A_250 = arith.constant 64 : index
    %get3A_251 = tpu.vector_load %arg8[%get3A_249, %get3A_250] {strides = array<i32>} : memref<125x80xi32, #tpu.memory_space<vmem>>, vector<1x16xi32>,
    %get3A_252 = vector.shape_cast %get3A_251 : vector<1x16xi32> to vector<16xi32>
    %and3A_253 = arith.constant 65535 : i32
    %and3A_254 = vector.broadcast %and3A_253 : i32 to vector<16xi32>
    %and3A_255 = arith.andi %get3A_252, %and3A_254 : vector<16xi32>
    %swap3A_256 = arith.constant 1 : i32
    %swap3A_257 = arith.index_cast %swap3A_256 : i32 to index
    %swap3A_258 = arith.constant 64 : index
    %swap3A_259 = tpu.vector_load %arg9[%swap3A_257, %swap3A_258] {strides = array<i32>} : memref<3x80xi32, #tpu.memory_space<vmem>>, vector<1x16xi32>,
    %swap3A_260 = vector.shape_cast %swap3A_259 : vector<1x16xi32> to vector<16xi32>
    %swap3A_261 = vector.shape_cast %and3A_255 : vector<16xi32> to vector<1x16xi32>
    tpu.vector_store %arg9[%swap3A_257, %swap3A_258], %swap3A_261 {strides = array<i32>} : memref<3x80xi32, #tpu.memory_space<vmem>>, vector<1x16xi32>,
    %shift_right_logical3A_262 = arith.constant 16 : i32
    %shift_right_logical3A_263 = vector.broadcast %shift_right_logical3A_262 : i32 to vector<16xi32>
    %shift_right_logical3A_264 = arith.shrui %get3A_252, %shift_right_logical3A_263 : vector<16xi32>
    %swap3A_265 = arith.constant 1 : i32
    %swap3A_266 = arith.index_cast %swap3A_265 : i32 to index
    %swap3A_267 = arith.constant 64 : index
    %swap3A_268 = tpu.vector_load %arg10[%swap3A_266, %swap3A_267] {strides = array<i32>} : memref<3x80xi32, #tpu.memory_space<vmem>>, vector<1x16xi32>,
    %swap3A_269 = vector.shape_cast %swap3A_268 : vector<1x16xi32> to vector<16xi32>
    %swap3A_270 = vector.shape_cast %shift_right_logical3A_264 : vector<16xi32> to vector<1x16xi32>
    tpu.vector_store %arg10[%swap3A_266, %swap3A_267], %swap3A_270 {strides = array<i32>} : memref<3x80xi32, #tpu.memory_space<vmem>>, vector<1x16xi32>,
    %dma_start3A_271 = arith.constant 1 : i32
    %dma_start3A_272 = arith.constant 0 : i32
    %dma_start3A_273 = tpu.memref_slice %arg9[%dma_start3A_271, %dma_start3A_272] : memref<3x80xi32, #tpu.memory_space<vmem>> -> memref<1x80xi32, #tpu.memory_space<vmem>>
    %dma_start3A_274 = tpu.memref_squeeze %dma_start3A_273 : memref<1x80xi32, #tpu.memory_space<vmem>> -> memref<80xi32, #tpu.memory_space<vmem>>
    %dma_start3A_275 = arith.constant 0 : i32
    %dma_start3A_276 = arith.constant 0 : i32
    %dma_start3A_277 = tpu.memref_slice %arg2[%dma_start3A_275, %dma_start3A_276] : memref<10000x128xf32, #tpu.memory_space<hbm>> -> memref<10000x128xf32, #tpu.memory_space<hbm>>
    tpu.enqueue_indirect_dma source(%dma_start3A_277 : memref<10000x128xf32, #tpu.memory_space<hbm>>) target(%arg12 : memref<80x128xf32, #tpu.memory_space<vmem>>) offsets(%dma_start3A_274 : memref<80xi32, #tpu.memory_space<vmem>>) semaphore(%arg18 : memref<!tpu.dma_semaphore, #tpu.memory_space<semaphore_mem>>)
    %scan3A = arith.constant 0 : i32
    %scan3A_278 = arith.constant 0 : i32
    %scan3A_279 = arith.constant 41 : i32
    %scan3A_280 = arith.addi %scan3A_278, %scan3A_279 : i32
    %scan3A_281 = arith.constant 1 : i32
    scf.for %scan3A_310 = %scan3A_278 to %scan3A_280 step %scan3A_281  : i32 {
      %mul3A_311 = arith.constant 3 : i32
      %mul3A_312 = arith.muli %mul3A_311, %scan3A_310 : i32
      %dma_wait3A_313 = arith.constant 0 : i32
      %dma_wait3A_314 = arith.constant 0 : i32
      %dma_wait3A_315 = tpu.memref_slice %arg9[%dma_wait3A_313, %dma_wait3A_314] : memref<3x80xi32, #tpu.memory_space<vmem>> -> memref<1x80xi32, #tpu.memory_space<vmem>>
      %dma_wait3A_316 = tpu.memref_squeeze %dma_wait3A_315 : memref<1x80xi32, #tpu.memory_space<vmem>> -> memref<80xi32, #tpu.memory_space<vmem>>
      %dma_wait3A_317 = arith.constant 0 : i32
      %dma_wait3A_318 = arith.constant 0 : i32
      %dma_wait3A_319 = tpu.memref_slice %arg2[%dma_wait3A_317, %dma_wait3A_318] : memref<10000x128xf32, #tpu.memory_space<hbm>> -> memref<10000x128xf32, #tpu.memory_space<hbm>>
      tpu.wait_indirect_dma semaphore(%arg17 : memref<!tpu.dma_semaphore, #tpu.memory_space<semaphore_mem>>) src(%dma_wait3A_319 : memref<10000x128xf32, #tpu.memory_space<hbm>>) dst(%arg11 : memref<80x128xf32, #tpu.memory_space<vmem>>)
      %add3A_320 = arith.constant 2 : i32
      %add3A_321 = arith.addi %mul3A_312, %add3A_320 : i32
      %get3A_322 = arith.index_cast %add3A_321 : i32 to index
      %get3A_323 = arith.constant 0 : index
      %get3A_324 = tpu.vector_load %arg8[%get3A_322, %get3A_323] {strides = array<i32>} : memref<125x80xi32, #tpu.memory_space<vmem>>, vector<1x16xi32>,
      %get3A_325 = vector.shape_cast %get3A_324 : vector<1x16xi32> to vector<16xi32>
      %and3A_326 = arith.constant 65535 : i32
      %and3A_327 = vector.broadcast %and3A_326 : i32 to vector<16xi32>
      %and3A_328 = arith.andi %get3A_325, %and3A_327 : vector<16xi32>
      %swap3A_329 = arith.constant 2 : i32
      %swap3A_330 = arith.index_cast %swap3A_329 : i32 to index
      %swap3A_331 = arith.constant 0 : index
      %swap3A_332 = tpu.vector_load %arg9[%swap3A_330, %swap3A_331] {strides = array<i32>} : memref<3x80xi32, #tpu.memory_space<vmem>>, vector<1x16xi32>,
      %swap3A_333 = vector.shape_cast %swap3A_332 : vector<1x16xi32> to vector<16xi32>
      %swap3A_334 = vector.shape_cast %and3A_328 : vector<16xi32> to vector<1x16xi32>
      tpu.vector_store %arg9[%swap3A_330, %swap3A_331], %swap3A_334 {strides = array<i32>} : memref<3x80xi32, #tpu.memory_space<vmem>>, vector<1x16xi32>,
      %shift_right_logical3A_335 = arith.constant 16 : i32
      %shift_right_logical3A_336 = vector.broadcast %shift_right_logical3A_335 : i32 to vector<16xi32>
      %shift_right_logical3A_337 = arith.shrui %get3A_325, %shift_right_logical3A_336 : vector<16xi32>
      %swap3A_338 = arith.constant 2 : i32
      %swap3A_339 = arith.index_cast %swap3A_338 : i32 to index
      %swap3A_340 = arith.constant 0 : index
      %swap3A_341 = tpu.vector_load %arg10[%swap3A_339, %swap3A_340] {strides = array<i32>} : memref<3x80xi32, #tpu.memory_space<vmem>>, vector<1x16xi32>,
      %swap3A_342 = vector.shape_cast %swap3A_341 : vector<1x16xi32> to vector<16xi32>
      %swap3A_343 = vector.shape_cast %shift_right_logical3A_337 : vector<16xi32> to vector<1x16xi32>
      tpu.vector_store %arg10[%swap3A_339, %swap3A_340], %swap3A_343 {strides = array<i32>} : memref<3x80xi32, #tpu.memory_space<vmem>>, vector<1x16xi32>,
      %get3A_344 = arith.index_cast %add3A_321 : i32 to index
      %get3A_345 = arith.constant 16 : index
      %get3A_346 = tpu.vector_load %arg8[%get3A_344, %get3A_345] {strides = array<i32>} : memref<125x80xi32, #tpu.memory_space<vmem>>, vector<1x16xi32>,
      %get3A_347 = vector.shape_cast %get3A_346 : vector<1x16xi32> to vector<16xi32>
      %and3A_348 = arith.constant 65535 : i32
      %and3A_349 = vector.broadcast %and3A_348 : i32 to vector<16xi32>
      %and3A_350 = arith.andi %get3A_347, %and3A_349 : vector<16xi32>
      %swap3A_351 = arith.constant 2 : i32
      %swap3A_352 = arith.index_cast %swap3A_351 : i32 to index
      %swap3A_353 = arith.constant 16 : index
      %swap3A_354 = tpu.vector_load %arg9[%swap3A_352, %swap3A_353] {strides = array<i32>} : memref<3x80xi32, #tpu.memory_space<vmem>>, vector<1x16xi32>,
      %swap3A_355 = vector.shape_cast %swap3A_354 : vector<1x16xi32> to vector<16xi32>
      %swap3A_356 = vector.shape_cast %and3A_350 : vector<16xi32> to vector<1x16xi32>
      tpu.vector_store %arg9[%swap3A_352, %swap3A_353], %swap3A_356 {strides = array<i32>} : memref<3x80xi32, #tpu.memory_space<vmem>>, vector<1x16xi32>,
      %shift_right_logical3A_357 = arith.constant 16 : i32
      %shift_right_logical3A_358 = vector.broadcast %shift_right_logical3A_357 : i32 to vector<16xi32>
      %shift_right_logical3A_359 = arith.shrui %get3A_347, %shift_right_logical3A_358 : vector<16xi32>
      %swap3A_360 = arith.constant 2 : i32
      %swap3A_361 = arith.index_cast %swap3A_360 : i32 to index
      %swap3A_362 = arith.constant 16 : index
      %swap3A_363 = tpu.vector_load %arg10[%swap3A_361, %swap3A_362] {strides = array<i32>} : memref<3x80xi32, #tpu.memory_space<vmem>>, vector<1x16xi32>,
      %swap3A_364 = vector.shape_cast %swap3A_363 : vector<1x16xi32> to vector<16xi32>
      %swap3A_365 = vector.shape_cast %shift_right_logical3A_359 : vector<16xi32> to vector<1x16xi32>
      tpu.vector_store %arg10[%swap3A_361, %swap3A_362], %swap3A_365 {strides = array<i32>} : memref<3x80xi32, #tpu.memory_space<vmem>>, vector<1x16xi32>,
      %get3A_366 = arith.index_cast %add3A_321 : i32 to index
      %get3A_367 = arith.constant 32 : index
      %get3A_368 = tpu.vector_load %arg8[%get3A_366, %get3A_367] {strides = array<i32>} : memref<125x80xi32, #tpu.memory_space<vmem>>, vector<1x16xi32>,
      %get3A_369 = vector.shape_cast %get3A_368 : vector<1x16xi32> to vector<16xi32>
      %and3A_370 = arith.constant 65535 : i32
      %and3A_371 = vector.broadcast %and3A_370 : i32 to vector<16xi32>
      %and3A_372 = arith.andi %get3A_369, %and3A_371 : vector<16xi32>
      %swap3A_373 = arith.constant 2 : i32
      %swap3A_374 = arith.index_cast %swap3A_373 : i32 to index
      %swap3A_375 = arith.constant 32 : index
      %swap3A_376 = tpu.vector_load %arg9[%swap3A_374, %swap3A_375] {strides = array<i32>} : memref<3x80xi32, #tpu.memory_space<vmem>>, vector<1x16xi32>,
      %swap3A_377 = vector.shape_cast %swap3A_376 : vector<1x16xi32> to vector<16xi32>
      %swap3A_378 = vector.shape_cast %and3A_372 : vector<16xi32> to vector<1x16xi32>
      tpu.vector_store %arg9[%swap3A_374, %swap3A_375], %swap3A_378 {strides = array<i32>} : memref<3x80xi32, #tpu.memory_space<vmem>>, vector<1x16xi32>,
      %shift_right_logical3A_379 = arith.constant 16 : i32
      %shift_right_logical3A_380 = vector.broadcast %shift_right_logical3A_379 : i32 to vector<16xi32>
      %shift_right_logical3A_381 = arith.shrui %get3A_369, %shift_right_logical3A_380 : vector<16xi32>
      %swap3A_382 = arith.constant 2 : i32
      %swap3A_383 = arith.index_cast %swap3A_382 : i32 to index
      %swap3A_384 = arith.constant 32 : index
      %swap3A_385 = tpu.vector_load %arg10[%swap3A_383, %swap3A_384] {strides = array<i32>} : memref<3x80xi32, #tpu.memory_space<vmem>>, vector<1x16xi32>,
      %swap3A_386 = vector.shape_cast %swap3A_385 : vector<1x16xi32> to vector<16xi32>
      %swap3A_387 = vector.shape_cast %shift_right_logical3A_381 : vector<16xi32> to vector<1x16xi32>
      tpu.vector_store %arg10[%swap3A_383, %swap3A_384], %swap3A_387 {strides = array<i32>} : memref<3x80xi32, #tpu.memory_space<vmem>>, vector<1x16xi32>,
      %get3A_388 = arith.index_cast %add3A_321 : i32 to index
      %get3A_389 = arith.constant 48 : index
      %get3A_390 = tpu.vector_load %arg8[%get3A_388, %get3A_389] {strides = array<i32>} : memref<125x80xi32, #tpu.memory_space<vmem>>, vector<1x16xi32>,
      %get3A_391 = vector.shape_cast %get3A_390 : vector<1x16xi32> to vector<16xi32>
      %and3A_392 = arith.constant 65535 : i32
      %and3A_393 = vector.broadcast %and3A_392 : i32 to vector<16xi32>
      %and3A_394 = arith.andi %get3A_391, %and3A_393 : vector<16xi32>
      %swap3A_395 = arith.constant 2 : i32
      %swap3A_396 = arith.index_cast %swap3A_395 : i32 to index
      %swap3A_397 = arith.constant 48 : index
      %swap3A_398 = tpu.vector_load %arg9[%swap3A_396, %swap3A_397] {strides = array<i32>} : memref<3x80xi32, #tpu.memory_space<vmem>>, vector<1x16xi32>,
      %swap3A_399 = vector.shape_cast %swap3A_398 : vector<1x16xi32> to vector<16xi32>
      %swap3A_400 = vector.shape_cast %and3A_394 : vector<16xi32> to vector<1x16xi32>
      tpu.vector_store %arg9[%swap3A_396, %swap3A_397], %swap3A_400 {strides = array<i32>} : memref<3x80xi32, #tpu.memory_space<vmem>>, vector<1x16xi32>,
      %shift_right_logical3A_401 = arith.constant 16 : i32
      %shift_right_logical3A_402 = vector.broadcast %shift_right_logical3A_401 : i32 to vector<16xi32>
      %shift_right_logical3A_403 = arith.shrui %get3A_391, %shift_right_logical3A_402 : vector<16xi32>
      %swap3A_404 = arith.constant 2 : i32
      %swap3A_405 = arith.index_cast %swap3A_404 : i32 to index
      %swap3A_406 = arith.constant 48 : index
      %swap3A_407 = tpu.vector_load %arg10[%swap3A_405, %swap3A_406] {strides = array<i32>} : memref<3x80xi32, #tpu.memory_space<vmem>>, vector<1x16xi32>,
      %swap3A_408 = vector.shape_cast %swap3A_407 : vector<1x16xi32> to vector<16xi32>
      %swap3A_409 = vector.shape_cast %shift_right_logical3A_403 : vector<16xi32> to vector<1x16xi32>
      tpu.vector_store %arg10[%swap3A_405, %swap3A_406], %swap3A_409 {strides = array<i32>} : memref<3x80xi32, #tpu.memory_space<vmem>>, vector<1x16xi32>,
      %get3A_410 = arith.index_cast %add3A_321 : i32 to index
      %get3A_411 = arith.constant 64 : index
      %get3A_412 = tpu.vector_load %arg8[%get3A_410, %get3A_411] {strides = array<i32>} : memref<125x80xi32, #tpu.memory_space<vmem>>, vector<1x16xi32>,
      %get3A_413 = vector.shape_cast %get3A_412 : vector<1x16xi32> to vector<16xi32>
      %and3A_414 = arith.constant 65535 : i32
      %and3A_415 = vector.broadcast %and3A_414 : i32 to vector<16xi32>
      %and3A_416 = arith.andi %get3A_413, %and3A_415 : vector<16xi32>
      %swap3A_417 = arith.constant 2 : i32
      %swap3A_418 = arith.index_cast %swap3A_417 : i32 to index
      %swap3A_419 = arith.constant 64 : index
      %swap3A_420 = tpu.vector_load %arg9[%swap3A_418, %swap3A_419] {strides = array<i32>} : memref<3x80xi32, #tpu.memory_space<vmem>>, vector<1x16xi32>,
      %swap3A_421 = vector.shape_cast %swap3A_420 : vector<1x16xi32> to vector<16xi32>
      %swap3A_422 = vector.shape_cast %and3A_416 : vector<16xi32> to vector<1x16xi32>
      tpu.vector_store %arg9[%swap3A_418, %swap3A_419], %swap3A_422 {strides = array<i32>} : memref<3x80xi32, #tpu.memory_space<vmem>>, vector<1x16xi32>,
      %shift_right_logical3A_423 = arith.constant 16 : i32
      %shift_right_logical3A_424 = vector.broadcast %shift_right_logical3A_423 : i32 to vector<16xi32>
      %shift_right_logical3A_425 = arith.shrui %get3A_413, %shift_right_logical3A_424 : vector<16xi32>
      %swap3A_426 = arith.constant 2 : i32
      %swap3A_427 = arith.index_cast %swap3A_426 : i32 to index
      %swap3A_428 = arith.constant 64 : index
      %swap3A_429 = tpu.vector_load %arg10[%swap3A_427, %swap3A_428] {strides = array<i32>} : memref<3x80xi32, #tpu.memory_space<vmem>>, vector<1x16xi32>,
      %swap3A_430 = vector.shape_cast %swap3A_429 : vector<1x16xi32> to vector<16xi32>
      %swap3A_431 = vector.shape_cast %shift_right_logical3A_425 : vector<16xi32> to vector<1x16xi32>
      tpu.vector_store %arg10[%swap3A_427, %swap3A_428], %swap3A_431 {strides = array<i32>} : memref<3x80xi32, #tpu.memory_space<vmem>>, vector<1x16xi32>,
      %dma_start3A_432 = arith.constant 2 : i32
      %dma_start3A_433 = arith.constant 0 : i32
      %dma_start3A_434 = tpu.memref_slice %arg9[%dma_start3A_432, %dma_start3A_433] : memref<3x80xi32, #tpu.memory_space<vmem>> -> memref<1x80xi32, #tpu.memory_space<vmem>>
      %dma_start3A_435 = tpu.memref_squeeze %dma_start3A_434 : memref<1x80xi32, #tpu.memory_space<vmem>> -> memref<80xi32, #tpu.memory_space<vmem>>
      %dma_start3A_436 = arith.constant 0 : i32
      %dma_start3A_437 = arith.constant 0 : i32
      %dma_start3A_438 = tpu.memref_slice %arg2[%dma_start3A_436, %dma_start3A_437] : memref<10000x128xf32, #tpu.memory_space<hbm>> -> memref<10000x128xf32, #tpu.memory_space<hbm>>
      tpu.enqueue_indirect_dma source(%dma_start3A_438 : memref<10000x128xf32, #tpu.memory_space<hbm>>) target(%arg13 : memref<80x128xf32, #tpu.memory_space<vmem>>) offsets(%dma_start3A_435 : memref<80xi32, #tpu.memory_space<vmem>>) semaphore(%arg19 : memref<!tpu.dma_semaphore, #tpu.memory_space<semaphore_mem>>)
      %run_scoped3A_439 = arith.constant 0 : i32
      "tpu.region"() ({
        %run_scoped3A_701 = tpu.sem_alloc : memref<!tpu.dma_semaphore, #tpu.memory_space<semaphore_mem>>
        %dma_start3A_702 = arith.constant 0 : i32
        %dma_start3A_703 = tpu.memref_slice %arg10[%run_scoped3A_439, %dma_start3A_702] : memref<3x80xi32, #tpu.memory_space<vmem>> -> memref<1x80xi32, #tpu.memory_space<vmem>>
        %dma_start3A_704 = tpu.memref_squeeze %dma_start3A_703 : memref<1x80xi32, #tpu.memory_space<vmem>> -> memref<80xi32, #tpu.memory_space<vmem>>
        %dma_start3A_705 = arith.constant 0 : i32
        %dma_start3A_706 = arith.constant 0 : i32
        %dma_start3A_707 = tpu.memref_slice %arg15[%dma_start3A_705, %dma_start3A_706] : memref<10000x128xf32, #tpu.memory_space<vmem_shared>> -> memref<10000x128xf32, #tpu.memory_space<vmem_shared>>
        tpu.enqueue_indirect_dma source(%arg11 : memref<80x128xf32, #tpu.memory_space<vmem>>) target(%dma_start3A_707 : memref<10000x128xf32, #tpu.memory_space<vmem_shared>>) offsets(%dma_start3A_704 : memref<80xi32, #tpu.memory_space<vmem>>) semaphore(%run_scoped3A_701 : memref<!tpu.dma_semaphore, #tpu.memory_space<semaphore_mem>>) {add = true}
        %dma_wait3A_708 = arith.constant 0 : i32
        %dma_wait3A_709 = tpu.memref_slice %arg10[%run_scoped3A_439, %dma_wait3A_708] : memref<3x80xi32, #tpu.memory_space<vmem>> -> memref<1x80xi32, #tpu.memory_space<vmem>>
        %dma_wait3A_710 = tpu.memref_squeeze %dma_wait3A_709 : memref<1x80xi32, #tpu.memory_space<vmem>> -> memref<80xi32, #tpu.memory_space<vmem>>
        %dma_wait3A_711 = arith.constant 0 : i32
        %dma_wait3A_712 = arith.constant 0 : i32
        %dma_wait3A_713 = tpu.memref_slice %arg15[%dma_wait3A_711, %dma_wait3A_712] : memref<10000x128xf32, #tpu.memory_space<vmem_shared>> -> memref<10000x128xf32, #tpu.memory_space<vmem_shared>>
        tpu.wait_indirect_dma semaphore(%run_scoped3A_701 : memref<!tpu.dma_semaphore, #tpu.memory_space<semaphore_mem>>) src(%arg11 : memref<80x128xf32, #tpu.memory_space<vmem>>) dst(%dma_wait3A_713 : memref<10000x128xf32, #tpu.memory_space<vmem_shared>>)
        tpu.yield
      }) : () -> ()
      %run_scoped3A_440 = arith.constant 0 : i32
      "tpu.region"() ({
        %run_scoped3A_701 = tpu.sem_alloc : memref<!tpu.dma_semaphore, #tpu.memory_space<semaphore_mem>>
        %dma_start3A_702 = arith.constant 0 : i32
        %dma_start3A_703 = tpu.memref_slice %arg10[%run_scoped3A_440, %dma_start3A_702] : memref<3x80xi32, #tpu.memory_space<vmem>> -> memref<1x80xi32, #tpu.memory_space<vmem>>
        %dma_start3A_704 = tpu.memref_squeeze %dma_start3A_703 : memref<1x80xi32, #tpu.memory_space<vmem>> -> memref<80xi32, #tpu.memory_space<vmem>>
        %dma_start3A_705 = arith.constant 0 : i32
        %dma_start3A_706 = tpu.memref_slice %arg16[%dma_start3A_705] : memref<10000xf32, #tpu.memory_space<vmem_shared>> -> memref<10000xf32, #tpu.memory_space<vmem_shared>>
        tpu.enqueue_indirect_dma source(%arg14 : memref<80xf32, #tpu.memory_space<vmem>>) target(%dma_start3A_706 : memref<10000xf32, #tpu.memory_space<vmem_shared>>) offsets(%dma_start3A_704 : memref<80xi32, #tpu.memory_space<vmem>>) semaphore(%run_scoped3A_701 : memref<!tpu.dma_semaphore, #tpu.memory_space<semaphore_mem>>) {add = true}
        %dma_wait3A_707 = arith.constant 0 : i32
        %dma_wait3A_708 = tpu.memref_slice %arg10[%run_scoped3A_440, %dma_wait3A_707] : memref<3x80xi32, #tpu.memory_space<vmem>> -> memref<1x80xi32, #tpu.memory_space<vmem>>
        %dma_wait3A_709 = tpu.memref_squeeze %dma_wait3A_708 : memref<1x80xi32, #tpu.memory_space<vmem>> -> memref<80xi32, #tpu.memory_space<vmem>>
        %dma_wait3A_710 = arith.constant 0 : i32
        %dma_wait3A_711 = tpu.memref_slice %arg16[%dma_wait3A_710] : memref<10000xf32, #tpu.memory_space<vmem_shared>> -> memref<10000xf32, #tpu.memory_space<vmem_shared>>
        tpu.wait_indirect_dma semaphore(%run_scoped3A_701 : memref<!tpu.dma_semaphore, #tpu.memory_space<semaphore_mem>>) src(%arg14 : memref<80xf32, #tpu.memory_space<vmem>>) dst(%dma_wait3A_711 : memref<10000xf32, #tpu.memory_space<vmem_shared>>)
        tpu.yield
      }) : () -> ()
      %add3A_441 = arith.constant 1 : i32
      %add3A_442 = arith.addi %mul3A_312, %add3A_441 : i32
      %dma_wait3A_443 = arith.constant 1 : i32
      %dma_wait3A_444 = arith.constant 0 : i32
      %dma_wait3A_445 = tpu.memref_slice %arg9[%dma_wait3A_443, %dma_wait3A_444] : memref<3x80xi32, #tpu.memory_space<vmem>> -> memref<1x80xi32, #tpu.memory_space<vmem>>
      %dma_wait3A_446 = tpu.memref_squeeze %dma_wait3A_445 : memref<1x80xi32, #tpu.memory_space<vmem>> -> memref<80xi32, #tpu.memory_space<vmem>>
      %dma_wait3A_447 = arith.constant 0 : i32
      %dma_wait3A_448 = arith.constant 0 : i32
      %dma_wait3A_449 = tpu.memref_slice %arg2[%dma_wait3A_447, %dma_wait3A_448] : memref<10000x128xf32, #tpu.memory_space<hbm>> -> memref<10000x128xf32, #tpu.memory_space<hbm>>
      tpu.wait_indirect_dma semaphore(%arg18 : memref<!tpu.dma_semaphore, #tpu.memory_space<semaphore_mem>>) src(%dma_wait3A_449 : memref<10000x128xf32, #tpu.memory_space<hbm>>) dst(%arg12 : memref<80x128xf32, #tpu.memory_space<vmem>>)
      %add3A_450 = arith.constant 2 : i32
      %add3A_451 = arith.addi %add3A_442, %add3A_450 : i32
      %get3A_452 = arith.index_cast %add3A_451 : i32 to index
      %get3A_453 = arith.constant 0 : index
      %get3A_454 = tpu.vector_load %arg8[%get3A_452, %get3A_453] {strides = array<i32>} : memref<125x80xi32, #tpu.memory_space<vmem>>, vector<1x16xi32>,
      %get3A_455 = vector.shape_cast %get3A_454 : vector<1x16xi32> to vector<16xi32>
      %and3A_456 = arith.constant 65535 : i32
      %and3A_457 = vector.broadcast %and3A_456 : i32 to vector<16xi32>
      %and3A_458 = arith.andi %get3A_455, %and3A_457 : vector<16xi32>
      %swap3A_459 = arith.constant 0 : i32
      %swap3A_460 = arith.index_cast %swap3A_459 : i32 to index
      %swap3A_461 = arith.constant 0 : index
      %swap3A_462 = tpu.vector_load %arg9[%swap3A_460, %swap3A_461] {strides = array<i32>} : memref<3x80xi32, #tpu.memory_space<vmem>>, vector<1x16xi32>,
      %swap3A_463 = vector.shape_cast %swap3A_462 : vector<1x16xi32> to vector<16xi32>
      %swap3A_464 = vector.shape_cast %and3A_458 : vector<16xi32> to vector<1x16xi32>
      tpu.vector_store %arg9[%swap3A_460, %swap3A_461], %swap3A_464 {strides = array<i32>} : memref<3x80xi32, #tpu.memory_space<vmem>>, vector<1x16xi32>,
      %shift_right_logical3A_465 = arith.constant 16 : i32
      %shift_right_logical3A_466 = vector.broadcast %shift_right_logical3A_465 : i32 to vector<16xi32>
      %shift_right_logical3A_467 = arith.shrui %get3A_455, %shift_right_logical3A_466 : vector<16xi32>
      %swap3A_468 = arith.constant 0 : i32
      %swap3A_469 = arith.index_cast %swap3A_468 : i32 to index
      %swap3A_470 = arith.constant 0 : index
      %swap3A_471 = tpu.vector_load %arg10[%swap3A_469, %swap3A_470] {strides = array<i32>} : memref<3x80xi32, #tpu.memory_space<vmem>>, vector<1x16xi32>,
      %swap3A_472 = vector.shape_cast %swap3A_471 : vector<1x16xi32> to vector<16xi32>
      %swap3A_473 = vector.shape_cast %shift_right_logical3A_467 : vector<16xi32> to vector<1x16xi32>
      tpu.vector_store %arg10[%swap3A_469, %swap3A_470], %swap3A_473 {strides = array<i32>} : memref<3x80xi32, #tpu.memory_space<vmem>>, vector<1x16xi32>,
      %get3A_474 = arith.index_cast %add3A_451 : i32 to index
      %get3A_475 = arith.constant 16 : index
      %get3A_476 = tpu.vector_load %arg8[%get3A_474, %get3A_475] {strides = array<i32>} : memref<125x80xi32, #tpu.memory_space<vmem>>, vector<1x16xi32>,
      %get3A_477 = vector.shape_cast %get3A_476 : vector<1x16xi32> to vector<16xi32>
      %and3A_478 = arith.constant 65535 : i32
      %and3A_479 = vector.broadcast %and3A_478 : i32 to vector<16xi32>
      %and3A_480 = arith.andi %get3A_477, %and3A_479 : vector<16xi32>
      %swap3A_481 = arith.constant 0 : i32
      %swap3A_482 = arith.index_cast %swap3A_481 : i32 to index
      %swap3A_483 = arith.constant 16 : index
      %swap3A_484 = tpu.vector_load %arg9[%swap3A_482, %swap3A_483] {strides = array<i32>} : memref<3x80xi32, #tpu.memory_space<vmem>>, vector<1x16xi32>,
      %swap3A_485 = vector.shape_cast %swap3A_484 : vector<1x16xi32> to vector<16xi32>
      %swap3A_486 = vector.shape_cast %and3A_480 : vector<16xi32> to vector<1x16xi32>
      tpu.vector_store %arg9[%swap3A_482, %swap3A_483], %swap3A_486 {strides = array<i32>} : memref<3x80xi32, #tpu.memory_space<vmem>>, vector<1x16xi32>,
      %shift_right_logical3A_487 = arith.constant 16 : i32
      %shift_right_logical3A_488 = vector.broadcast %shift_right_logical3A_487 : i32 to vector<16xi32>
      %shift_right_logical3A_489 = arith.shrui %get3A_477, %shift_right_logical3A_488 : vector<16xi32>
      %swap3A_490 = arith.constant 0 : i32
      %swap3A_491 = arith.index_cast %swap3A_490 : i32 to index
      %swap3A_492 = arith.constant 16 : index
      %swap3A_493 = tpu.vector_load %arg10[%swap3A_491, %swap3A_492] {strides = array<i32>} : memref<3x80xi32, #tpu.memory_space<vmem>>, vector<1x16xi32>,
      %swap3A_494 = vector.shape_cast %swap3A_493 : vector<1x16xi32> to vector<16xi32>
      %swap3A_495 = vector.shape_cast %shift_right_logical3A_489 : vector<16xi32> to vector<1x16xi32>
      tpu.vector_store %arg10[%swap3A_491, %swap3A_492], %swap3A_495 {strides = array<i32>} : memref<3x80xi32, #tpu.memory_space<vmem>>, vector<1x16xi32>,
      %get3A_496 = arith.index_cast %add3A_451 : i32 to index
      %get3A_497 = arith.constant 32 : index
      %get3A_498 = tpu.vector_load %arg8[%get3A_496, %get3A_497] {strides = array<i32>} : memref<125x80xi32, #tpu.memory_space<vmem>>, vector<1x16xi32>,
      %get3A_499 = vector.shape_cast %get3A_498 : vector<1x16xi32> to vector<16xi32>
      %and3A_500 = arith.constant 65535 : i32
      %and3A_501 = vector.broadcast %and3A_500 : i32 to vector<16xi32>
      %and3A_502 = arith.andi %get3A_499, %and3A_501 : vector<16xi32>
      %swap3A_503 = arith.constant 0 : i32
      %swap3A_504 = arith.index_cast %swap3A_503 : i32 to index
      %swap3A_505 = arith.constant 32 : index
      %swap3A_506 = tpu.vector_load %arg9[%swap3A_504, %swap3A_505] {strides = array<i32>} : memref<3x80xi32, #tpu.memory_space<vmem>>, vector<1x16xi32>,
      %swap3A_507 = vector.shape_cast %swap3A_506 : vector<1x16xi32> to vector<16xi32>
      %swap3A_508 = vector.shape_cast %and3A_502 : vector<16xi32> to vector<1x16xi32>
      tpu.vector_store %arg9[%swap3A_504, %swap3A_505], %swap3A_508 {strides = array<i32>} : memref<3x80xi32, #tpu.memory_space<vmem>>, vector<1x16xi32>,
      %shift_right_logical3A_509 = arith.constant 16 : i32
      %shift_right_logical3A_510 = vector.broadcast %shift_right_logical3A_509 : i32 to vector<16xi32>
      %shift_right_logical3A_511 = arith.shrui %get3A_499, %shift_right_logical3A_510 : vector<16xi32>
      %swap3A_512 = arith.constant 0 : i32
      %swap3A_513 = arith.index_cast %swap3A_512 : i32 to index
      %swap3A_514 = arith.constant 32 : index
      %swap3A_515 = tpu.vector_load %arg10[%swap3A_513, %swap3A_514] {strides = array<i32>} : memref<3x80xi32, #tpu.memory_space<vmem>>, vector<1x16xi32>,
      %swap3A_516 = vector.shape_cast %swap3A_515 : vector<1x16xi32> to vector<16xi32>
      %swap3A_517 = vector.shape_cast %shift_right_logical3A_511 : vector<16xi32> to vector<1x16xi32>
      tpu.vector_store %arg10[%swap3A_513, %swap3A_514], %swap3A_517 {strides = array<i32>} : memref<3x80xi32, #tpu.memory_space<vmem>>, vector<1x16xi32>,
      %get3A_518 = arith.index_cast %add3A_451 : i32 to index
      %get3A_519 = arith.constant 48 : index
      %get3A_520 = tpu.vector_load %arg8[%get3A_518, %get3A_519] {strides = array<i32>} : memref<125x80xi32, #tpu.memory_space<vmem>>, vector<1x16xi32>,
      %get3A_521 = vector.shape_cast %get3A_520 : vector<1x16xi32> to vector<16xi32>
      %and3A_522 = arith.constant 65535 : i32
      %and3A_523 = vector.broadcast %and3A_522 : i32 to vector<16xi32>
      %and3A_524 = arith.andi %get3A_521, %and3A_523 : vector<16xi32>
      %swap3A_525 = arith.constant 0 : i32
      %swap3A_526 = arith.index_cast %swap3A_525 : i32 to index
      %swap3A_527 = arith.constant 48 : index
      %swap3A_528 = tpu.vector_load %arg9[%swap3A_526, %swap3A_527] {strides = array<i32>} : memref<3x80xi32, #tpu.memory_space<vmem>>, vector<1x16xi32>,
      %swap3A_529 = vector.shape_cast %swap3A_528 : vector<1x16xi32> to vector<16xi32>
      %swap3A_530 = vector.shape_cast %and3A_524 : vector<16xi32> to vector<1x16xi32>
      tpu.vector_store %arg9[%swap3A_526, %swap3A_527], %swap3A_530 {strides = array<i32>} : memref<3x80xi32, #tpu.memory_space<vmem>>, vector<1x16xi32>,
      %shift_right_logical3A_531 = arith.constant 16 : i32
      %shift_right_logical3A_532 = vector.broadcast %shift_right_logical3A_531 : i32 to vector<16xi32>
      %shift_right_logical3A_533 = arith.shrui %get3A_521, %shift_right_logical3A_532 : vector<16xi32>
      %swap3A_534 = arith.constant 0 : i32
      %swap3A_535 = arith.index_cast %swap3A_534 : i32 to index
      %swap3A_536 = arith.constant 48 : index
      %swap3A_537 = tpu.vector_load %arg10[%swap3A_535, %swap3A_536] {strides = array<i32>} : memref<3x80xi32, #tpu.memory_space<vmem>>, vector<1x16xi32>,
      %swap3A_538 = vector.shape_cast %swap3A_537 : vector<1x16xi32> to vector<16xi32>
      %swap3A_539 = vector.shape_cast %shift_right_logical3A_533 : vector<16xi32> to vector<1x16xi32>
      tpu.vector_store %arg10[%swap3A_535, %swap3A_536], %swap3A_539 {strides = array<i32>} : memref<3x80xi32, #tpu.memory_space<vmem>>, vector<1x16xi32>,
      %get3A_540 = arith.index_cast %add3A_451 : i32 to index
      %get3A_541 = arith.constant 64 : index
      %get3A_542 = tpu.vector_load %arg8[%get3A_540, %get3A_541] {strides = array<i32>} : memref<125x80xi32, #tpu.memory_space<vmem>>, vector<1x16xi32>,
      %get3A_543 = vector.shape_cast %get3A_542 : vector<1x16xi32> to vector<16xi32>
      %and3A_544 = arith.constant 65535 : i32
      %and3A_545 = vector.broadcast %and3A_544 : i32 to vector<16xi32>
      %and3A_546 = arith.andi %get3A_543, %and3A_545 : vector<16xi32>
      %swap3A_547 = arith.constant 0 : i32
      %swap3A_548 = arith.index_cast %swap3A_547 : i32 to index
      %swap3A_549 = arith.constant 64 : index
      %swap3A_550 = tpu.vector_load %arg9[%swap3A_548, %swap3A_549] {strides = array<i32>} : memref<3x80xi32, #tpu.memory_space<vmem>>, vector<1x16xi32>,
      %swap3A_551 = vector.shape_cast %swap3A_550 : vector<1x16xi32> to vector<16xi32>
      %swap3A_552 = vector.shape_cast %and3A_546 : vector<16xi32> to vector<1x16xi32>
      tpu.vector_store %arg9[%swap3A_548, %swap3A_549], %swap3A_552 {strides = array<i32>} : memref<3x80xi32, #tpu.memory_space<vmem>>, vector<1x16xi32>,
      %shift_right_logical3A_553 = arith.constant 16 : i32
      %shift_right_logical3A_554 = vector.broadcast %shift_right_logical3A_553 : i32 to vector<16xi32>
      %shift_right_logical3A_555 = arith.shrui %get3A_543, %shift_right_logical3A_554 : vector<16xi32>
      %swap3A_556 = arith.constant 0 : i32
      %swap3A_557 = arith.index_cast %swap3A_556 : i32 to index
      %swap3A_558 = arith.constant 64 : index
      %swap3A_559 = tpu.vector_load %arg10[%swap3A_557, %swap3A_558] {strides = array<i32>} : memref<3x80xi32, #tpu.memory_space<vmem>>, vector<1x16xi32>,
      %swap3A_560 = vector.shape_cast %swap3A_559 : vector<1x16xi32> to vector<16xi32>
      %swap3A_561 = vector.shape_cast %shift_right_logical3A_555 : vector<16xi32> to vector<1x16xi32>
      tpu.vector_store %arg10[%swap3A_557, %swap3A_558], %swap3A_561 {strides = array<i32>} : memref<3x80xi32, #tpu.memory_space<vmem>>, vector<1x16xi32>,
      %dma_start3A_562 = arith.constant 0 : i32
      %dma_start3A_563 = arith.constant 0 : i32
      %dma_start3A_564 = tpu.memref_slice %arg9[%dma_start3A_562, %dma_start3A_563] : memref<3x80xi32, #tpu.memory_space<vmem>> -> memref<1x80xi32, #tpu.memory_space<vmem>>
      %dma_start3A_565 = tpu.memref_squeeze %dma_start3A_564 : memref<1x80xi32, #tpu.memory_space<vmem>> -> memref<80xi32, #tpu.memory_space<vmem>>
      %dma_start3A_566 = arith.constant 0 : i32
      %dma_start3A_567 = arith.constant 0 : i32
      %dma_start3A_568 = tpu.memref_slice %arg2[%dma_start3A_566, %dma_start3A_567] : memref<10000x128xf32, #tpu.memory_space<hbm>> -> memref<10000x128xf32, #tpu.memory_space<hbm>>
      tpu.enqueue_indirect_dma source(%dma_start3A_568 : memref<10000x128xf32, #tpu.memory_space<hbm>>) target(%arg11 : memref<80x128xf32, #tpu.memory_space<vmem>>) offsets(%dma_start3A_565 : memref<80xi32, #tpu.memory_space<vmem>>) semaphore(%arg17 : memref<!tpu.dma_semaphore, #tpu.memory_space<semaphore_mem>>)
      %run_scoped3A_569 = arith.constant 1 : i32
      "tpu.region"() ({
        %run_scoped3A_701 = tpu.sem_alloc : memref<!tpu.dma_semaphore, #tpu.memory_space<semaphore_mem>>
        %dma_start3A_702 = arith.constant 0 : i32
        %dma_start3A_703 = tpu.memref_slice %arg10[%run_scoped3A_569, %dma_start3A_702] : memref<3x80xi32, #tpu.memory_space<vmem>> -> memref<1x80xi32, #tpu.memory_space<vmem>>
        %dma_start3A_704 = tpu.memref_squeeze %dma_start3A_703 : memref<1x80xi32, #tpu.memory_space<vmem>> -> memref<80xi32, #tpu.memory_space<vmem>>
        %dma_start3A_705 = arith.constant 0 : i32
        %dma_start3A_706 = arith.constant 0 : i32
        %dma_start3A_707 = tpu.memref_slice %arg15[%dma_start3A_705, %dma_start3A_706] : memref<10000x128xf32, #tpu.memory_space<vmem_shared>> -> memref<10000x128xf32, #tpu.memory_space<vmem_shared>>
        tpu.enqueue_indirect_dma source(%arg12 : memref<80x128xf32, #tpu.memory_space<vmem>>) target(%dma_start3A_707 : memref<10000x128xf32, #tpu.memory_space<vmem_shared>>) offsets(%dma_start3A_704 : memref<80xi32, #tpu.memory_space<vmem>>) semaphore(%run_scoped3A_701 : memref<!tpu.dma_semaphore, #tpu.memory_space<semaphore_mem>>) {add = true}
        %dma_wait3A_708 = arith.constant 0 : i32
        %dma_wait3A_709 = tpu.memref_slice %arg10[%run_scoped3A_569, %dma_wait3A_708] : memref<3x80xi32, #tpu.memory_space<vmem>> -> memref<1x80xi32, #tpu.memory_space<vmem>>
        %dma_wait3A_710 = tpu.memref_squeeze %dma_wait3A_709 : memref<1x80xi32, #tpu.memory_space<vmem>> -> memref<80xi32, #tpu.memory_space<vmem>>
        %dma_wait3A_711 = arith.constant 0 : i32
        %dma_wait3A_712 = arith.constant 0 : i32
        %dma_wait3A_713 = tpu.memref_slice %arg15[%dma_wait3A_711, %dma_wait3A_712] : memref<10000x128xf32, #tpu.memory_space<vmem_shared>> -> memref<10000x128xf32, #tpu.memory_space<vmem_shared>>
        tpu.wait_indirect_dma semaphore(%run_scoped3A_701 : memref<!tpu.dma_semaphore, #tpu.memory_space<semaphore_mem>>) src(%arg12 : memref<80x128xf32, #tpu.memory_space<vmem>>) dst(%dma_wait3A_713 : memref<10000x128xf32, #tpu.memory_space<vmem_shared>>)
        tpu.yield
      }) : () -> ()
      %run_scoped3A_570 = arith.constant 1 : i32
      "tpu.region"() ({
        %run_scoped3A_701 = tpu.sem_alloc : memref<!tpu.dma_semaphore, #tpu.memory_space<semaphore_mem>>
        %dma_start3A_702 = arith.constant 0 : i32
        %dma_start3A_703 = tpu.memref_slice %arg10[%run_scoped3A_570, %dma_start3A_702] : memref<3x80xi32, #tpu.memory_space<vmem>> -> memref<1x80xi32, #tpu.memory_space<vmem>>
        %dma_start3A_704 = tpu.memref_squeeze %dma_start3A_703 : memref<1x80xi32, #tpu.memory_space<vmem>> -> memref<80xi32, #tpu.memory_space<vmem>>
        %dma_start3A_705 = arith.constant 0 : i32
        %dma_start3A_706 = tpu.memref_slice %arg16[%dma_start3A_705] : memref<10000xf32, #tpu.memory_space<vmem_shared>> -> memref<10000xf32, #tpu.memory_space<vmem_shared>>
        tpu.enqueue_indirect_dma source(%arg14 : memref<80xf32, #tpu.memory_space<vmem>>) target(%dma_start3A_706 : memref<10000xf32, #tpu.memory_space<vmem_shared>>) offsets(%dma_start3A_704 : memref<80xi32, #tpu.memory_space<vmem>>) semaphore(%run_scoped3A_701 : memref<!tpu.dma_semaphore, #tpu.memory_space<semaphore_mem>>) {add = true}
        %dma_wait3A_707 = arith.constant 0 : i32
        %dma_wait3A_708 = tpu.memref_slice %arg10[%run_scoped3A_570, %dma_wait3A_707] : memref<3x80xi32, #tpu.memory_space<vmem>> -> memref<1x80xi32, #tpu.memory_space<vmem>>
        %dma_wait3A_709 = tpu.memref_squeeze %dma_wait3A_708 : memref<1x80xi32, #tpu.memory_space<vmem>> -> memref<80xi32, #tpu.memory_space<vmem>>
        %dma_wait3A_710 = arith.constant 0 : i32
        %dma_wait3A_711 = tpu.memref_slice %arg16[%dma_wait3A_710] : memref<10000xf32, #tpu.memory_space<vmem_shared>> -> memref<10000xf32, #tpu.memory_space<vmem_shared>>
        tpu.wait_indirect_dma semaphore(%run_scoped3A_701 : memref<!tpu.dma_semaphore, #tpu.memory_space<semaphore_mem>>) src(%arg14 : memref<80xf32, #tpu.memory_space<vmem>>) dst(%dma_wait3A_711 : memref<10000xf32, #tpu.memory_space<vmem_shared>>)
        tpu.yield
      }) : () -> ()
      %add3A_571 = arith.constant 2 : i32
      %add3A_572 = arith.addi %mul3A_312, %add3A_571 : i32
      %dma_wait3A_573 = arith.constant 2 : i32
      %dma_wait3A_574 = arith.constant 0 : i32
      %dma_wait3A_575 = tpu.memref_slice %arg9[%dma_wait3A_573, %dma_wait3A_574] : memref<3x80xi32, #tpu.memory_space<vmem>> -> memref<1x80xi32, #tpu.memory_space<vmem>>
      %dma_wait3A_576 = tpu.memref_squeeze %dma_wait3A_575 : memref<1x80xi32, #tpu.memory_space<vmem>> -> memref<80xi32, #tpu.memory_space<vmem>>
      %dma_wait3A_577 = arith.constant 0 : i32
      %dma_wait3A_578 = arith.constant 0 : i32
      %dma_wait3A_579 = tpu.memref_slice %arg2[%dma_wait3A_577, %dma_wait3A_578] : memref<10000x128xf32, #tpu.memory_space<hbm>> -> memref<10000x128xf32, #tpu.memory_space<hbm>>
      tpu.wait_indirect_dma semaphore(%arg19 : memref<!tpu.dma_semaphore, #tpu.memory_space<semaphore_mem>>) src(%dma_wait3A_579 : memref<10000x128xf32, #tpu.memory_space<hbm>>) dst(%arg13 : memref<80x128xf32, #tpu.memory_space<vmem>>)
      %add3A_580 = arith.constant 2 : i32
      %add3A_581 = arith.addi %add3A_572, %add3A_580 : i32
      %get3A_582 = arith.index_cast %add3A_581 : i32 to index
      %get3A_583 = arith.constant 0 : index
      %get3A_584 = tpu.vector_load %arg8[%get3A_582, %get3A_583] {strides = array<i32>} : memref<125x80xi32, #tpu.memory_space<vmem>>, vector<1x16xi32>,
      %get3A_585 = vector.shape_cast %get3A_584 : vector<1x16xi32> to vector<16xi32>
      %and3A_586 = arith.constant 65535 : i32
      %and3A_587 = vector.broadcast %and3A_586 : i32 to vector<16xi32>
      %and3A_588 = arith.andi %get3A_585, %and3A_587 : vector<16xi32>
      %swap3A_589 = arith.constant 1 : i32
      %swap3A_590 = arith.index_cast %swap3A_589 : i32 to index
      %swap3A_591 = arith.constant 0 : index
      %swap3A_592 = tpu.vector_load %arg9[%swap3A_590, %swap3A_591] {strides = array<i32>} : memref<3x80xi32, #tpu.memory_space<vmem>>, vector<1x16xi32>,
      %swap3A_593 = vector.shape_cast %swap3A_592 : vector<1x16xi32> to vector<16xi32>
      %swap3A_594 = vector.shape_cast %and3A_588 : vector<16xi32> to vector<1x16xi32>
      tpu.vector_store %arg9[%swap3A_590, %swap3A_591], %swap3A_594 {strides = array<i32>} : memref<3x80xi32, #tpu.memory_space<vmem>>, vector<1x16xi32>,
      %shift_right_logical3A_595 = arith.constant 16 : i32
      %shift_right_logical3A_596 = vector.broadcast %shift_right_logical3A_595 : i32 to vector<16xi32>
      %shift_right_logical3A_597 = arith.shrui %get3A_585, %shift_right_logical3A_596 : vector<16xi32>
      %swap3A_598 = arith.constant 1 : i32
      %swap3A_599 = arith.index_cast %swap3A_598 : i32 to index
      %swap3A_600 = arith.constant 0 : index
      %swap3A_601 = tpu.vector_load %arg10[%swap3A_599, %swap3A_600] {strides = array<i32>} : memref<3x80xi32, #tpu.memory_space<vmem>>, vector<1x16xi32>,
      %swap3A_602 = vector.shape_cast %swap3A_601 : vector<1x16xi32> to vector<16xi32>
      %swap3A_603 = vector.shape_cast %shift_right_logical3A_597 : vector<16xi32> to vector<1x16xi32>
      tpu.vector_store %arg10[%swap3A_599, %swap3A_600], %swap3A_603 {strides = array<i32>} : memref<3x80xi32, #tpu.memory_space<vmem>>, vector<1x16xi32>,
      %get3A_604 = arith.index_cast %add3A_581 : i32 to index
      %get3A_605 = arith.constant 16 : index
      %get3A_606 = tpu.vector_load %arg8[%get3A_604, %get3A_605] {strides = array<i32>} : memref<125x80xi32, #tpu.memory_space<vmem>>, vector<1x16xi32>,
      %get3A_607 = vector.shape_cast %get3A_606 : vector<1x16xi32> to vector<16xi32>
      %and3A_608 = arith.constant 65535 : i32
      %and3A_609 = vector.broadcast %and3A_608 : i32 to vector<16xi32>
      %and3A_610 = arith.andi %get3A_607, %and3A_609 : vector<16xi32>
      %swap3A_611 = arith.constant 1 : i32
      %swap3A_612 = arith.index_cast %swap3A_611 : i32 to index
      %swap3A_613 = arith.constant 16 : index
      %swap3A_614 = tpu.vector_load %arg9[%swap3A_612, %swap3A_613] {strides = array<i32>} : memref<3x80xi32, #tpu.memory_space<vmem>>, vector<1x16xi32>,
      %swap3A_615 = vector.shape_cast %swap3A_614 : vector<1x16xi32> to vector<16xi32>
      %swap3A_616 = vector.shape_cast %and3A_610 : vector<16xi32> to vector<1x16xi32>
      tpu.vector_store %arg9[%swap3A_612, %swap3A_613], %swap3A_616 {strides = array<i32>} : memref<3x80xi32, #tpu.memory_space<vmem>>, vector<1x16xi32>,
      %shift_right_logical3A_617 = arith.constant 16 : i32
      %shift_right_logical3A_618 = vector.broadcast %shift_right_logical3A_617 : i32 to vector<16xi32>
      %shift_right_logical3A_619 = arith.shrui %get3A_607, %shift_right_logical3A_618 : vector<16xi32>
      %swap3A_620 = arith.constant 1 : i32
      %swap3A_621 = arith.index_cast %swap3A_620 : i32 to index
      %swap3A_622 = arith.constant 16 : index
      %swap3A_623 = tpu.vector_load %arg10[%swap3A_621, %swap3A_622] {strides = array<i32>} : memref<3x80xi32, #tpu.memory_space<vmem>>, vector<1x16xi32>,
      %swap3A_624 = vector.shape_cast %swap3A_623 : vector<1x16xi32> to vector<16xi32>
      %swap3A_625 = vector.shape_cast %shift_right_logical3A_619 : vector<16xi32> to vector<1x16xi32>
      tpu.vector_store %arg10[%swap3A_621, %swap3A_622], %swap3A_625 {strides = array<i32>} : memref<3x80xi32, #tpu.memory_space<vmem>>, vector<1x16xi32>,
      %get3A_626 = arith.index_cast %add3A_581 : i32 to index
      %get3A_627 = arith.constant 32 : index
      %get3A_628 = tpu.vector_load %arg8[%get3A_626, %get3A_627] {strides = array<i32>} : memref<125x80xi32, #tpu.memory_space<vmem>>, vector<1x16xi32>,
      %get3A_629 = vector.shape_cast %get3A_628 : vector<1x16xi32> to vector<16xi32>
      %and3A_630 = arith.constant 65535 : i32
      %and3A_631 = vector.broadcast %and3A_630 : i32 to vector<16xi32>
      %and3A_632 = arith.andi %get3A_629, %and3A_631 : vector<16xi32>
      %swap3A_633 = arith.constant 1 : i32
      %swap3A_634 = arith.index_cast %swap3A_633 : i32 to index
      %swap3A_635 = arith.constant 32 : index
      %swap3A_636 = tpu.vector_load %arg9[%swap3A_634, %swap3A_635] {strides = array<i32>} : memref<3x80xi32, #tpu.memory_space<vmem>>, vector<1x16xi32>,
      %swap3A_637 = vector.shape_cast %swap3A_636 : vector<1x16xi32> to vector<16xi32>
      %swap3A_638 = vector.shape_cast %and3A_632 : vector<16xi32> to vector<1x16xi32>
      tpu.vector_store %arg9[%swap3A_634, %swap3A_635], %swap3A_638 {strides = array<i32>} : memref<3x80xi32, #tpu.memory_space<vmem>>, vector<1x16xi32>,
      %shift_right_logical3A_639 = arith.constant 16 : i32
      %shift_right_logical3A_640 = vector.broadcast %shift_right_logical3A_639 : i32 to vector<16xi32>
      %shift_right_logical3A_641 = arith.shrui %get3A_629, %shift_right_logical3A_640 : vector<16xi32>
      %swap3A_642 = arith.constant 1 : i32
      %swap3A_643 = arith.index_cast %swap3A_642 : i32 to index
      %swap3A_644 = arith.constant 32 : index
      %swap3A_645 = tpu.vector_load %arg10[%swap3A_643, %swap3A_644] {strides = array<i32>} : memref<3x80xi32, #tpu.memory_space<vmem>>, vector<1x16xi32>,
      %swap3A_646 = vector.shape_cast %swap3A_645 : vector<1x16xi32> to vector<16xi32>
      %swap3A_647 = vector.shape_cast %shift_right_logical3A_641 : vector<16xi32> to vector<1x16xi32>
      tpu.vector_store %arg10[%swap3A_643, %swap3A_644], %swap3A_647 {strides = array<i32>} : memref<3x80xi32, #tpu.memory_space<vmem>>, vector<1x16xi32>,
      %get3A_648 = arith.index_cast %add3A_581 : i32 to index
      %get3A_649 = arith.constant 48 : index
      %get3A_650 = tpu.vector_load %arg8[%get3A_648, %get3A_649] {strides = array<i32>} : memref<125x80xi32, #tpu.memory_space<vmem>>, vector<1x16xi32>,
      %get3A_651 = vector.shape_cast %get3A_650 : vector<1x16xi32> to vector<16xi32>
      %and3A_652 = arith.constant 65535 : i32
      %and3A_653 = vector.broadcast %and3A_652 : i32 to vector<16xi32>
      %and3A_654 = arith.andi %get3A_651, %and3A_653 : vector<16xi32>
      %swap3A_655 = arith.constant 1 : i32
      %swap3A_656 = arith.index_cast %swap3A_655 : i32 to index
      %swap3A_657 = arith.constant 48 : index
      %swap3A_658 = tpu.vector_load %arg9[%swap3A_656, %swap3A_657] {strides = array<i32>} : memref<3x80xi32, #tpu.memory_space<vmem>>, vector<1x16xi32>,
      %swap3A_659 = vector.shape_cast %swap3A_658 : vector<1x16xi32> to vector<16xi32>
      %swap3A_660 = vector.shape_cast %and3A_654 : vector<16xi32> to vector<1x16xi32>
      tpu.vector_store %arg9[%swap3A_656, %swap3A_657], %swap3A_660 {strides = array<i32>} : memref<3x80xi32, #tpu.memory_space<vmem>>, vector<1x16xi32>,
      %shift_right_logical3A_661 = arith.constant 16 : i32
      %shift_right_logical3A_662 = vector.broadcast %shift_right_logical3A_661 : i32 to vector<16xi32>
      %shift_right_logical3A_663 = arith.shrui %get3A_651, %shift_right_logical3A_662 : vector<16xi32>
      %swap3A_664 = arith.constant 1 : i32
      %swap3A_665 = arith.index_cast %swap3A_664 : i32 to index
      %swap3A_666 = arith.constant 48 : index
      %swap3A_667 = tpu.vector_load %arg10[%swap3A_665, %swap3A_666] {strides = array<i32>} : memref<3x80xi32, #tpu.memory_space<vmem>>, vector<1x16xi32>,
      %swap3A_668 = vector.shape_cast %swap3A_667 : vector<1x16xi32> to vector<16xi32>
      %swap3A_669 = vector.shape_cast %shift_right_logical3A_663 : vector<16xi32> to vector<1x16xi32>
      tpu.vector_store %arg10[%swap3A_665, %swap3A_666], %swap3A_669 {strides = array<i32>} : memref<3x80xi32, #tpu.memory_space<vmem>>, vector<1x16xi32>,
      %get3A_670 = arith.index_cast %add3A_581 : i32 to index
      %get3A_671 = arith.constant 64 : index
      %get3A_672 = tpu.vector_load %arg8[%get3A_670, %get3A_671] {strides = array<i32>} : memref<125x80xi32, #tpu.memory_space<vmem>>, vector<1x16xi32>,
      %get3A_673 = vector.shape_cast %get3A_672 : vector<1x16xi32> to vector<16xi32>
      %and3A_674 = arith.constant 65535 : i32
      %and3A_675 = vector.broadcast %and3A_674 : i32 to vector<16xi32>
      %and3A_676 = arith.andi %get3A_673, %and3A_675 : vector<16xi32>
      %swap3A_677 = arith.constant 1 : i32
      %swap3A_678 = arith.index_cast %swap3A_677 : i32 to index
      %swap3A_679 = arith.constant 64 : index
      %swap3A_680 = tpu.vector_load %arg9[%swap3A_678, %swap3A_679] {strides = array<i32>} : memref<3x80xi32, #tpu.memory_space<vmem>>, vector<1x16xi32>,
      %swap3A_681 = vector.shape_cast %swap3A_680 : vector<1x16xi32> to vector<16xi32>
      %swap3A_682 = vector.shape_cast %and3A_676 : vector<16xi32> to vector<1x16xi32>
      tpu.vector_store %arg9[%swap3A_678, %swap3A_679], %swap3A_682 {strides = array<i32>} : memref<3x80xi32, #tpu.memory_space<vmem>>, vector<1x16xi32>,
      %shift_right_logical3A_683 = arith.constant 16 : i32
      %shift_right_logical3A_684 = vector.broadcast %shift_right_logical3A_683 : i32 to vector<16xi32>
      %shift_right_logical3A_685 = arith.shrui %get3A_673, %shift_right_logical3A_684 : vector<16xi32>
      %swap3A_686 = arith.constant 1 : i32
      %swap3A_687 = arith.index_cast %swap3A_686 : i32 to index
      %swap3A_688 = arith.constant 64 : index
      %swap3A_689 = tpu.vector_load %arg10[%swap3A_687, %swap3A_688] {strides = array<i32>} : memref<3x80xi32, #tpu.memory_space<vmem>>, vector<1x16xi32>,
      %swap3A_690 = vector.shape_cast %swap3A_689 : vector<1x16xi32> to vector<16xi32>
      %swap3A_691 = vector.shape_cast %shift_right_logical3A_685 : vector<16xi32> to vector<1x16xi32>
      tpu.vector_store %arg10[%swap3A_687, %swap3A_688], %swap3A_691 {strides = array<i32>} : memref<3x80xi32, #tpu.memory_space<vmem>>, vector<1x16xi32>,
      %dma_start3A_692 = arith.constant 1 : i32
      %dma_start3A_693 = arith.constant 0 : i32
      %dma_start3A_694 = tpu.memref_slice %arg9[%dma_start3A_692, %dma_start3A_693] : memref<3x80xi32, #tpu.memory_space<vmem>> -> memref<1x80xi32, #tpu.memory_space<vmem>>
      %dma_start3A_695 = tpu.memref_squeeze %dma_start3A_694 : memref<1x80xi32, #tpu.memory_space<vmem>> -> memref<80xi32, #tpu.memory_space<vmem>>
      %dma_start3A_696 = arith.constant 0 : i32
      %dma_start3A_697 = arith.constant 0 : i32
      %dma_start3A_698 = tpu.memref_slice %arg2[%dma_start3A_696, %dma_start3A_697] : memref<10000x128xf32, #tpu.memory_space<hbm>> -> memref<10000x128xf32, #tpu.memory_space<hbm>>
      tpu.enqueue_indirect_dma source(%dma_start3A_698 : memref<10000x128xf32, #tpu.memory_space<hbm>>) target(%arg12 : memref<80x128xf32, #tpu.memory_space<vmem>>) offsets(%dma_start3A_695 : memref<80xi32, #tpu.memory_space<vmem>>) semaphore(%arg18 : memref<!tpu.dma_semaphore, #tpu.memory_space<semaphore_mem>>)
      %run_scoped3A_699 = arith.constant 2 : i32
      "tpu.region"() ({
        %run_scoped3A_701 = tpu.sem_alloc : memref<!tpu.dma_semaphore, #tpu.memory_space<semaphore_mem>>
        %dma_start3A_702 = arith.constant 0 : i32
        %dma_start3A_703 = tpu.memref_slice %arg10[%run_scoped3A_699, %dma_start3A_702] : memref<3x80xi32, #tpu.memory_space<vmem>> -> memref<1x80xi32, #tpu.memory_space<vmem>>
        %dma_start3A_704 = tpu.memref_squeeze %dma_start3A_703 : memref<1x80xi32, #tpu.memory_space<vmem>> -> memref<80xi32, #tpu.memory_space<vmem>>
        %dma_start3A_705 = arith.constant 0 : i32
        %dma_start3A_706 = arith.constant 0 : i32
        %dma_start3A_707 = tpu.memref_slice %arg15[%dma_start3A_705, %dma_start3A_706] : memref<10000x128xf32, #tpu.memory_space<vmem_shared>> -> memref<10000x128xf32, #tpu.memory_space<vmem_shared>>
        tpu.enqueue_indirect_dma source(%arg13 : memref<80x128xf32, #tpu.memory_space<vmem>>) target(%dma_start3A_707 : memref<10000x128xf32, #tpu.memory_space<vmem_shared>>) offsets(%dma_start3A_704 : memref<80xi32, #tpu.memory_space<vmem>>) semaphore(%run_scoped3A_701 : memref<!tpu.dma_semaphore, #tpu.memory_space<semaphore_mem>>) {add = true}
        %dma_wait3A_708 = arith.constant 0 : i32
        %dma_wait3A_709 = tpu.memref_slice %arg10[%run_scoped3A_699, %dma_wait3A_708] : memref<3x80xi32, #tpu.memory_space<vmem>> -> memref<1x80xi32, #tpu.memory_space<vmem>>
        %dma_wait3A_710 = tpu.memref_squeeze %dma_wait3A_709 : memref<1x80xi32, #tpu.memory_space<vmem>> -> memref<80xi32, #tpu.memory_space<vmem>>
        %dma_wait3A_711 = arith.constant 0 : i32
        %dma_wait3A_712 = arith.constant 0 : i32
        %dma_wait3A_713 = tpu.memref_slice %arg15[%dma_wait3A_711, %dma_wait3A_712] : memref<10000x128xf32, #tpu.memory_space<vmem_shared>> -> memref<10000x128xf32, #tpu.memory_space<vmem_shared>>
        tpu.wait_indirect_dma semaphore(%run_scoped3A_701 : memref<!tpu.dma_semaphore, #tpu.memory_space<semaphore_mem>>) src(%arg13 : memref<80x128xf32, #tpu.memory_space<vmem>>) dst(%dma_wait3A_713 : memref<10000x128xf32, #tpu.memory_space<vmem_shared>>)
        tpu.yield
      }) : () -> ()
      %run_scoped3A_700 = arith.constant 2 : i32
      "tpu.region"() ({
        %run_scoped3A_701 = tpu.sem_alloc : memref<!tpu.dma_semaphore, #tpu.memory_space<semaphore_mem>>
        %dma_start3A_702 = arith.constant 0 : i32
        %dma_start3A_703 = tpu.memref_slice %arg10[%run_scoped3A_700, %dma_start3A_702] : memref<3x80xi32, #tpu.memory_space<vmem>> -> memref<1x80xi32, #tpu.memory_space<vmem>>
        %dma_start3A_704 = tpu.memref_squeeze %dma_start3A_703 : memref<1x80xi32, #tpu.memory_space<vmem>> -> memref<80xi32, #tpu.memory_space<vmem>>
        %dma_start3A_705 = arith.constant 0 : i32
        %dma_start3A_706 = tpu.memref_slice %arg16[%dma_start3A_705] : memref<10000xf32, #tpu.memory_space<vmem_shared>> -> memref<10000xf32, #tpu.memory_space<vmem_shared>>
        tpu.enqueue_indirect_dma source(%arg14 : memref<80xf32, #tpu.memory_space<vmem>>) target(%dma_start3A_706 : memref<10000xf32, #tpu.memory_space<vmem_shared>>) offsets(%dma_start3A_704 : memref<80xi32, #tpu.memory_space<vmem>>) semaphore(%run_scoped3A_701 : memref<!tpu.dma_semaphore, #tpu.memory_space<semaphore_mem>>) {add = true}
        %dma_wait3A_707 = arith.constant 0 : i32
        %dma_wait3A_708 = tpu.memref_slice %arg10[%run_scoped3A_700, %dma_wait3A_707] : memref<3x80xi32, #tpu.memory_space<vmem>> -> memref<1x80xi32, #tpu.memory_space<vmem>>
        %dma_wait3A_709 = tpu.memref_squeeze %dma_wait3A_708 : memref<1x80xi32, #tpu.memory_space<vmem>> -> memref<80xi32, #tpu.memory_space<vmem>>
        %dma_wait3A_710 = arith.constant 0 : i32
        %dma_wait3A_711 = tpu.memref_slice %arg16[%dma_wait3A_710] : memref<10000xf32, #tpu.memory_space<vmem_shared>> -> memref<10000xf32, #tpu.memory_space<vmem_shared>>
        tpu.wait_indirect_dma semaphore(%run_scoped3A_701 : memref<!tpu.dma_semaphore, #tpu.memory_space<semaphore_mem>>) src(%arg14 : memref<80xf32, #tpu.memory_space<vmem>>) dst(%dma_wait3A_711 : memref<10000xf32, #tpu.memory_space<vmem_shared>>)
        tpu.yield
      }) : () -> ()
    }
    %scan3A_282 = arith.constant 41 : i32
    %dma_wait3A = arith.constant 0 : i32
    %dma_wait3A_283 = arith.constant 0 : i32
    %dma_wait3A_284 = tpu.memref_slice %arg9[%dma_wait3A, %dma_wait3A_283] : memref<3x80xi32, #tpu.memory_space<vmem>> -> memref<1x80xi32, #tpu.memory_space<vmem>>
    %dma_wait3A_285 = tpu.memref_squeeze %dma_wait3A_284 : memref<1x80xi32, #tpu.memory_space<vmem>> -> memref<80xi32, #tpu.memory_space<vmem>>
    %dma_wait3A_286 = arith.constant 0 : i32
    %dma_wait3A_287 = arith.constant 0 : i32
    %dma_wait3A_288 = tpu.memref_slice %arg2[%dma_wait3A_286, %dma_wait3A_287] : memref<10000x128xf32, #tpu.memory_space<hbm>> -> memref<10000x128xf32, #tpu.memory_space<hbm>>
    tpu.wait_indirect_dma semaphore(%arg17 : memref<!tpu.dma_semaphore, #tpu.memory_space<semaphore_mem>>) src(%dma_wait3A_288 : memref<10000x128xf32, #tpu.memory_space<hbm>>) dst(%arg11 : memref<80x128xf32, #tpu.memory_space<vmem>>)
    %run_scoped3A = arith.constant 0 : i32
    "tpu.region"() ({
      %run_scoped3A_310 = tpu.sem_alloc : memref<!tpu.dma_semaphore, #tpu.memory_space<semaphore_mem>>
      %dma_start3A_311 = arith.constant 0 : i32
      %dma_start3A_312 = tpu.memref_slice %arg10[%run_scoped3A, %dma_start3A_311] : memref<3x80xi32, #tpu.memory_space<vmem>> -> memref<1x80xi32, #tpu.memory_space<vmem>>
      %dma_start3A_313 = tpu.memref_squeeze %dma_start3A_312 : memref<1x80xi32, #tpu.memory_space<vmem>> -> memref<80xi32, #tpu.memory_space<vmem>>
      %dma_start3A_314 = arith.constant 0 : i32
      %dma_start3A_315 = arith.constant 0 : i32
      %dma_start3A_316 = tpu.memref_slice %arg15[%dma_start3A_314, %dma_start3A_315] : memref<10000x128xf32, #tpu.memory_space<vmem_shared>> -> memref<10000x128xf32, #tpu.memory_space<vmem_shared>>
      tpu.enqueue_indirect_dma source(%arg11 : memref<80x128xf32, #tpu.memory_space<vmem>>) target(%dma_start3A_316 : memref<10000x128xf32, #tpu.memory_space<vmem_shared>>) offsets(%dma_start3A_313 : memref<80xi32, #tpu.memory_space<vmem>>) semaphore(%run_scoped3A_310 : memref<!tpu.dma_semaphore, #tpu.memory_space<semaphore_mem>>) {add = true}
      %dma_wait3A_317 = arith.constant 0 : i32
      %dma_wait3A_318 = tpu.memref_slice %arg10[%run_scoped3A, %dma_wait3A_317] : memref<3x80xi32, #tpu.memory_space<vmem>> -> memref<1x80xi32, #tpu.memory_space<vmem>>
      %dma_wait3A_319 = tpu.memref_squeeze %dma_wait3A_318 : memref<1x80xi32, #tpu.memory_space<vmem>> -> memref<80xi32, #tpu.memory_space<vmem>>
      %dma_wait3A_320 = arith.constant 0 : i32
      %dma_wait3A_321 = arith.constant 0 : i32
      %dma_wait3A_322 = tpu.memref_slice %arg15[%dma_wait3A_320, %dma_wait3A_321] : memref<10000x128xf32, #tpu.memory_space<vmem_shared>> -> memref<10000x128xf32, #tpu.memory_space<vmem_shared>>
      tpu.wait_indirect_dma semaphore(%run_scoped3A_310 : memref<!tpu.dma_semaphore, #tpu.memory_space<semaphore_mem>>) src(%arg11 : memref<80x128xf32, #tpu.memory_space<vmem>>) dst(%dma_wait3A_322 : memref<10000x128xf32, #tpu.memory_space<vmem_shared>>)
      tpu.yield
    }) : () -> ()
    %run_scoped3A_289 = arith.constant 0 : i32
    "tpu.region"() ({
      %run_scoped3A_310 = tpu.sem_alloc : memref<!tpu.dma_semaphore, #tpu.memory_space<semaphore_mem>>
      %dma_start3A_311 = arith.constant 0 : i32
      %dma_start3A_312 = tpu.memref_slice %arg10[%run_scoped3A_289, %dma_start3A_311] : memref<3x80xi32, #tpu.memory_space<vmem>> -> memref<1x80xi32, #tpu.memory_space<vmem>>
      %dma_start3A_313 = tpu.memref_squeeze %dma_start3A_312 : memref<1x80xi32, #tpu.memory_space<vmem>> -> memref<80xi32, #tpu.memory_space<vmem>>
      %dma_start3A_314 = arith.constant 0 : i32
      %dma_start3A_315 = tpu.memref_slice %arg16[%dma_start3A_314] : memref<10000xf32, #tpu.memory_space<vmem_shared>> -> memref<10000xf32, #tpu.memory_space<vmem_shared>>
      tpu.enqueue_indirect_dma source(%arg14 : memref<80xf32, #tpu.memory_space<vmem>>) target(%dma_start3A_315 : memref<10000xf32, #tpu.memory_space<vmem_shared>>) offsets(%dma_start3A_313 : memref<80xi32, #tpu.memory_space<vmem>>) semaphore(%run_scoped3A_310 : memref<!tpu.dma_semaphore, #tpu.memory_space<semaphore_mem>>) {add = true}
      %dma_wait3A_316 = arith.constant 0 : i32
      %dma_wait3A_317 = tpu.memref_slice %arg10[%run_scoped3A_289, %dma_wait3A_316] : memref<3x80xi32, #tpu.memory_space<vmem>> -> memref<1x80xi32, #tpu.memory_space<vmem>>
      %dma_wait3A_318 = tpu.memref_squeeze %dma_wait3A_317 : memref<1x80xi32, #tpu.memory_space<vmem>> -> memref<80xi32, #tpu.memory_space<vmem>>
      %dma_wait3A_319 = arith.constant 0 : i32
      %dma_wait3A_320 = tpu.memref_slice %arg16[%dma_wait3A_319] : memref<10000xf32, #tpu.memory_space<vmem_shared>> -> memref<10000xf32, #tpu.memory_space<vmem_shared>>
      tpu.wait_indirect_dma semaphore(%run_scoped3A_310 : memref<!tpu.dma_semaphore, #tpu.memory_space<semaphore_mem>>) src(%arg14 : memref<80xf32, #tpu.memory_space<vmem>>) dst(%dma_wait3A_320 : memref<10000xf32, #tpu.memory_space<vmem_shared>>)
      tpu.yield
    }) : () -> ()
    %dma_wait3A_290 = arith.constant 1 : i32
    %dma_wait3A_291 = arith.constant 0 : i32
    %dma_wait3A_292 = tpu.memref_slice %arg9[%dma_wait3A_290, %dma_wait3A_291] : memref<3x80xi32, #tpu.memory_space<vmem>> -> memref<1x80xi32, #tpu.memory_space<vmem>>
    %dma_wait3A_293 = tpu.memref_squeeze %dma_wait3A_292 : memref<1x80xi32, #tpu.memory_space<vmem>> -> memref<80xi32, #tpu.memory_space<vmem>>
    %dma_wait3A_294 = arith.constant 0 : i32
    %dma_wait3A_295 = arith.constant 0 : i32
    %dma_wait3A_296 = tpu.memref_slice %arg2[%dma_wait3A_294, %dma_wait3A_295] : memref<10000x128xf32, #tpu.memory_space<hbm>> -> memref<10000x128xf32, #tpu.memory_space<hbm>>
    tpu.wait_indirect_dma semaphore(%arg18 : memref<!tpu.dma_semaphore, #tpu.memory_space<semaphore_mem>>) src(%dma_wait3A_296 : memref<10000x128xf32, #tpu.memory_space<hbm>>) dst(%arg12 : memref<80x128xf32, #tpu.memory_space<vmem>>)
    %run_scoped3A_297 = arith.constant 1 : i32
    "tpu.region"() ({
      %run_scoped3A_310 = tpu.sem_alloc : memref<!tpu.dma_semaphore, #tpu.memory_space<semaphore_mem>>
      %dma_start3A_311 = arith.constant 0 : i32
      %dma_start3A_312 = tpu.memref_slice %arg10[%run_scoped3A_297, %dma_start3A_311] : memref<3x80xi32, #tpu.memory_space<vmem>> -> memref<1x80xi32, #tpu.memory_space<vmem>>
      %dma_start3A_313 = tpu.memref_squeeze %dma_start3A_312 : memref<1x80xi32, #tpu.memory_space<vmem>> -> memref<80xi32, #tpu.memory_space<vmem>>
      %dma_start3A_314 = arith.constant 0 : i32
      %dma_start3A_315 = arith.constant 0 : i32
      %dma_start3A_316 = tpu.memref_slice %arg15[%dma_start3A_314, %dma_start3A_315] : memref<10000x128xf32, #tpu.memory_space<vmem_shared>> -> memref<10000x128xf32, #tpu.memory_space<vmem_shared>>
      tpu.enqueue_indirect_dma source(%arg12 : memref<80x128xf32, #tpu.memory_space<vmem>>) target(%dma_start3A_316 : memref<10000x128xf32, #tpu.memory_space<vmem_shared>>) offsets(%dma_start3A_313 : memref<80xi32, #tpu.memory_space<vmem>>) semaphore(%run_scoped3A_310 : memref<!tpu.dma_semaphore, #tpu.memory_space<semaphore_mem>>) {add = true}
      %dma_wait3A_317 = arith.constant 0 : i32
      %dma_wait3A_318 = tpu.memref_slice %arg10[%run_scoped3A_297, %dma_wait3A_317] : memref<3x80xi32, #tpu.memory_space<vmem>> -> memref<1x80xi32, #tpu.memory_space<vmem>>
      %dma_wait3A_319 = tpu.memref_squeeze %dma_wait3A_318 : memref<1x80xi32, #tpu.memory_space<vmem>> -> memref<80xi32, #tpu.memory_space<vmem>>
      %dma_wait3A_320 = arith.constant 0 : i32
      %dma_wait3A_321 = arith.constant 0 : i32
      %dma_wait3A_322 = tpu.memref_slice %arg15[%dma_wait3A_320, %dma_wait3A_321] : memref<10000x128xf32, #tpu.memory_space<vmem_shared>> -> memref<10000x128xf32, #tpu.memory_space<vmem_shared>>
      tpu.wait_indirect_dma semaphore(%run_scoped3A_310 : memref<!tpu.dma_semaphore, #tpu.memory_space<semaphore_mem>>) src(%arg12 : memref<80x128xf32, #tpu.memory_space<vmem>>) dst(%dma_wait3A_322 : memref<10000x128xf32, #tpu.memory_space<vmem_shared>>)
      tpu.yield
    }) : () -> ()
    %run_scoped3A_298 = arith.constant 1 : i32
    "tpu.region"() ({
      %run_scoped3A_310 = tpu.sem_alloc : memref<!tpu.dma_semaphore, #tpu.memory_space<semaphore_mem>>
      %dma_start3A_311 = arith.constant 0 : i32
      %dma_start3A_312 = tpu.memref_slice %arg10[%run_scoped3A_298, %dma_start3A_311] : memref<3x80xi32, #tpu.memory_space<vmem>> -> memref<1x80xi32, #tpu.memory_space<vmem>>
      %dma_start3A_313 = tpu.memref_squeeze %dma_start3A_312 : memref<1x80xi32, #tpu.memory_space<vmem>> -> memref<80xi32, #tpu.memory_space<vmem>>
      %dma_start3A_314 = arith.constant 0 : i32
      %dma_start3A_315 = tpu.memref_slice %arg16[%dma_start3A_314] : memref<10000xf32, #tpu.memory_space<vmem_shared>> -> memref<10000xf32, #tpu.memory_space<vmem_shared>>
      tpu.enqueue_indirect_dma source(%arg14 : memref<80xf32, #tpu.memory_space<vmem>>) target(%dma_start3A_315 : memref<10000xf32, #tpu.memory_space<vmem_shared>>) offsets(%dma_start3A_313 : memref<80xi32, #tpu.memory_space<vmem>>) semaphore(%run_scoped3A_310 : memref<!tpu.dma_semaphore, #tpu.memory_space<semaphore_mem>>) {add = true}
      %dma_wait3A_316 = arith.constant 0 : i32
      %dma_wait3A_317 = tpu.memref_slice %arg10[%run_scoped3A_298, %dma_wait3A_316] : memref<3x80xi32, #tpu.memory_space<vmem>> -> memref<1x80xi32, #tpu.memory_space<vmem>>
      %dma_wait3A_318 = tpu.memref_squeeze %dma_wait3A_317 : memref<1x80xi32, #tpu.memory_space<vmem>> -> memref<80xi32, #tpu.memory_space<vmem>>
      %dma_wait3A_319 = arith.constant 0 : i32
      %dma_wait3A_320 = tpu.memref_slice %arg16[%dma_wait3A_319] : memref<10000xf32, #tpu.memory_space<vmem_shared>> -> memref<10000xf32, #tpu.memory_space<vmem_shared>>
      tpu.wait_indirect_dma semaphore(%run_scoped3A_310 : memref<!tpu.dma_semaphore, #tpu.memory_space<semaphore_mem>>) src(%arg14 : memref<80xf32, #tpu.memory_space<vmem>>) dst(%dma_wait3A_320 : memref<10000xf32, #tpu.memory_space<vmem_shared>>)
      tpu.yield
    }) : () -> ()
    %barrier3A_299 = arith.constant 0 : index
    tpu.barrier barrier_id(%barrier3A_299)
    "tpu.region"() ({
      %run_scoped3A_310 = tpu.sem_alloc : memref<!tpu.dma_semaphore, #tpu.memory_space<semaphore_mem>>
      %dma_start3A_311 = arith.constant 0 : i32
      %dma_start3A_312 = tpu.memref_slice %arg6[%arg0, %multiple_of3A, %dma_start3A_311] : memref<2x10000x128xf32, #tpu.memory_space<hbm>> -> memref<1x624x128xf32, #tpu.memory_space<hbm>>
      %dma_start3A_313 = tpu.memref_squeeze %dma_start3A_312 : memref<1x624x128xf32, #tpu.memory_space<hbm>> -> memref<624x128xf32, #tpu.memory_space<hbm>>
      %dma_start3A_314 = arith.constant 0 : i32
      %dma_start3A_315 = tpu.memref_slice %arg15[%multiple_of3A, %dma_start3A_314] : memref<10000x128xf32, #tpu.memory_space<vmem_shared>> -> memref<624x128xf32, #tpu.memory_space<vmem_shared>>
      tpu.enqueue_dma source(%dma_start3A_315 : memref<624x128xf32, #tpu.memory_space<vmem_shared>>) target(%dma_start3A_313 : memref<624x128xf32, #tpu.memory_space<hbm>>) target_semaphore(%run_scoped3A_310 : memref<!tpu.dma_semaphore, #tpu.memory_space<semaphore_mem>>)
      %dma_wait3A_316 = arith.constant 0 : i32
      %dma_wait3A_317 = tpu.memref_slice %arg6[%arg0, %multiple_of3A, %dma_wait3A_316] : memref<2x10000x128xf32, #tpu.memory_space<hbm>> -> memref<1x624x128xf32, #tpu.memory_space<hbm>>
      %dma_wait3A_318 = tpu.memref_squeeze %dma_wait3A_317 : memref<1x624x128xf32, #tpu.memory_space<hbm>> -> memref<624x128xf32, #tpu.memory_space<hbm>>
      %dma_wait3A_319 = arith.constant 0 : i32
      %dma_wait3A_320 = tpu.memref_slice %arg15[%multiple_of3A, %dma_wait3A_319] : memref<10000x128xf32, #tpu.memory_space<vmem_shared>> -> memref<624x128xf32, #tpu.memory_space<vmem_shared>>
      tpu.wait_dma2 semaphore(%run_scoped3A_310 : memref<!tpu.dma_semaphore, #tpu.memory_space<semaphore_mem>>) src(%dma_wait3A_320 : memref<624x128xf32, #tpu.memory_space<vmem_shared>>) dst(%dma_wait3A_318 : memref<624x128xf32, #tpu.memory_space<hbm>>)
      tpu.yield
    }) : () -> ()
    %eq3A_300 = arith.constant 15 : i32
    %eq3A_301 = arith.cmpi eq, %arg1, %eq3A_300 : i32
    %convert_element_type3A_302 = arith.extui %eq3A_301 : i1 to i32
    %cond3A_303 = arith.constant 0 : i32
    %cond3A_304 = arith.cmpi ne, %convert_element_type3A_302, %cond3A_303 : i32
    scf.if %cond3A_304 {
      "tpu.region"() ({
        %run_scoped3A_310 = tpu.sem_alloc : memref<!tpu.dma_semaphore, #tpu.memory_space<semaphore_mem>>
        %dma_start3A_311 = arith.constant 9984 : i32
        %dma_start3A_312 = arith.constant 0 : i32
        %dma_start3A_313 = tpu.memref_slice %arg6[%arg0, %dma_start3A_311, %dma_start3A_312] : memref<2x10000x128xf32, #tpu.memory_space<hbm>> -> memref<1x16x128xf32, #tpu.memory_space<hbm>>
        %dma_start3A_314 = tpu.memref_squeeze %dma_start3A_313 : memref<1x16x128xf32, #tpu.memory_space<hbm>> -> memref<16x128xf32, #tpu.memory_space<hbm>>
        %dma_start3A_315 = arith.constant 9984 : i32
        %dma_start3A_316 = arith.constant 0 : i32
        %dma_start3A_317 = tpu.memref_slice %arg15[%dma_start3A_315, %dma_start3A_316] : memref<10000x128xf32, #tpu.memory_space<vmem_shared>> -> memref<16x128xf32, #tpu.memory_space<vmem_shared>>
        tpu.enqueue_dma source(%dma_start3A_317 : memref<16x128xf32, #tpu.memory_space<vmem_shared>>) target(%dma_start3A_314 : memref<16x128xf32, #tpu.memory_space<hbm>>) target_semaphore(%run_scoped3A_310 : memref<!tpu.dma_semaphore, #tpu.memory_space<semaphore_mem>>)
        %dma_wait3A_318 = arith.constant 9984 : i32
        %dma_wait3A_319 = arith.constant 0 : i32
        %dma_wait3A_320 = tpu.memref_slice %arg6[%arg0, %dma_wait3A_318, %dma_wait3A_319] : memref<2x10000x128xf32, #tpu.memory_space<hbm>> -> memref<1x16x128xf32, #tpu.memory_space<hbm>>
        %dma_wait3A_321 = tpu.memref_squeeze %dma_wait3A_320 : memref<1x16x128xf32, #tpu.memory_space<hbm>> -> memref<16x128xf32, #tpu.memory_space<hbm>>
        %dma_wait3A_322 = arith.constant 9984 : i32
        %dma_wait3A_323 = arith.constant 0 : i32
        %dma_wait3A_324 = tpu.memref_slice %arg15[%dma_wait3A_322, %dma_wait3A_323] : memref<10000x128xf32, #tpu.memory_space<vmem_shared>> -> memref<16x128xf32, #tpu.memory_space<vmem_shared>>
        tpu.wait_dma2 semaphore(%run_scoped3A_310 : memref<!tpu.dma_semaphore, #tpu.memory_space<semaphore_mem>>) src(%dma_wait3A_324 : memref<16x128xf32, #tpu.memory_space<vmem_shared>>) dst(%dma_wait3A_321 : memref<16x128xf32, #tpu.memory_space<hbm>>)
        tpu.yield
      }) : () -> ()
    } else {
    }
    %eq3A_305 = arith.constant 0 : i32
    %eq3A_306 = arith.cmpi eq, %arg1, %eq3A_305 : i32
    %convert_element_type3A_307 = arith.extui %eq3A_306 : i1 to i32
    %cond3A_308 = arith.constant 0 : i32
    %cond3A_309 = arith.cmpi ne, %convert_element_type3A_307, %cond3A_308 : i32
    scf.if %cond3A_309 {
      "tpu.region"() ({
        %run_scoped3A_310 = tpu.sem_alloc : memref<!tpu.dma_semaphore, #tpu.memory_space<semaphore_mem>>
        %dma_start3A_311 = arith.constant 0 : i32
        %dma_start3A_312 = tpu.memref_slice %arg7[%arg0, %dma_start3A_311] : memref<2x10000xf32, #tpu.memory_space<hbm>> -> memref<1x10000xf32, #tpu.memory_space<hbm>>
        %dma_start3A_313 = tpu.memref_squeeze %dma_start3A_312 : memref<1x10000xf32, #tpu.memory_space<hbm>> -> memref<10000xf32, #tpu.memory_space<hbm>>
        tpu.enqueue_dma source(%arg16 : memref<10000xf32, #tpu.memory_space<vmem_shared>>) target(%dma_start3A_313 : memref<10000xf32, #tpu.memory_space<hbm>>) target_semaphore(%run_scoped3A_310 : memref<!tpu.dma_semaphore, #tpu.memory_space<semaphore_mem>>)
        %dma_wait3A_314 = arith.constant 0 : i32
        %dma_wait3A_315 = tpu.memref_slice %arg7[%arg0, %dma_wait3A_314] : memref<2x10000xf32, #tpu.memory_space<hbm>> -> memref<1x10000xf32, #tpu.memory_space<hbm>>
        %dma_wait3A_316 = tpu.memref_squeeze %dma_wait3A_315 : memref<1x10000xf32, #tpu.memory_space<hbm>> -> memref<10000xf32, #tpu.memory_space<hbm>>
        tpu.wait_dma2 semaphore(%run_scoped3A_310 : memref<!tpu.dma_semaphore, #tpu.memory_space<semaphore_mem>>) src(%arg16 : memref<10000xf32, #tpu.memory_space<vmem_shared>>) dst(%dma_wait3A_316 : memref<10000xf32, #tpu.memory_space<hbm>>)
        tpu.yield
      }) : () -> ()
    } else {
    }
    return
  }
}

#map = affine_map<(d0, d1) -> (0, 0)>
#map1 = affine_map<(d0, d1) -> (0, 0, 0)>
module attributes {stable_mosaic.version = 14 : i64} {
  func.func @_sc_body(%arg0: i32, %arg1: i32, %arg2: memref<10000x128xf32, #tpu.memory_space<hbm>>, %arg3: memref<32x125x80xi32, #tpu.memory_space<hbm>>, %arg4: memref<10000x128xf32, #tpu.memory_space<hbm>>, %arg5: memref<2x10000x128xf32, #tpu.memory_space<hbm>>, %arg6: memref<125x80xi32, #tpu.memory_space<vmem>>, %arg7: memref<3x80xi32, #tpu.memory_space<vmem>>, %arg8: memref<3x80xi32, #tpu.memory_space<vmem>>, %arg9: memref<80x128xf32, #tpu.memory_space<vmem>>, %arg10: memref<80x128xf32, #tpu.memory_space<vmem>>, %arg11: memref<80x128xf32, #tpu.memory_space<vmem>>, %arg12: memref<10000x128xf32, #tpu.memory_space<vmem_shared>>, %arg13: memref<!tpu.dma_semaphore, #tpu.memory_space<semaphore_mem>>, %arg14: memref<!tpu.dma_semaphore, #tpu.memory_space<semaphore_mem>>, %arg15: memref<!tpu.dma_semaphore, #tpu.memory_space<semaphore_mem>>) attributes {dimension_semantics = [#tpu.dimension_semantics<core_parallel>, #tpu.dimension_semantics<subcore_parallel>], iteration_bounds = array<i64: 2, 16>, scalar_prefetch = 0 : i64, scratch_operands = 10 : i64, tpu.core_type = #tpu.core_type<sc_vector_subcore>, window_params = [{transform_indices = #map}, {transform_indices = #map1}, {transform_indices = #map}, {transform_indices = #map1}]} {
    %mul3A = arith.constant 16 : i32
    %mul3A_0 = arith.muli %arg0, %mul3A : i32
    %add3A = arith.addi %mul3A_0, %arg1 : i32
    "tpu.region"() ({
      %run_scoped3A_269 = tpu.sem_alloc : memref<!tpu.dma_semaphore, #tpu.memory_space<semaphore_mem>>
      %dma_start3A_270 = arith.constant 0 : i32
      %dma_start3A_271 = arith.constant 0 : i32
      %dma_start3A_272 = tpu.memref_slice %arg3[%add3A, %dma_start3A_270, %dma_start3A_271] : memref<32x125x80xi32, #tpu.memory_space<hbm>> -> memref<1x125x80xi32, #tpu.memory_space<hbm>>
      %dma_start3A_273 = tpu.memref_squeeze %dma_start3A_272 : memref<1x125x80xi32, #tpu.memory_space<hbm>> -> memref<125x80xi32, #tpu.memory_space<hbm>>
      %dma_start3A_274 = arith.constant 0 : i32
      %dma_start3A_275 = arith.constant 0 : i32
      %dma_start3A_276 = tpu.memref_slice %arg3[%add3A, %dma_start3A_274, %dma_start3A_275] : memref<32x125x80xi32, #tpu.memory_space<hbm>> -> memref<1x125x80xi32, #tpu.memory_space<hbm>>
      %dma_start3A_277 = tpu.memref_squeeze %dma_start3A_276 : memref<1x125x80xi32, #tpu.memory_space<hbm>> -> memref<125x80xi32, #tpu.memory_space<hbm>>
      tpu.enqueue_dma source(%dma_start3A_277 : memref<125x80xi32, #tpu.memory_space<hbm>>) target(%arg6 : memref<125x80xi32, #tpu.memory_space<vmem>>) target_semaphore(%run_scoped3A_269 : memref<!tpu.dma_semaphore, #tpu.memory_space<semaphore_mem>>)
      %dma_wait3A_278 = arith.constant 0 : i32
      %dma_wait3A_279 = arith.constant 0 : i32
      %dma_wait3A_280 = tpu.memref_slice %arg3[%add3A, %dma_wait3A_278, %dma_wait3A_279] : memref<32x125x80xi32, #tpu.memory_space<hbm>> -> memref<1x125x80xi32, #tpu.memory_space<hbm>>
      %dma_wait3A_281 = tpu.memref_squeeze %dma_wait3A_280 : memref<1x125x80xi32, #tpu.memory_space<hbm>> -> memref<125x80xi32, #tpu.memory_space<hbm>>
      %dma_wait3A_282 = arith.constant 0 : i32
      %dma_wait3A_283 = arith.constant 0 : i32
      %dma_wait3A_284 = tpu.memref_slice %arg3[%add3A, %dma_wait3A_282, %dma_wait3A_283] : memref<32x125x80xi32, #tpu.memory_space<hbm>> -> memref<1x125x80xi32, #tpu.memory_space<hbm>>
      %dma_wait3A_285 = tpu.memref_squeeze %dma_wait3A_284 : memref<1x125x80xi32, #tpu.memory_space<hbm>> -> memref<125x80xi32, #tpu.memory_space<hbm>>
      tpu.wait_dma2 semaphore(%run_scoped3A_269 : memref<!tpu.dma_semaphore, #tpu.memory_space<semaphore_mem>>) src(%dma_wait3A_285 : memref<125x80xi32, #tpu.memory_space<hbm>>) dst(%arg6 : memref<125x80xi32, #tpu.memory_space<vmem>>)
      tpu.yield
    }) : () -> ()
    %mul3A_1 = arith.constant 624 : i32
    %mul3A_2 = arith.muli %arg1, %mul3A_1 : i32
    %multiple_of3A = tpu.assume_multiple %mul3A_2, 8 : i32
    "tpu.region"() ({
      %run_scoped3A_269 = tpu.sem_alloc : memref<!tpu.dma_semaphore, #tpu.memory_space<semaphore_mem>>
      %dma_start3A_270 = arith.constant 0 : i32
      %dma_start3A_271 = tpu.memref_slice %arg12[%multiple_of3A, %dma_start3A_270] : memref<10000x128xf32, #tpu.memory_space<vmem_shared>> -> memref<624x128xf32, #tpu.memory_space<vmem_shared>>
      %dma_start3A_272 = arith.constant 0 : i32
      %dma_start3A_273 = tpu.memref_slice %arg4[%multiple_of3A, %dma_start3A_272] : memref<10000x128xf32, #tpu.memory_space<hbm>> -> memref<624x128xf32, #tpu.memory_space<hbm>>
      tpu.enqueue_dma source(%dma_start3A_273 : memref<624x128xf32, #tpu.memory_space<hbm>>) target(%dma_start3A_271 : memref<624x128xf32, #tpu.memory_space<vmem_shared>>) target_semaphore(%run_scoped3A_269 : memref<!tpu.dma_semaphore, #tpu.memory_space<semaphore_mem>>)
      %dma_wait3A_274 = arith.constant 0 : i32
      %dma_wait3A_275 = tpu.memref_slice %arg12[%multiple_of3A, %dma_wait3A_274] : memref<10000x128xf32, #tpu.memory_space<vmem_shared>> -> memref<624x128xf32, #tpu.memory_space<vmem_shared>>
      %dma_wait3A_276 = arith.constant 0 : i32
      %dma_wait3A_277 = tpu.memref_slice %arg4[%multiple_of3A, %dma_wait3A_276] : memref<10000x128xf32, #tpu.memory_space<hbm>> -> memref<624x128xf32, #tpu.memory_space<hbm>>
      tpu.wait_dma2 semaphore(%run_scoped3A_269 : memref<!tpu.dma_semaphore, #tpu.memory_space<semaphore_mem>>) src(%dma_wait3A_277 : memref<624x128xf32, #tpu.memory_space<hbm>>) dst(%dma_wait3A_275 : memref<624x128xf32, #tpu.memory_space<vmem_shared>>)
      tpu.yield
    }) : () -> ()
    %eq3A = arith.constant 15 : i32
    %eq3A_3 = arith.cmpi eq, %arg1, %eq3A : i32
    %convert_element_type3A = arith.extui %eq3A_3 : i1 to i32
    %cond3A = arith.constant 0 : i32
    %cond3A_4 = arith.cmpi ne, %convert_element_type3A, %cond3A : i32
    scf.if %cond3A_4 {
      "tpu.region"() ({
        %run_scoped3A_269 = tpu.sem_alloc : memref<!tpu.dma_semaphore, #tpu.memory_space<semaphore_mem>>
        %dma_start3A_270 = arith.constant 9984 : i32
        %dma_start3A_271 = arith.constant 0 : i32
        %dma_start3A_272 = tpu.memref_slice %arg12[%dma_start3A_270, %dma_start3A_271] : memref<10000x128xf32, #tpu.memory_space<vmem_shared>> -> memref<16x128xf32, #tpu.memory_space<vmem_shared>>
        %dma_start3A_273 = arith.constant 9984 : i32
        %dma_start3A_274 = arith.constant 0 : i32
        %dma_start3A_275 = tpu.memref_slice %arg4[%dma_start3A_273, %dma_start3A_274] : memref<10000x128xf32, #tpu.memory_space<hbm>> -> memref<16x128xf32, #tpu.memory_space<hbm>>
        tpu.enqueue_dma source(%dma_start3A_275 : memref<16x128xf32, #tpu.memory_space<hbm>>) target(%dma_start3A_272 : memref<16x128xf32, #tpu.memory_space<vmem_shared>>) target_semaphore(%run_scoped3A_269 : memref<!tpu.dma_semaphore, #tpu.memory_space<semaphore_mem>>)
        %dma_wait3A_276 = arith.constant 9984 : i32
        %dma_wait3A_277 = arith.constant 0 : i32
        %dma_wait3A_278 = tpu.memref_slice %arg12[%dma_wait3A_276, %dma_wait3A_277] : memref<10000x128xf32, #tpu.memory_space<vmem_shared>> -> memref<16x128xf32, #tpu.memory_space<vmem_shared>>
        %dma_wait3A_279 = arith.constant 9984 : i32
        %dma_wait3A_280 = arith.constant 0 : i32
        %dma_wait3A_281 = tpu.memref_slice %arg4[%dma_wait3A_279, %dma_wait3A_280] : memref<10000x128xf32, #tpu.memory_space<hbm>> -> memref<16x128xf32, #tpu.memory_space<hbm>>
        tpu.wait_dma2 semaphore(%run_scoped3A_269 : memref<!tpu.dma_semaphore, #tpu.memory_space<semaphore_mem>>) src(%dma_wait3A_281 : memref<16x128xf32, #tpu.memory_space<hbm>>) dst(%dma_wait3A_278 : memref<16x128xf32, #tpu.memory_space<vmem_shared>>)
        tpu.yield
      }) : () -> ()
    } else {
    }
    %barrier3A = arith.constant 0 : index
    tpu.barrier barrier_id(%barrier3A)
    %get3A = arith.constant 0 : i32
    %get3A_5 = arith.index_cast %get3A : i32 to index
    %get3A_6 = arith.constant 0 : index
    %get3A_7 = tpu.vector_load %arg6[%get3A_5, %get3A_6] {strides = array<i32>} : memref<125x80xi32, #tpu.memory_space<vmem>>, vector<1x16xi32>,
    %get3A_8 = vector.shape_cast %get3A_7 : vector<1x16xi32> to vector<16xi32>
    %and3A = arith.constant 65535 : i32
    %and3A_9 = vector.broadcast %and3A : i32 to vector<16xi32>
    %and3A_10 = arith.andi %get3A_8, %and3A_9 : vector<16xi32>
    %swap3A = arith.constant 0 : i32
    %swap3A_11 = arith.index_cast %swap3A : i32 to index
    %swap3A_12 = arith.constant 0 : index
    %swap3A_13 = tpu.vector_load %arg7[%swap3A_11, %swap3A_12] {strides = array<i32>} : memref<3x80xi32, #tpu.memory_space<vmem>>, vector<1x16xi32>,
    %swap3A_14 = vector.shape_cast %swap3A_13 : vector<1x16xi32> to vector<16xi32>
    %swap3A_15 = vector.shape_cast %and3A_10 : vector<16xi32> to vector<1x16xi32>
    tpu.vector_store %arg7[%swap3A_11, %swap3A_12], %swap3A_15 {strides = array<i32>} : memref<3x80xi32, #tpu.memory_space<vmem>>, vector<1x16xi32>,
    %shift_right_logical3A = arith.constant 16 : i32
    %shift_right_logical3A_16 = vector.broadcast %shift_right_logical3A : i32 to vector<16xi32>
    %shift_right_logical3A_17 = arith.shrui %get3A_8, %shift_right_logical3A_16 : vector<16xi32>
    %swap3A_18 = arith.constant 0 : i32
    %swap3A_19 = arith.index_cast %swap3A_18 : i32 to index
    %swap3A_20 = arith.constant 0 : index
    %swap3A_21 = tpu.vector_load %arg8[%swap3A_19, %swap3A_20] {strides = array<i32>} : memref<3x80xi32, #tpu.memory_space<vmem>>, vector<1x16xi32>,
    %swap3A_22 = vector.shape_cast %swap3A_21 : vector<1x16xi32> to vector<16xi32>
    %swap3A_23 = vector.shape_cast %shift_right_logical3A_17 : vector<16xi32> to vector<1x16xi32>
    tpu.vector_store %arg8[%swap3A_19, %swap3A_20], %swap3A_23 {strides = array<i32>} : memref<3x80xi32, #tpu.memory_space<vmem>>, vector<1x16xi32>,
    %get3A_24 = arith.constant 0 : i32
    %get3A_25 = arith.index_cast %get3A_24 : i32 to index
    %get3A_26 = arith.constant 16 : index
    %get3A_27 = tpu.vector_load %arg6[%get3A_25, %get3A_26] {strides = array<i32>} : memref<125x80xi32, #tpu.memory_space<vmem>>, vector<1x16xi32>,
    %get3A_28 = vector.shape_cast %get3A_27 : vector<1x16xi32> to vector<16xi32>
    %and3A_29 = arith.constant 65535 : i32
    %and3A_30 = vector.broadcast %and3A_29 : i32 to vector<16xi32>
    %and3A_31 = arith.andi %get3A_28, %and3A_30 : vector<16xi32>
    %swap3A_32 = arith.constant 0 : i32
    %swap3A_33 = arith.index_cast %swap3A_32 : i32 to index
    %swap3A_34 = arith.constant 16 : index
    %swap3A_35 = tpu.vector_load %arg7[%swap3A_33, %swap3A_34] {strides = array<i32>} : memref<3x80xi32, #tpu.memory_space<vmem>>, vector<1x16xi32>,
    %swap3A_36 = vector.shape_cast %swap3A_35 : vector<1x16xi32> to vector<16xi32>
    %swap3A_37 = vector.shape_cast %and3A_31 : vector<16xi32> to vector<1x16xi32>
    tpu.vector_store %arg7[%swap3A_33, %swap3A_34], %swap3A_37 {strides = array<i32>} : memref<3x80xi32, #tpu.memory_space<vmem>>, vector<1x16xi32>,
    %shift_right_logical3A_38 = arith.constant 16 : i32
    %shift_right_logical3A_39 = vector.broadcast %shift_right_logical3A_38 : i32 to vector<16xi32>
    %shift_right_logical3A_40 = arith.shrui %get3A_28, %shift_right_logical3A_39 : vector<16xi32>
    %swap3A_41 = arith.constant 0 : i32
    %swap3A_42 = arith.index_cast %swap3A_41 : i32 to index
    %swap3A_43 = arith.constant 16 : index
    %swap3A_44 = tpu.vector_load %arg8[%swap3A_42, %swap3A_43] {strides = array<i32>} : memref<3x80xi32, #tpu.memory_space<vmem>>, vector<1x16xi32>,
    %swap3A_45 = vector.shape_cast %swap3A_44 : vector<1x16xi32> to vector<16xi32>
    %swap3A_46 = vector.shape_cast %shift_right_logical3A_40 : vector<16xi32> to vector<1x16xi32>
    tpu.vector_store %arg8[%swap3A_42, %swap3A_43], %swap3A_46 {strides = array<i32>} : memref<3x80xi32, #tpu.memory_space<vmem>>, vector<1x16xi32>,
    %get3A_47 = arith.constant 0 : i32
    %get3A_48 = arith.index_cast %get3A_47 : i32 to index
    %get3A_49 = arith.constant 32 : index
    %get3A_50 = tpu.vector_load %arg6[%get3A_48, %get3A_49] {strides = array<i32>} : memref<125x80xi32, #tpu.memory_space<vmem>>, vector<1x16xi32>,
    %get3A_51 = vector.shape_cast %get3A_50 : vector<1x16xi32> to vector<16xi32>
    %and3A_52 = arith.constant 65535 : i32
    %and3A_53 = vector.broadcast %and3A_52 : i32 to vector<16xi32>
    %and3A_54 = arith.andi %get3A_51, %and3A_53 : vector<16xi32>
    %swap3A_55 = arith.constant 0 : i32
    %swap3A_56 = arith.index_cast %swap3A_55 : i32 to index
    %swap3A_57 = arith.constant 32 : index
    %swap3A_58 = tpu.vector_load %arg7[%swap3A_56, %swap3A_57] {strides = array<i32>} : memref<3x80xi32, #tpu.memory_space<vmem>>, vector<1x16xi32>,
    %swap3A_59 = vector.shape_cast %swap3A_58 : vector<1x16xi32> to vector<16xi32>
    %swap3A_60 = vector.shape_cast %and3A_54 : vector<16xi32> to vector<1x16xi32>
    tpu.vector_store %arg7[%swap3A_56, %swap3A_57], %swap3A_60 {strides = array<i32>} : memref<3x80xi32, #tpu.memory_space<vmem>>, vector<1x16xi32>,
    %shift_right_logical3A_61 = arith.constant 16 : i32
    %shift_right_logical3A_62 = vector.broadcast %shift_right_logical3A_61 : i32 to vector<16xi32>
    %shift_right_logical3A_63 = arith.shrui %get3A_51, %shift_right_logical3A_62 : vector<16xi32>
    %swap3A_64 = arith.constant 0 : i32
    %swap3A_65 = arith.index_cast %swap3A_64 : i32 to index
    %swap3A_66 = arith.constant 32 : index
    %swap3A_67 = tpu.vector_load %arg8[%swap3A_65, %swap3A_66] {strides = array<i32>} : memref<3x80xi32, #tpu.memory_space<vmem>>, vector<1x16xi32>,
    %swap3A_68 = vector.shape_cast %swap3A_67 : vector<1x16xi32> to vector<16xi32>
    %swap3A_69 = vector.shape_cast %shift_right_logical3A_63 : vector<16xi32> to vector<1x16xi32>
    tpu.vector_store %arg8[%swap3A_65, %swap3A_66], %swap3A_69 {strides = array<i32>} : memref<3x80xi32, #tpu.memory_space<vmem>>, vector<1x16xi32>,
    %get3A_70 = arith.constant 0 : i32
    %get3A_71 = arith.index_cast %get3A_70 : i32 to index
    %get3A_72 = arith.constant 48 : index
    %get3A_73 = tpu.vector_load %arg6[%get3A_71, %get3A_72] {strides = array<i32>} : memref<125x80xi32, #tpu.memory_space<vmem>>, vector<1x16xi32>,
    %get3A_74 = vector.shape_cast %get3A_73 : vector<1x16xi32> to vector<16xi32>
    %and3A_75 = arith.constant 65535 : i32
    %and3A_76 = vector.broadcast %and3A_75 : i32 to vector<16xi32>
    %and3A_77 = arith.andi %get3A_74, %and3A_76 : vector<16xi32>
    %swap3A_78 = arith.constant 0 : i32
    %swap3A_79 = arith.index_cast %swap3A_78 : i32 to index
    %swap3A_80 = arith.constant 48 : index
    %swap3A_81 = tpu.vector_load %arg7[%swap3A_79, %swap3A_80] {strides = array<i32>} : memref<3x80xi32, #tpu.memory_space<vmem>>, vector<1x16xi32>,
    %swap3A_82 = vector.shape_cast %swap3A_81 : vector<1x16xi32> to vector<16xi32>
    %swap3A_83 = vector.shape_cast %and3A_77 : vector<16xi32> to vector<1x16xi32>
    tpu.vector_store %arg7[%swap3A_79, %swap3A_80], %swap3A_83 {strides = array<i32>} : memref<3x80xi32, #tpu.memory_space<vmem>>, vector<1x16xi32>,
    %shift_right_logical3A_84 = arith.constant 16 : i32
    %shift_right_logical3A_85 = vector.broadcast %shift_right_logical3A_84 : i32 to vector<16xi32>
    %shift_right_logical3A_86 = arith.shrui %get3A_74, %shift_right_logical3A_85 : vector<16xi32>
    %swap3A_87 = arith.constant 0 : i32
    %swap3A_88 = arith.index_cast %swap3A_87 : i32 to index
    %swap3A_89 = arith.constant 48 : index
    %swap3A_90 = tpu.vector_load %arg8[%swap3A_88, %swap3A_89] {strides = array<i32>} : memref<3x80xi32, #tpu.memory_space<vmem>>, vector<1x16xi32>,
    %swap3A_91 = vector.shape_cast %swap3A_90 : vector<1x16xi32> to vector<16xi32>
    %swap3A_92 = vector.shape_cast %shift_right_logical3A_86 : vector<16xi32> to vector<1x16xi32>
    tpu.vector_store %arg8[%swap3A_88, %swap3A_89], %swap3A_92 {strides = array<i32>} : memref<3x80xi32, #tpu.memory_space<vmem>>, vector<1x16xi32>,
    %get3A_93 = arith.constant 0 : i32
    %get3A_94 = arith.index_cast %get3A_93 : i32 to index
    %get3A_95 = arith.constant 64 : index
    %get3A_96 = tpu.vector_load %arg6[%get3A_94, %get3A_95] {strides = array<i32>} : memref<125x80xi32, #tpu.memory_space<vmem>>, vector<1x16xi32>,
    %get3A_97 = vector.shape_cast %get3A_96 : vector<1x16xi32> to vector<16xi32>
    %and3A_98 = arith.constant 65535 : i32
    %and3A_99 = vector.broadcast %and3A_98 : i32 to vector<16xi32>
    %and3A_100 = arith.andi %get3A_97, %and3A_99 : vector<16xi32>
    %swap3A_101 = arith.constant 0 : i32
    %swap3A_102 = arith.index_cast %swap3A_101 : i32 to index
    %swap3A_103 = arith.constant 64 : index
    %swap3A_104 = tpu.vector_load %arg7[%swap3A_102, %swap3A_103] {strides = array<i32>} : memref<3x80xi32, #tpu.memory_space<vmem>>, vector<1x16xi32>,
    %swap3A_105 = vector.shape_cast %swap3A_104 : vector<1x16xi32> to vector<16xi32>
    %swap3A_106 = vector.shape_cast %and3A_100 : vector<16xi32> to vector<1x16xi32>
    tpu.vector_store %arg7[%swap3A_102, %swap3A_103], %swap3A_106 {strides = array<i32>} : memref<3x80xi32, #tpu.memory_space<vmem>>, vector<1x16xi32>,
    %shift_right_logical3A_107 = arith.constant 16 : i32
    %shift_right_logical3A_108 = vector.broadcast %shift_right_logical3A_107 : i32 to vector<16xi32>
    %shift_right_logical3A_109 = arith.shrui %get3A_97, %shift_right_logical3A_108 : vector<16xi32>
    %swap3A_110 = arith.constant 0 : i32
    %swap3A_111 = arith.index_cast %swap3A_110 : i32 to index
    %swap3A_112 = arith.constant 64 : index
    %swap3A_113 = tpu.vector_load %arg8[%swap3A_111, %swap3A_112] {strides = array<i32>} : memref<3x80xi32, #tpu.memory_space<vmem>>, vector<1x16xi32>,
    %swap3A_114 = vector.shape_cast %swap3A_113 : vector<1x16xi32> to vector<16xi32>
    %swap3A_115 = vector.shape_cast %shift_right_logical3A_109 : vector<16xi32> to vector<1x16xi32>
    tpu.vector_store %arg8[%swap3A_111, %swap3A_112], %swap3A_115 {strides = array<i32>} : memref<3x80xi32, #tpu.memory_space<vmem>>, vector<1x16xi32>,
    %dma_start3A = arith.constant 0 : i32
    %dma_start3A_116 = arith.constant 0 : i32
    %dma_start3A_117 = tpu.memref_slice %arg7[%dma_start3A, %dma_start3A_116] : memref<3x80xi32, #tpu.memory_space<vmem>> -> memref<1x80xi32, #tpu.memory_space<vmem>>
    %dma_start3A_118 = tpu.memref_squeeze %dma_start3A_117 : memref<1x80xi32, #tpu.memory_space<vmem>> -> memref<80xi32, #tpu.memory_space<vmem>>
    %dma_start3A_119 = arith.constant 0 : i32
    %dma_start3A_120 = arith.constant 0 : i32
    %dma_start3A_121 = tpu.memref_slice %arg2[%dma_start3A_119, %dma_start3A_120] : memref<10000x128xf32, #tpu.memory_space<hbm>> -> memref<10000x128xf32, #tpu.memory_space<hbm>>
    tpu.enqueue_indirect_dma source(%dma_start3A_121 : memref<10000x128xf32, #tpu.memory_space<hbm>>) target(%arg9 : memref<80x128xf32, #tpu.memory_space<vmem>>) offsets(%dma_start3A_118 : memref<80xi32, #tpu.memory_space<vmem>>) semaphore(%arg13 : memref<!tpu.dma_semaphore, #tpu.memory_space<semaphore_mem>>)
    %get3A_122 = arith.constant 1 : i32
    %get3A_123 = arith.index_cast %get3A_122 : i32 to index
    %get3A_124 = arith.constant 0 : index
    %get3A_125 = tpu.vector_load %arg6[%get3A_123, %get3A_124] {strides = array<i32>} : memref<125x80xi32, #tpu.memory_space<vmem>>, vector<1x16xi32>,
    %get3A_126 = vector.shape_cast %get3A_125 : vector<1x16xi32> to vector<16xi32>
    %and3A_127 = arith.constant 65535 : i32
    %and3A_128 = vector.broadcast %and3A_127 : i32 to vector<16xi32>
    %and3A_129 = arith.andi %get3A_126, %and3A_128 : vector<16xi32>
    %swap3A_130 = arith.constant 1 : i32
    %swap3A_131 = arith.index_cast %swap3A_130 : i32 to index
    %swap3A_132 = arith.constant 0 : index
    %swap3A_133 = tpu.vector_load %arg7[%swap3A_131, %swap3A_132] {strides = array<i32>} : memref<3x80xi32, #tpu.memory_space<vmem>>, vector<1x16xi32>,
    %swap3A_134 = vector.shape_cast %swap3A_133 : vector<1x16xi32> to vector<16xi32>
    %swap3A_135 = vector.shape_cast %and3A_129 : vector<16xi32> to vector<1x16xi32>
    tpu.vector_store %arg7[%swap3A_131, %swap3A_132], %swap3A_135 {strides = array<i32>} : memref<3x80xi32, #tpu.memory_space<vmem>>, vector<1x16xi32>,
    %shift_right_logical3A_136 = arith.constant 16 : i32
    %shift_right_logical3A_137 = vector.broadcast %shift_right_logical3A_136 : i32 to vector<16xi32>
    %shift_right_logical3A_138 = arith.shrui %get3A_126, %shift_right_logical3A_137 : vector<16xi32>
    %swap3A_139 = arith.constant 1 : i32
    %swap3A_140 = arith.index_cast %swap3A_139 : i32 to index
    %swap3A_141 = arith.constant 0 : index
    %swap3A_142 = tpu.vector_load %arg8[%swap3A_140, %swap3A_141] {strides = array<i32>} : memref<3x80xi32, #tpu.memory_space<vmem>>, vector<1x16xi32>,
    %swap3A_143 = vector.shape_cast %swap3A_142 : vector<1x16xi32> to vector<16xi32>
    %swap3A_144 = vector.shape_cast %shift_right_logical3A_138 : vector<16xi32> to vector<1x16xi32>
    tpu.vector_store %arg8[%swap3A_140, %swap3A_141], %swap3A_144 {strides = array<i32>} : memref<3x80xi32, #tpu.memory_space<vmem>>, vector<1x16xi32>,
    %get3A_145 = arith.constant 1 : i32
    %get3A_146 = arith.index_cast %get3A_145 : i32 to index
    %get3A_147 = arith.constant 16 : index
    %get3A_148 = tpu.vector_load %arg6[%get3A_146, %get3A_147] {strides = array<i32>} : memref<125x80xi32, #tpu.memory_space<vmem>>, vector<1x16xi32>,
    %get3A_149 = vector.shape_cast %get3A_148 : vector<1x16xi32> to vector<16xi32>
    %and3A_150 = arith.constant 65535 : i32
    %and3A_151 = vector.broadcast %and3A_150 : i32 to vector<16xi32>
    %and3A_152 = arith.andi %get3A_149, %and3A_151 : vector<16xi32>
    %swap3A_153 = arith.constant 1 : i32
    %swap3A_154 = arith.index_cast %swap3A_153 : i32 to index
    %swap3A_155 = arith.constant 16 : index
    %swap3A_156 = tpu.vector_load %arg7[%swap3A_154, %swap3A_155] {strides = array<i32>} : memref<3x80xi32, #tpu.memory_space<vmem>>, vector<1x16xi32>,
    %swap3A_157 = vector.shape_cast %swap3A_156 : vector<1x16xi32> to vector<16xi32>
    %swap3A_158 = vector.shape_cast %and3A_152 : vector<16xi32> to vector<1x16xi32>
    tpu.vector_store %arg7[%swap3A_154, %swap3A_155], %swap3A_158 {strides = array<i32>} : memref<3x80xi32, #tpu.memory_space<vmem>>, vector<1x16xi32>,
    %shift_right_logical3A_159 = arith.constant 16 : i32
    %shift_right_logical3A_160 = vector.broadcast %shift_right_logical3A_159 : i32 to vector<16xi32>
    %shift_right_logical3A_161 = arith.shrui %get3A_149, %shift_right_logical3A_160 : vector<16xi32>
    %swap3A_162 = arith.constant 1 : i32
    %swap3A_163 = arith.index_cast %swap3A_162 : i32 to index
    %swap3A_164 = arith.constant 16 : index
    %swap3A_165 = tpu.vector_load %arg8[%swap3A_163, %swap3A_164] {strides = array<i32>} : memref<3x80xi32, #tpu.memory_space<vmem>>, vector<1x16xi32>,
    %swap3A_166 = vector.shape_cast %swap3A_165 : vector<1x16xi32> to vector<16xi32>
    %swap3A_167 = vector.shape_cast %shift_right_logical3A_161 : vector<16xi32> to vector<1x16xi32>
    tpu.vector_store %arg8[%swap3A_163, %swap3A_164], %swap3A_167 {strides = array<i32>} : memref<3x80xi32, #tpu.memory_space<vmem>>, vector<1x16xi32>,
    %get3A_168 = arith.constant 1 : i32
    %get3A_169 = arith.index_cast %get3A_168 : i32 to index
    %get3A_170 = arith.constant 32 : index
    %get3A_171 = tpu.vector_load %arg6[%get3A_169, %get3A_170] {strides = array<i32>} : memref<125x80xi32, #tpu.memory_space<vmem>>, vector<1x16xi32>,
    %get3A_172 = vector.shape_cast %get3A_171 : vector<1x16xi32> to vector<16xi32>
    %and3A_173 = arith.constant 65535 : i32
    %and3A_174 = vector.broadcast %and3A_173 : i32 to vector<16xi32>
    %and3A_175 = arith.andi %get3A_172, %and3A_174 : vector<16xi32>
    %swap3A_176 = arith.constant 1 : i32
    %swap3A_177 = arith.index_cast %swap3A_176 : i32 to index
    %swap3A_178 = arith.constant 32 : index
    %swap3A_179 = tpu.vector_load %arg7[%swap3A_177, %swap3A_178] {strides = array<i32>} : memref<3x80xi32, #tpu.memory_space<vmem>>, vector<1x16xi32>,
    %swap3A_180 = vector.shape_cast %swap3A_179 : vector<1x16xi32> to vector<16xi32>
    %swap3A_181 = vector.shape_cast %and3A_175 : vector<16xi32> to vector<1x16xi32>
    tpu.vector_store %arg7[%swap3A_177, %swap3A_178], %swap3A_181 {strides = array<i32>} : memref<3x80xi32, #tpu.memory_space<vmem>>, vector<1x16xi32>,
    %shift_right_logical3A_182 = arith.constant 16 : i32
    %shift_right_logical3A_183 = vector.broadcast %shift_right_logical3A_182 : i32 to vector<16xi32>
    %shift_right_logical3A_184 = arith.shrui %get3A_172, %shift_right_logical3A_183 : vector<16xi32>
    %swap3A_185 = arith.constant 1 : i32
    %swap3A_186 = arith.index_cast %swap3A_185 : i32 to index
    %swap3A_187 = arith.constant 32 : index
    %swap3A_188 = tpu.vector_load %arg8[%swap3A_186, %swap3A_187] {strides = array<i32>} : memref<3x80xi32, #tpu.memory_space<vmem>>, vector<1x16xi32>,
    %swap3A_189 = vector.shape_cast %swap3A_188 : vector<1x16xi32> to vector<16xi32>
    %swap3A_190 = vector.shape_cast %shift_right_logical3A_184 : vector<16xi32> to vector<1x16xi32>
    tpu.vector_store %arg8[%swap3A_186, %swap3A_187], %swap3A_190 {strides = array<i32>} : memref<3x80xi32, #tpu.memory_space<vmem>>, vector<1x16xi32>,
    %get3A_191 = arith.constant 1 : i32
    %get3A_192 = arith.index_cast %get3A_191 : i32 to index
    %get3A_193 = arith.constant 48 : index
    %get3A_194 = tpu.vector_load %arg6[%get3A_192, %get3A_193] {strides = array<i32>} : memref<125x80xi32, #tpu.memory_space<vmem>>, vector<1x16xi32>,
    %get3A_195 = vector.shape_cast %get3A_194 : vector<1x16xi32> to vector<16xi32>
    %and3A_196 = arith.constant 65535 : i32
    %and3A_197 = vector.broadcast %and3A_196 : i32 to vector<16xi32>
    %and3A_198 = arith.andi %get3A_195, %and3A_197 : vector<16xi32>
    %swap3A_199 = arith.constant 1 : i32
    %swap3A_200 = arith.index_cast %swap3A_199 : i32 to index
    %swap3A_201 = arith.constant 48 : index
    %swap3A_202 = tpu.vector_load %arg7[%swap3A_200, %swap3A_201] {strides = array<i32>} : memref<3x80xi32, #tpu.memory_space<vmem>>, vector<1x16xi32>,
    %swap3A_203 = vector.shape_cast %swap3A_202 : vector<1x16xi32> to vector<16xi32>
    %swap3A_204 = vector.shape_cast %and3A_198 : vector<16xi32> to vector<1x16xi32>
    tpu.vector_store %arg7[%swap3A_200, %swap3A_201], %swap3A_204 {strides = array<i32>} : memref<3x80xi32, #tpu.memory_space<vmem>>, vector<1x16xi32>,
    %shift_right_logical3A_205 = arith.constant 16 : i32
    %shift_right_logical3A_206 = vector.broadcast %shift_right_logical3A_205 : i32 to vector<16xi32>
    %shift_right_logical3A_207 = arith.shrui %get3A_195, %shift_right_logical3A_206 : vector<16xi32>
    %swap3A_208 = arith.constant 1 : i32
    %swap3A_209 = arith.index_cast %swap3A_208 : i32 to index
    %swap3A_210 = arith.constant 48 : index
    %swap3A_211 = tpu.vector_load %arg8[%swap3A_209, %swap3A_210] {strides = array<i32>} : memref<3x80xi32, #tpu.memory_space<vmem>>, vector<1x16xi32>,
    %swap3A_212 = vector.shape_cast %swap3A_211 : vector<1x16xi32> to vector<16xi32>
    %swap3A_213 = vector.shape_cast %shift_right_logical3A_207 : vector<16xi32> to vector<1x16xi32>
    tpu.vector_store %arg8[%swap3A_209, %swap3A_210], %swap3A_213 {strides = array<i32>} : memref<3x80xi32, #tpu.memory_space<vmem>>, vector<1x16xi32>,
    %get3A_214 = arith.constant 1 : i32
    %get3A_215 = arith.index_cast %get3A_214 : i32 to index
    %get3A_216 = arith.constant 64 : index
    %get3A_217 = tpu.vector_load %arg6[%get3A_215, %get3A_216] {strides = array<i32>} : memref<125x80xi32, #tpu.memory_space<vmem>>, vector<1x16xi32>,
    %get3A_218 = vector.shape_cast %get3A_217 : vector<1x16xi32> to vector<16xi32>
    %and3A_219 = arith.constant 65535 : i32
    %and3A_220 = vector.broadcast %and3A_219 : i32 to vector<16xi32>
    %and3A_221 = arith.andi %get3A_218, %and3A_220 : vector<16xi32>
    %swap3A_222 = arith.constant 1 : i32
    %swap3A_223 = arith.index_cast %swap3A_222 : i32 to index
    %swap3A_224 = arith.constant 64 : index
    %swap3A_225 = tpu.vector_load %arg7[%swap3A_223, %swap3A_224] {strides = array<i32>} : memref<3x80xi32, #tpu.memory_space<vmem>>, vector<1x16xi32>,
    %swap3A_226 = vector.shape_cast %swap3A_225 : vector<1x16xi32> to vector<16xi32>
    %swap3A_227 = vector.shape_cast %and3A_221 : vector<16xi32> to vector<1x16xi32>
    tpu.vector_store %arg7[%swap3A_223, %swap3A_224], %swap3A_227 {strides = array<i32>} : memref<3x80xi32, #tpu.memory_space<vmem>>, vector<1x16xi32>,
    %shift_right_logical3A_228 = arith.constant 16 : i32
    %shift_right_logical3A_229 = vector.broadcast %shift_right_logical3A_228 : i32 to vector<16xi32>
    %shift_right_logical3A_230 = arith.shrui %get3A_218, %shift_right_logical3A_229 : vector<16xi32>
    %swap3A_231 = arith.constant 1 : i32
    %swap3A_232 = arith.index_cast %swap3A_231 : i32 to index
    %swap3A_233 = arith.constant 64 : index
    %swap3A_234 = tpu.vector_load %arg8[%swap3A_232, %swap3A_233] {strides = array<i32>} : memref<3x80xi32, #tpu.memory_space<vmem>>, vector<1x16xi32>,
    %swap3A_235 = vector.shape_cast %swap3A_234 : vector<1x16xi32> to vector<16xi32>
    %swap3A_236 = vector.shape_cast %shift_right_logical3A_230 : vector<16xi32> to vector<1x16xi32>
    tpu.vector_store %arg8[%swap3A_232, %swap3A_233], %swap3A_236 {strides = array<i32>} : memref<3x80xi32, #tpu.memory_space<vmem>>, vector<1x16xi32>,
    %dma_start3A_237 = arith.constant 1 : i32
    %dma_start3A_238 = arith.constant 0 : i32
    %dma_start3A_239 = tpu.memref_slice %arg7[%dma_start3A_237, %dma_start3A_238] : memref<3x80xi32, #tpu.memory_space<vmem>> -> memref<1x80xi32, #tpu.memory_space<vmem>>
    %dma_start3A_240 = tpu.memref_squeeze %dma_start3A_239 : memref<1x80xi32, #tpu.memory_space<vmem>> -> memref<80xi32, #tpu.memory_space<vmem>>
    %dma_start3A_241 = arith.constant 0 : i32
    %dma_start3A_242 = arith.constant 0 : i32
    %dma_start3A_243 = tpu.memref_slice %arg2[%dma_start3A_241, %dma_start3A_242] : memref<10000x128xf32, #tpu.memory_space<hbm>> -> memref<10000x128xf32, #tpu.memory_space<hbm>>
    tpu.enqueue_indirect_dma source(%dma_start3A_243 : memref<10000x128xf32, #tpu.memory_space<hbm>>) target(%arg10 : memref<80x128xf32, #tpu.memory_space<vmem>>) offsets(%dma_start3A_240 : memref<80xi32, #tpu.memory_space<vmem>>) semaphore(%arg14 : memref<!tpu.dma_semaphore, #tpu.memory_space<semaphore_mem>>)
    %scan3A = arith.constant 0 : i32
    %scan3A_244 = arith.constant 0 : i32
    %scan3A_245 = arith.constant 41 : i32
    %scan3A_246 = arith.addi %scan3A_244, %scan3A_245 : i32
    %scan3A_247 = arith.constant 1 : i32
    scf.for %scan3A_269 = %scan3A_244 to %scan3A_246 step %scan3A_247  : i32 {
      %mul3A_270 = arith.constant 3 : i32
      %mul3A_271 = arith.muli %mul3A_270, %scan3A_269 : i32
      %dma_wait3A_272 = arith.constant 0 : i32
      %dma_wait3A_273 = arith.constant 0 : i32
      %dma_wait3A_274 = tpu.memref_slice %arg7[%dma_wait3A_272, %dma_wait3A_273] : memref<3x80xi32, #tpu.memory_space<vmem>> -> memref<1x80xi32, #tpu.memory_space<vmem>>
      %dma_wait3A_275 = tpu.memref_squeeze %dma_wait3A_274 : memref<1x80xi32, #tpu.memory_space<vmem>> -> memref<80xi32, #tpu.memory_space<vmem>>
      %dma_wait3A_276 = arith.constant 0 : i32
      %dma_wait3A_277 = arith.constant 0 : i32
      %dma_wait3A_278 = tpu.memref_slice %arg2[%dma_wait3A_276, %dma_wait3A_277] : memref<10000x128xf32, #tpu.memory_space<hbm>> -> memref<10000x128xf32, #tpu.memory_space<hbm>>
      tpu.wait_indirect_dma semaphore(%arg13 : memref<!tpu.dma_semaphore, #tpu.memory_space<semaphore_mem>>) src(%dma_wait3A_278 : memref<10000x128xf32, #tpu.memory_space<hbm>>) dst(%arg9 : memref<80x128xf32, #tpu.memory_space<vmem>>)
      %add3A_279 = arith.constant 2 : i32
      %add3A_280 = arith.addi %mul3A_271, %add3A_279 : i32
      %get3A_281 = arith.index_cast %add3A_280 : i32 to index
      %get3A_282 = arith.constant 0 : index
      %get3A_283 = tpu.vector_load %arg6[%get3A_281, %get3A_282] {strides = array<i32>} : memref<125x80xi32, #tpu.memory_space<vmem>>, vector<1x16xi32>,
      %get3A_284 = vector.shape_cast %get3A_283 : vector<1x16xi32> to vector<16xi32>
      %and3A_285 = arith.constant 65535 : i32
      %and3A_286 = vector.broadcast %and3A_285 : i32 to vector<16xi32>
      %and3A_287 = arith.andi %get3A_284, %and3A_286 : vector<16xi32>
      %swap3A_288 = arith.constant 2 : i32
      %swap3A_289 = arith.index_cast %swap3A_288 : i32 to index
      %swap3A_290 = arith.constant 0 : index
      %swap3A_291 = tpu.vector_load %arg7[%swap3A_289, %swap3A_290] {strides = array<i32>} : memref<3x80xi32, #tpu.memory_space<vmem>>, vector<1x16xi32>,
      %swap3A_292 = vector.shape_cast %swap3A_291 : vector<1x16xi32> to vector<16xi32>
      %swap3A_293 = vector.shape_cast %and3A_287 : vector<16xi32> to vector<1x16xi32>
      tpu.vector_store %arg7[%swap3A_289, %swap3A_290], %swap3A_293 {strides = array<i32>} : memref<3x80xi32, #tpu.memory_space<vmem>>, vector<1x16xi32>,
      %shift_right_logical3A_294 = arith.constant 16 : i32
      %shift_right_logical3A_295 = vector.broadcast %shift_right_logical3A_294 : i32 to vector<16xi32>
      %shift_right_logical3A_296 = arith.shrui %get3A_284, %shift_right_logical3A_295 : vector<16xi32>
      %swap3A_297 = arith.constant 2 : i32
      %swap3A_298 = arith.index_cast %swap3A_297 : i32 to index
      %swap3A_299 = arith.constant 0 : index
      %swap3A_300 = tpu.vector_load %arg8[%swap3A_298, %swap3A_299] {strides = array<i32>} : memref<3x80xi32, #tpu.memory_space<vmem>>, vector<1x16xi32>,
      %swap3A_301 = vector.shape_cast %swap3A_300 : vector<1x16xi32> to vector<16xi32>
      %swap3A_302 = vector.shape_cast %shift_right_logical3A_296 : vector<16xi32> to vector<1x16xi32>
      tpu.vector_store %arg8[%swap3A_298, %swap3A_299], %swap3A_302 {strides = array<i32>} : memref<3x80xi32, #tpu.memory_space<vmem>>, vector<1x16xi32>,
      %get3A_303 = arith.index_cast %add3A_280 : i32 to index
      %get3A_304 = arith.constant 16 : index
      %get3A_305 = tpu.vector_load %arg6[%get3A_303, %get3A_304] {strides = array<i32>} : memref<125x80xi32, #tpu.memory_space<vmem>>, vector<1x16xi32>,
      %get3A_306 = vector.shape_cast %get3A_305 : vector<1x16xi32> to vector<16xi32>
      %and3A_307 = arith.constant 65535 : i32
      %and3A_308 = vector.broadcast %and3A_307 : i32 to vector<16xi32>
      %and3A_309 = arith.andi %get3A_306, %and3A_308 : vector<16xi32>
      %swap3A_310 = arith.constant 2 : i32
      %swap3A_311 = arith.index_cast %swap3A_310 : i32 to index
      %swap3A_312 = arith.constant 16 : index
      %swap3A_313 = tpu.vector_load %arg7[%swap3A_311, %swap3A_312] {strides = array<i32>} : memref<3x80xi32, #tpu.memory_space<vmem>>, vector<1x16xi32>,
      %swap3A_314 = vector.shape_cast %swap3A_313 : vector<1x16xi32> to vector<16xi32>
      %swap3A_315 = vector.shape_cast %and3A_309 : vector<16xi32> to vector<1x16xi32>
      tpu.vector_store %arg7[%swap3A_311, %swap3A_312], %swap3A_315 {strides = array<i32>} : memref<3x80xi32, #tpu.memory_space<vmem>>, vector<1x16xi32>,
      %shift_right_logical3A_316 = arith.constant 16 : i32
      %shift_right_logical3A_317 = vector.broadcast %shift_right_logical3A_316 : i32 to vector<16xi32>
      %shift_right_logical3A_318 = arith.shrui %get3A_306, %shift_right_logical3A_317 : vector<16xi32>
      %swap3A_319 = arith.constant 2 : i32
      %swap3A_320 = arith.index_cast %swap3A_319 : i32 to index
      %swap3A_321 = arith.constant 16 : index
      %swap3A_322 = tpu.vector_load %arg8[%swap3A_320, %swap3A_321] {strides = array<i32>} : memref<3x80xi32, #tpu.memory_space<vmem>>, vector<1x16xi32>,
      %swap3A_323 = vector.shape_cast %swap3A_322 : vector<1x16xi32> to vector<16xi32>
      %swap3A_324 = vector.shape_cast %shift_right_logical3A_318 : vector<16xi32> to vector<1x16xi32>
      tpu.vector_store %arg8[%swap3A_320, %swap3A_321], %swap3A_324 {strides = array<i32>} : memref<3x80xi32, #tpu.memory_space<vmem>>, vector<1x16xi32>,
      %get3A_325 = arith.index_cast %add3A_280 : i32 to index
      %get3A_326 = arith.constant 32 : index
      %get3A_327 = tpu.vector_load %arg6[%get3A_325, %get3A_326] {strides = array<i32>} : memref<125x80xi32, #tpu.memory_space<vmem>>, vector<1x16xi32>,
      %get3A_328 = vector.shape_cast %get3A_327 : vector<1x16xi32> to vector<16xi32>
      %and3A_329 = arith.constant 65535 : i32
      %and3A_330 = vector.broadcast %and3A_329 : i32 to vector<16xi32>
      %and3A_331 = arith.andi %get3A_328, %and3A_330 : vector<16xi32>
      %swap3A_332 = arith.constant 2 : i32
      %swap3A_333 = arith.index_cast %swap3A_332 : i32 to index
      %swap3A_334 = arith.constant 32 : index
      %swap3A_335 = tpu.vector_load %arg7[%swap3A_333, %swap3A_334] {strides = array<i32>} : memref<3x80xi32, #tpu.memory_space<vmem>>, vector<1x16xi32>,
      %swap3A_336 = vector.shape_cast %swap3A_335 : vector<1x16xi32> to vector<16xi32>
      %swap3A_337 = vector.shape_cast %and3A_331 : vector<16xi32> to vector<1x16xi32>
      tpu.vector_store %arg7[%swap3A_333, %swap3A_334], %swap3A_337 {strides = array<i32>} : memref<3x80xi32, #tpu.memory_space<vmem>>, vector<1x16xi32>,
      %shift_right_logical3A_338 = arith.constant 16 : i32
      %shift_right_logical3A_339 = vector.broadcast %shift_right_logical3A_338 : i32 to vector<16xi32>
      %shift_right_logical3A_340 = arith.shrui %get3A_328, %shift_right_logical3A_339 : vector<16xi32>
      %swap3A_341 = arith.constant 2 : i32
      %swap3A_342 = arith.index_cast %swap3A_341 : i32 to index
      %swap3A_343 = arith.constant 32 : index
      %swap3A_344 = tpu.vector_load %arg8[%swap3A_342, %swap3A_343] {strides = array<i32>} : memref<3x80xi32, #tpu.memory_space<vmem>>, vector<1x16xi32>,
      %swap3A_345 = vector.shape_cast %swap3A_344 : vector<1x16xi32> to vector<16xi32>
      %swap3A_346 = vector.shape_cast %shift_right_logical3A_340 : vector<16xi32> to vector<1x16xi32>
      tpu.vector_store %arg8[%swap3A_342, %swap3A_343], %swap3A_346 {strides = array<i32>} : memref<3x80xi32, #tpu.memory_space<vmem>>, vector<1x16xi32>,
      %get3A_347 = arith.index_cast %add3A_280 : i32 to index
      %get3A_348 = arith.constant 48 : index
      %get3A_349 = tpu.vector_load %arg6[%get3A_347, %get3A_348] {strides = array<i32>} : memref<125x80xi32, #tpu.memory_space<vmem>>, vector<1x16xi32>,
      %get3A_350 = vector.shape_cast %get3A_349 : vector<1x16xi32> to vector<16xi32>
      %and3A_351 = arith.constant 65535 : i32
      %and3A_352 = vector.broadcast %and3A_351 : i32 to vector<16xi32>
      %and3A_353 = arith.andi %get3A_350, %and3A_352 : vector<16xi32>
      %swap3A_354 = arith.constant 2 : i32
      %swap3A_355 = arith.index_cast %swap3A_354 : i32 to index
      %swap3A_356 = arith.constant 48 : index
      %swap3A_357 = tpu.vector_load %arg7[%swap3A_355, %swap3A_356] {strides = array<i32>} : memref<3x80xi32, #tpu.memory_space<vmem>>, vector<1x16xi32>,
      %swap3A_358 = vector.shape_cast %swap3A_357 : vector<1x16xi32> to vector<16xi32>
      %swap3A_359 = vector.shape_cast %and3A_353 : vector<16xi32> to vector<1x16xi32>
      tpu.vector_store %arg7[%swap3A_355, %swap3A_356], %swap3A_359 {strides = array<i32>} : memref<3x80xi32, #tpu.memory_space<vmem>>, vector<1x16xi32>,
      %shift_right_logical3A_360 = arith.constant 16 : i32
      %shift_right_logical3A_361 = vector.broadcast %shift_right_logical3A_360 : i32 to vector<16xi32>
      %shift_right_logical3A_362 = arith.shrui %get3A_350, %shift_right_logical3A_361 : vector<16xi32>
      %swap3A_363 = arith.constant 2 : i32
      %swap3A_364 = arith.index_cast %swap3A_363 : i32 to index
      %swap3A_365 = arith.constant 48 : index
      %swap3A_366 = tpu.vector_load %arg8[%swap3A_364, %swap3A_365] {strides = array<i32>} : memref<3x80xi32, #tpu.memory_space<vmem>>, vector<1x16xi32>,
      %swap3A_367 = vector.shape_cast %swap3A_366 : vector<1x16xi32> to vector<16xi32>
      %swap3A_368 = vector.shape_cast %shift_right_logical3A_362 : vector<16xi32> to vector<1x16xi32>
      tpu.vector_store %arg8[%swap3A_364, %swap3A_365], %swap3A_368 {strides = array<i32>} : memref<3x80xi32, #tpu.memory_space<vmem>>, vector<1x16xi32>,
      %get3A_369 = arith.index_cast %add3A_280 : i32 to index
      %get3A_370 = arith.constant 64 : index
      %get3A_371 = tpu.vector_load %arg6[%get3A_369, %get3A_370] {strides = array<i32>} : memref<125x80xi32, #tpu.memory_space<vmem>>, vector<1x16xi32>,
      %get3A_372 = vector.shape_cast %get3A_371 : vector<1x16xi32> to vector<16xi32>
      %and3A_373 = arith.constant 65535 : i32
      %and3A_374 = vector.broadcast %and3A_373 : i32 to vector<16xi32>
      %and3A_375 = arith.andi %get3A_372, %and3A_374 : vector<16xi32>
      %swap3A_376 = arith.constant 2 : i32
      %swap3A_377 = arith.index_cast %swap3A_376 : i32 to index
      %swap3A_378 = arith.constant 64 : index
      %swap3A_379 = tpu.vector_load %arg7[%swap3A_377, %swap3A_378] {strides = array<i32>} : memref<3x80xi32, #tpu.memory_space<vmem>>, vector<1x16xi32>,
      %swap3A_380 = vector.shape_cast %swap3A_379 : vector<1x16xi32> to vector<16xi32>
      %swap3A_381 = vector.shape_cast %and3A_375 : vector<16xi32> to vector<1x16xi32>
      tpu.vector_store %arg7[%swap3A_377, %swap3A_378], %swap3A_381 {strides = array<i32>} : memref<3x80xi32, #tpu.memory_space<vmem>>, vector<1x16xi32>,
      %shift_right_logical3A_382 = arith.constant 16 : i32
      %shift_right_logical3A_383 = vector.broadcast %shift_right_logical3A_382 : i32 to vector<16xi32>
      %shift_right_logical3A_384 = arith.shrui %get3A_372, %shift_right_logical3A_383 : vector<16xi32>
      %swap3A_385 = arith.constant 2 : i32
      %swap3A_386 = arith.index_cast %swap3A_385 : i32 to index
      %swap3A_387 = arith.constant 64 : index
      %swap3A_388 = tpu.vector_load %arg8[%swap3A_386, %swap3A_387] {strides = array<i32>} : memref<3x80xi32, #tpu.memory_space<vmem>>, vector<1x16xi32>,
      %swap3A_389 = vector.shape_cast %swap3A_388 : vector<1x16xi32> to vector<16xi32>
      %swap3A_390 = vector.shape_cast %shift_right_logical3A_384 : vector<16xi32> to vector<1x16xi32>
      tpu.vector_store %arg8[%swap3A_386, %swap3A_387], %swap3A_390 {strides = array<i32>} : memref<3x80xi32, #tpu.memory_space<vmem>>, vector<1x16xi32>,
      %dma_start3A_391 = arith.constant 2 : i32
      %dma_start3A_392 = arith.constant 0 : i32
      %dma_start3A_393 = tpu.memref_slice %arg7[%dma_start3A_391, %dma_start3A_392] : memref<3x80xi32, #tpu.memory_space<vmem>> -> memref<1x80xi32, #tpu.memory_space<vmem>>
      %dma_start3A_394 = tpu.memref_squeeze %dma_start3A_393 : memref<1x80xi32, #tpu.memory_space<vmem>> -> memref<80xi32, #tpu.memory_space<vmem>>
      %dma_start3A_395 = arith.constant 0 : i32
      %dma_start3A_396 = arith.constant 0 : i32
      %dma_start3A_397 = tpu.memref_slice %arg2[%dma_start3A_395, %dma_start3A_396] : memref<10000x128xf32, #tpu.memory_space<hbm>> -> memref<10000x128xf32, #tpu.memory_space<hbm>>
      tpu.enqueue_indirect_dma source(%dma_start3A_397 : memref<10000x128xf32, #tpu.memory_space<hbm>>) target(%arg11 : memref<80x128xf32, #tpu.memory_space<vmem>>) offsets(%dma_start3A_394 : memref<80xi32, #tpu.memory_space<vmem>>) semaphore(%arg15 : memref<!tpu.dma_semaphore, #tpu.memory_space<semaphore_mem>>)
      %run_scoped3A_398 = arith.constant 0 : i32
      "tpu.region"() ({
        %run_scoped3A_657 = tpu.sem_alloc : memref<!tpu.dma_semaphore, #tpu.memory_space<semaphore_mem>>
        %dma_start3A_658 = arith.constant 0 : i32
        %dma_start3A_659 = tpu.memref_slice %arg8[%run_scoped3A_398, %dma_start3A_658] : memref<3x80xi32, #tpu.memory_space<vmem>> -> memref<1x80xi32, #tpu.memory_space<vmem>>
        %dma_start3A_660 = tpu.memref_squeeze %dma_start3A_659 : memref<1x80xi32, #tpu.memory_space<vmem>> -> memref<80xi32, #tpu.memory_space<vmem>>
        %dma_start3A_661 = arith.constant 0 : i32
        %dma_start3A_662 = arith.constant 0 : i32
        %dma_start3A_663 = tpu.memref_slice %arg12[%dma_start3A_661, %dma_start3A_662] : memref<10000x128xf32, #tpu.memory_space<vmem_shared>> -> memref<10000x128xf32, #tpu.memory_space<vmem_shared>>
        tpu.enqueue_indirect_dma source(%arg9 : memref<80x128xf32, #tpu.memory_space<vmem>>) target(%dma_start3A_663 : memref<10000x128xf32, #tpu.memory_space<vmem_shared>>) offsets(%dma_start3A_660 : memref<80xi32, #tpu.memory_space<vmem>>) semaphore(%run_scoped3A_657 : memref<!tpu.dma_semaphore, #tpu.memory_space<semaphore_mem>>) {add = true}
        %dma_wait3A_664 = arith.constant 0 : i32
        %dma_wait3A_665 = tpu.memref_slice %arg8[%run_scoped3A_398, %dma_wait3A_664] : memref<3x80xi32, #tpu.memory_space<vmem>> -> memref<1x80xi32, #tpu.memory_space<vmem>>
        %dma_wait3A_666 = tpu.memref_squeeze %dma_wait3A_665 : memref<1x80xi32, #tpu.memory_space<vmem>> -> memref<80xi32, #tpu.memory_space<vmem>>
        %dma_wait3A_667 = arith.constant 0 : i32
        %dma_wait3A_668 = arith.constant 0 : i32
        %dma_wait3A_669 = tpu.memref_slice %arg12[%dma_wait3A_667, %dma_wait3A_668] : memref<10000x128xf32, #tpu.memory_space<vmem_shared>> -> memref<10000x128xf32, #tpu.memory_space<vmem_shared>>
        tpu.wait_indirect_dma semaphore(%run_scoped3A_657 : memref<!tpu.dma_semaphore, #tpu.memory_space<semaphore_mem>>) src(%arg9 : memref<80x128xf32, #tpu.memory_space<vmem>>) dst(%dma_wait3A_669 : memref<10000x128xf32, #tpu.memory_space<vmem_shared>>)
        tpu.yield
      }) : () -> ()
      %add3A_399 = arith.constant 1 : i32
      %add3A_400 = arith.addi %mul3A_271, %add3A_399 : i32
      %dma_wait3A_401 = arith.constant 1 : i32
      %dma_wait3A_402 = arith.constant 0 : i32
      %dma_wait3A_403 = tpu.memref_slice %arg7[%dma_wait3A_401, %dma_wait3A_402] : memref<3x80xi32, #tpu.memory_space<vmem>> -> memref<1x80xi32, #tpu.memory_space<vmem>>
      %dma_wait3A_404 = tpu.memref_squeeze %dma_wait3A_403 : memref<1x80xi32, #tpu.memory_space<vmem>> -> memref<80xi32, #tpu.memory_space<vmem>>
      %dma_wait3A_405 = arith.constant 0 : i32
      %dma_wait3A_406 = arith.constant 0 : i32
      %dma_wait3A_407 = tpu.memref_slice %arg2[%dma_wait3A_405, %dma_wait3A_406] : memref<10000x128xf32, #tpu.memory_space<hbm>> -> memref<10000x128xf32, #tpu.memory_space<hbm>>
      tpu.wait_indirect_dma semaphore(%arg14 : memref<!tpu.dma_semaphore, #tpu.memory_space<semaphore_mem>>) src(%dma_wait3A_407 : memref<10000x128xf32, #tpu.memory_space<hbm>>) dst(%arg10 : memref<80x128xf32, #tpu.memory_space<vmem>>)
      %add3A_408 = arith.constant 2 : i32
      %add3A_409 = arith.addi %add3A_400, %add3A_408 : i32
      %get3A_410 = arith.index_cast %add3A_409 : i32 to index
      %get3A_411 = arith.constant 0 : index
      %get3A_412 = tpu.vector_load %arg6[%get3A_410, %get3A_411] {strides = array<i32>} : memref<125x80xi32, #tpu.memory_space<vmem>>, vector<1x16xi32>,
      %get3A_413 = vector.shape_cast %get3A_412 : vector<1x16xi32> to vector<16xi32>
      %and3A_414 = arith.constant 65535 : i32
      %and3A_415 = vector.broadcast %and3A_414 : i32 to vector<16xi32>
      %and3A_416 = arith.andi %get3A_413, %and3A_415 : vector<16xi32>
      %swap3A_417 = arith.constant 0 : i32
      %swap3A_418 = arith.index_cast %swap3A_417 : i32 to index
      %swap3A_419 = arith.constant 0 : index
      %swap3A_420 = tpu.vector_load %arg7[%swap3A_418, %swap3A_419] {strides = array<i32>} : memref<3x80xi32, #tpu.memory_space<vmem>>, vector<1x16xi32>,
      %swap3A_421 = vector.shape_cast %swap3A_420 : vector<1x16xi32> to vector<16xi32>
      %swap3A_422 = vector.shape_cast %and3A_416 : vector<16xi32> to vector<1x16xi32>
      tpu.vector_store %arg7[%swap3A_418, %swap3A_419], %swap3A_422 {strides = array<i32>} : memref<3x80xi32, #tpu.memory_space<vmem>>, vector<1x16xi32>,
      %shift_right_logical3A_423 = arith.constant 16 : i32
      %shift_right_logical3A_424 = vector.broadcast %shift_right_logical3A_423 : i32 to vector<16xi32>
      %shift_right_logical3A_425 = arith.shrui %get3A_413, %shift_right_logical3A_424 : vector<16xi32>
      %swap3A_426 = arith.constant 0 : i32
      %swap3A_427 = arith.index_cast %swap3A_426 : i32 to index
      %swap3A_428 = arith.constant 0 : index
      %swap3A_429 = tpu.vector_load %arg8[%swap3A_427, %swap3A_428] {strides = array<i32>} : memref<3x80xi32, #tpu.memory_space<vmem>>, vector<1x16xi32>,
      %swap3A_430 = vector.shape_cast %swap3A_429 : vector<1x16xi32> to vector<16xi32>
      %swap3A_431 = vector.shape_cast %shift_right_logical3A_425 : vector<16xi32> to vector<1x16xi32>
      tpu.vector_store %arg8[%swap3A_427, %swap3A_428], %swap3A_431 {strides = array<i32>} : memref<3x80xi32, #tpu.memory_space<vmem>>, vector<1x16xi32>,
      %get3A_432 = arith.index_cast %add3A_409 : i32 to index
      %get3A_433 = arith.constant 16 : index
      %get3A_434 = tpu.vector_load %arg6[%get3A_432, %get3A_433] {strides = array<i32>} : memref<125x80xi32, #tpu.memory_space<vmem>>, vector<1x16xi32>,
      %get3A_435 = vector.shape_cast %get3A_434 : vector<1x16xi32> to vector<16xi32>
      %and3A_436 = arith.constant 65535 : i32
      %and3A_437 = vector.broadcast %and3A_436 : i32 to vector<16xi32>
      %and3A_438 = arith.andi %get3A_435, %and3A_437 : vector<16xi32>
      %swap3A_439 = arith.constant 0 : i32
      %swap3A_440 = arith.index_cast %swap3A_439 : i32 to index
      %swap3A_441 = arith.constant 16 : index
      %swap3A_442 = tpu.vector_load %arg7[%swap3A_440, %swap3A_441] {strides = array<i32>} : memref<3x80xi32, #tpu.memory_space<vmem>>, vector<1x16xi32>,
      %swap3A_443 = vector.shape_cast %swap3A_442 : vector<1x16xi32> to vector<16xi32>
      %swap3A_444 = vector.shape_cast %and3A_438 : vector<16xi32> to vector<1x16xi32>
      tpu.vector_store %arg7[%swap3A_440, %swap3A_441], %swap3A_444 {strides = array<i32>} : memref<3x80xi32, #tpu.memory_space<vmem>>, vector<1x16xi32>,
      %shift_right_logical3A_445 = arith.constant 16 : i32
      %shift_right_logical3A_446 = vector.broadcast %shift_right_logical3A_445 : i32 to vector<16xi32>
      %shift_right_logical3A_447 = arith.shrui %get3A_435, %shift_right_logical3A_446 : vector<16xi32>
      %swap3A_448 = arith.constant 0 : i32
      %swap3A_449 = arith.index_cast %swap3A_448 : i32 to index
      %swap3A_450 = arith.constant 16 : index
      %swap3A_451 = tpu.vector_load %arg8[%swap3A_449, %swap3A_450] {strides = array<i32>} : memref<3x80xi32, #tpu.memory_space<vmem>>, vector<1x16xi32>,
      %swap3A_452 = vector.shape_cast %swap3A_451 : vector<1x16xi32> to vector<16xi32>
      %swap3A_453 = vector.shape_cast %shift_right_logical3A_447 : vector<16xi32> to vector<1x16xi32>
      tpu.vector_store %arg8[%swap3A_449, %swap3A_450], %swap3A_453 {strides = array<i32>} : memref<3x80xi32, #tpu.memory_space<vmem>>, vector<1x16xi32>,
      %get3A_454 = arith.index_cast %add3A_409 : i32 to index
      %get3A_455 = arith.constant 32 : index
      %get3A_456 = tpu.vector_load %arg6[%get3A_454, %get3A_455] {strides = array<i32>} : memref<125x80xi32, #tpu.memory_space<vmem>>, vector<1x16xi32>,
      %get3A_457 = vector.shape_cast %get3A_456 : vector<1x16xi32> to vector<16xi32>
      %and3A_458 = arith.constant 65535 : i32
      %and3A_459 = vector.broadcast %and3A_458 : i32 to vector<16xi32>
      %and3A_460 = arith.andi %get3A_457, %and3A_459 : vector<16xi32>
      %swap3A_461 = arith.constant 0 : i32
      %swap3A_462 = arith.index_cast %swap3A_461 : i32 to index
      %swap3A_463 = arith.constant 32 : index
      %swap3A_464 = tpu.vector_load %arg7[%swap3A_462, %swap3A_463] {strides = array<i32>} : memref<3x80xi32, #tpu.memory_space<vmem>>, vector<1x16xi32>,
      %swap3A_465 = vector.shape_cast %swap3A_464 : vector<1x16xi32> to vector<16xi32>
      %swap3A_466 = vector.shape_cast %and3A_460 : vector<16xi32> to vector<1x16xi32>
      tpu.vector_store %arg7[%swap3A_462, %swap3A_463], %swap3A_466 {strides = array<i32>} : memref<3x80xi32, #tpu.memory_space<vmem>>, vector<1x16xi32>,
      %shift_right_logical3A_467 = arith.constant 16 : i32
      %shift_right_logical3A_468 = vector.broadcast %shift_right_logical3A_467 : i32 to vector<16xi32>
      %shift_right_logical3A_469 = arith.shrui %get3A_457, %shift_right_logical3A_468 : vector<16xi32>
      %swap3A_470 = arith.constant 0 : i32
      %swap3A_471 = arith.index_cast %swap3A_470 : i32 to index
      %swap3A_472 = arith.constant 32 : index
      %swap3A_473 = tpu.vector_load %arg8[%swap3A_471, %swap3A_472] {strides = array<i32>} : memref<3x80xi32, #tpu.memory_space<vmem>>, vector<1x16xi32>,
      %swap3A_474 = vector.shape_cast %swap3A_473 : vector<1x16xi32> to vector<16xi32>
      %swap3A_475 = vector.shape_cast %shift_right_logical3A_469 : vector<16xi32> to vector<1x16xi32>
      tpu.vector_store %arg8[%swap3A_471, %swap3A_472], %swap3A_475 {strides = array<i32>} : memref<3x80xi32, #tpu.memory_space<vmem>>, vector<1x16xi32>,
      %get3A_476 = arith.index_cast %add3A_409 : i32 to index
      %get3A_477 = arith.constant 48 : index
      %get3A_478 = tpu.vector_load %arg6[%get3A_476, %get3A_477] {strides = array<i32>} : memref<125x80xi32, #tpu.memory_space<vmem>>, vector<1x16xi32>,
      %get3A_479 = vector.shape_cast %get3A_478 : vector<1x16xi32> to vector<16xi32>
      %and3A_480 = arith.constant 65535 : i32
      %and3A_481 = vector.broadcast %and3A_480 : i32 to vector<16xi32>
      %and3A_482 = arith.andi %get3A_479, %and3A_481 : vector<16xi32>
      %swap3A_483 = arith.constant 0 : i32
      %swap3A_484 = arith.index_cast %swap3A_483 : i32 to index
      %swap3A_485 = arith.constant 48 : index
      %swap3A_486 = tpu.vector_load %arg7[%swap3A_484, %swap3A_485] {strides = array<i32>} : memref<3x80xi32, #tpu.memory_space<vmem>>, vector<1x16xi32>,
      %swap3A_487 = vector.shape_cast %swap3A_486 : vector<1x16xi32> to vector<16xi32>
      %swap3A_488 = vector.shape_cast %and3A_482 : vector<16xi32> to vector<1x16xi32>
      tpu.vector_store %arg7[%swap3A_484, %swap3A_485], %swap3A_488 {strides = array<i32>} : memref<3x80xi32, #tpu.memory_space<vmem>>, vector<1x16xi32>,
      %shift_right_logical3A_489 = arith.constant 16 : i32
      %shift_right_logical3A_490 = vector.broadcast %shift_right_logical3A_489 : i32 to vector<16xi32>
      %shift_right_logical3A_491 = arith.shrui %get3A_479, %shift_right_logical3A_490 : vector<16xi32>
      %swap3A_492 = arith.constant 0 : i32
      %swap3A_493 = arith.index_cast %swap3A_492 : i32 to index
      %swap3A_494 = arith.constant 48 : index
      %swap3A_495 = tpu.vector_load %arg8[%swap3A_493, %swap3A_494] {strides = array<i32>} : memref<3x80xi32, #tpu.memory_space<vmem>>, vector<1x16xi32>,
      %swap3A_496 = vector.shape_cast %swap3A_495 : vector<1x16xi32> to vector<16xi32>
      %swap3A_497 = vector.shape_cast %shift_right_logical3A_491 : vector<16xi32> to vector<1x16xi32>
      tpu.vector_store %arg8[%swap3A_493, %swap3A_494], %swap3A_497 {strides = array<i32>} : memref<3x80xi32, #tpu.memory_space<vmem>>, vector<1x16xi32>,
      %get3A_498 = arith.index_cast %add3A_409 : i32 to index
      %get3A_499 = arith.constant 64 : index
      %get3A_500 = tpu.vector_load %arg6[%get3A_498, %get3A_499] {strides = array<i32>} : memref<125x80xi32, #tpu.memory_space<vmem>>, vector<1x16xi32>,
      %get3A_501 = vector.shape_cast %get3A_500 : vector<1x16xi32> to vector<16xi32>
      %and3A_502 = arith.constant 65535 : i32
      %and3A_503 = vector.broadcast %and3A_502 : i32 to vector<16xi32>
      %and3A_504 = arith.andi %get3A_501, %and3A_503 : vector<16xi32>
      %swap3A_505 = arith.constant 0 : i32
      %swap3A_506 = arith.index_cast %swap3A_505 : i32 to index
      %swap3A_507 = arith.constant 64 : index
      %swap3A_508 = tpu.vector_load %arg7[%swap3A_506, %swap3A_507] {strides = array<i32>} : memref<3x80xi32, #tpu.memory_space<vmem>>, vector<1x16xi32>,
      %swap3A_509 = vector.shape_cast %swap3A_508 : vector<1x16xi32> to vector<16xi32>
      %swap3A_510 = vector.shape_cast %and3A_504 : vector<16xi32> to vector<1x16xi32>
      tpu.vector_store %arg7[%swap3A_506, %swap3A_507], %swap3A_510 {strides = array<i32>} : memref<3x80xi32, #tpu.memory_space<vmem>>, vector<1x16xi32>,
      %shift_right_logical3A_511 = arith.constant 16 : i32
      %shift_right_logical3A_512 = vector.broadcast %shift_right_logical3A_511 : i32 to vector<16xi32>
      %shift_right_logical3A_513 = arith.shrui %get3A_501, %shift_right_logical3A_512 : vector<16xi32>
      %swap3A_514 = arith.constant 0 : i32
      %swap3A_515 = arith.index_cast %swap3A_514 : i32 to index
      %swap3A_516 = arith.constant 64 : index
      %swap3A_517 = tpu.vector_load %arg8[%swap3A_515, %swap3A_516] {strides = array<i32>} : memref<3x80xi32, #tpu.memory_space<vmem>>, vector<1x16xi32>,
      %swap3A_518 = vector.shape_cast %swap3A_517 : vector<1x16xi32> to vector<16xi32>
      %swap3A_519 = vector.shape_cast %shift_right_logical3A_513 : vector<16xi32> to vector<1x16xi32>
      tpu.vector_store %arg8[%swap3A_515, %swap3A_516], %swap3A_519 {strides = array<i32>} : memref<3x80xi32, #tpu.memory_space<vmem>>, vector<1x16xi32>,
      %dma_start3A_520 = arith.constant 0 : i32
      %dma_start3A_521 = arith.constant 0 : i32
      %dma_start3A_522 = tpu.memref_slice %arg7[%dma_start3A_520, %dma_start3A_521] : memref<3x80xi32, #tpu.memory_space<vmem>> -> memref<1x80xi32, #tpu.memory_space<vmem>>
      %dma_start3A_523 = tpu.memref_squeeze %dma_start3A_522 : memref<1x80xi32, #tpu.memory_space<vmem>> -> memref<80xi32, #tpu.memory_space<vmem>>
      %dma_start3A_524 = arith.constant 0 : i32
      %dma_start3A_525 = arith.constant 0 : i32
      %dma_start3A_526 = tpu.memref_slice %arg2[%dma_start3A_524, %dma_start3A_525] : memref<10000x128xf32, #tpu.memory_space<hbm>> -> memref<10000x128xf32, #tpu.memory_space<hbm>>
      tpu.enqueue_indirect_dma source(%dma_start3A_526 : memref<10000x128xf32, #tpu.memory_space<hbm>>) target(%arg9 : memref<80x128xf32, #tpu.memory_space<vmem>>) offsets(%dma_start3A_523 : memref<80xi32, #tpu.memory_space<vmem>>) semaphore(%arg13 : memref<!tpu.dma_semaphore, #tpu.memory_space<semaphore_mem>>)
      %run_scoped3A_527 = arith.constant 1 : i32
      "tpu.region"() ({
        %run_scoped3A_657 = tpu.sem_alloc : memref<!tpu.dma_semaphore, #tpu.memory_space<semaphore_mem>>
        %dma_start3A_658 = arith.constant 0 : i32
        %dma_start3A_659 = tpu.memref_slice %arg8[%run_scoped3A_527, %dma_start3A_658] : memref<3x80xi32, #tpu.memory_space<vmem>> -> memref<1x80xi32, #tpu.memory_space<vmem>>
        %dma_start3A_660 = tpu.memref_squeeze %dma_start3A_659 : memref<1x80xi32, #tpu.memory_space<vmem>> -> memref<80xi32, #tpu.memory_space<vmem>>
        %dma_start3A_661 = arith.constant 0 : i32
        %dma_start3A_662 = arith.constant 0 : i32
        %dma_start3A_663 = tpu.memref_slice %arg12[%dma_start3A_661, %dma_start3A_662] : memref<10000x128xf32, #tpu.memory_space<vmem_shared>> -> memref<10000x128xf32, #tpu.memory_space<vmem_shared>>
        tpu.enqueue_indirect_dma source(%arg10 : memref<80x128xf32, #tpu.memory_space<vmem>>) target(%dma_start3A_663 : memref<10000x128xf32, #tpu.memory_space<vmem_shared>>) offsets(%dma_start3A_660 : memref<80xi32, #tpu.memory_space<vmem>>) semaphore(%run_scoped3A_657 : memref<!tpu.dma_semaphore, #tpu.memory_space<semaphore_mem>>) {add = true}
        %dma_wait3A_664 = arith.constant 0 : i32
        %dma_wait3A_665 = tpu.memref_slice %arg8[%run_scoped3A_527, %dma_wait3A_664] : memref<3x80xi32, #tpu.memory_space<vmem>> -> memref<1x80xi32, #tpu.memory_space<vmem>>
        %dma_wait3A_666 = tpu.memref_squeeze %dma_wait3A_665 : memref<1x80xi32, #tpu.memory_space<vmem>> -> memref<80xi32, #tpu.memory_space<vmem>>
        %dma_wait3A_667 = arith.constant 0 : i32
        %dma_wait3A_668 = arith.constant 0 : i32
        %dma_wait3A_669 = tpu.memref_slice %arg12[%dma_wait3A_667, %dma_wait3A_668] : memref<10000x128xf32, #tpu.memory_space<vmem_shared>> -> memref<10000x128xf32, #tpu.memory_space<vmem_shared>>
        tpu.wait_indirect_dma semaphore(%run_scoped3A_657 : memref<!tpu.dma_semaphore, #tpu.memory_space<semaphore_mem>>) src(%arg10 : memref<80x128xf32, #tpu.memory_space<vmem>>) dst(%dma_wait3A_669 : memref<10000x128xf32, #tpu.memory_space<vmem_shared>>)
        tpu.yield
      }) : () -> ()
      %add3A_528 = arith.constant 2 : i32
      %add3A_529 = arith.addi %mul3A_271, %add3A_528 : i32
      %dma_wait3A_530 = arith.constant 2 : i32
      %dma_wait3A_531 = arith.constant 0 : i32
      %dma_wait3A_532 = tpu.memref_slice %arg7[%dma_wait3A_530, %dma_wait3A_531] : memref<3x80xi32, #tpu.memory_space<vmem>> -> memref<1x80xi32, #tpu.memory_space<vmem>>
      %dma_wait3A_533 = tpu.memref_squeeze %dma_wait3A_532 : memref<1x80xi32, #tpu.memory_space<vmem>> -> memref<80xi32, #tpu.memory_space<vmem>>
      %dma_wait3A_534 = arith.constant 0 : i32
      %dma_wait3A_535 = arith.constant 0 : i32
      %dma_wait3A_536 = tpu.memref_slice %arg2[%dma_wait3A_534, %dma_wait3A_535] : memref<10000x128xf32, #tpu.memory_space<hbm>> -> memref<10000x128xf32, #tpu.memory_space<hbm>>
      tpu.wait_indirect_dma semaphore(%arg15 : memref<!tpu.dma_semaphore, #tpu.memory_space<semaphore_mem>>) src(%dma_wait3A_536 : memref<10000x128xf32, #tpu.memory_space<hbm>>) dst(%arg11 : memref<80x128xf32, #tpu.memory_space<vmem>>)
      %add3A_537 = arith.constant 2 : i32
      %add3A_538 = arith.addi %add3A_529, %add3A_537 : i32
      %get3A_539 = arith.index_cast %add3A_538 : i32 to index
      %get3A_540 = arith.constant 0 : index
      %get3A_541 = tpu.vector_load %arg6[%get3A_539, %get3A_540] {strides = array<i32>} : memref<125x80xi32, #tpu.memory_space<vmem>>, vector<1x16xi32>,
      %get3A_542 = vector.shape_cast %get3A_541 : vector<1x16xi32> to vector<16xi32>
      %and3A_543 = arith.constant 65535 : i32
      %and3A_544 = vector.broadcast %and3A_543 : i32 to vector<16xi32>
      %and3A_545 = arith.andi %get3A_542, %and3A_544 : vector<16xi32>
      %swap3A_546 = arith.constant 1 : i32
      %swap3A_547 = arith.index_cast %swap3A_546 : i32 to index
      %swap3A_548 = arith.constant 0 : index
      %swap3A_549 = tpu.vector_load %arg7[%swap3A_547, %swap3A_548] {strides = array<i32>} : memref<3x80xi32, #tpu.memory_space<vmem>>, vector<1x16xi32>,
      %swap3A_550 = vector.shape_cast %swap3A_549 : vector<1x16xi32> to vector<16xi32>
      %swap3A_551 = vector.shape_cast %and3A_545 : vector<16xi32> to vector<1x16xi32>
      tpu.vector_store %arg7[%swap3A_547, %swap3A_548], %swap3A_551 {strides = array<i32>} : memref<3x80xi32, #tpu.memory_space<vmem>>, vector<1x16xi32>,
      %shift_right_logical3A_552 = arith.constant 16 : i32
      %shift_right_logical3A_553 = vector.broadcast %shift_right_logical3A_552 : i32 to vector<16xi32>
      %shift_right_logical3A_554 = arith.shrui %get3A_542, %shift_right_logical3A_553 : vector<16xi32>
      %swap3A_555 = arith.constant 1 : i32
      %swap3A_556 = arith.index_cast %swap3A_555 : i32 to index
      %swap3A_557 = arith.constant 0 : index
      %swap3A_558 = tpu.vector_load %arg8[%swap3A_556, %swap3A_557] {strides = array<i32>} : memref<3x80xi32, #tpu.memory_space<vmem>>, vector<1x16xi32>,
      %swap3A_559 = vector.shape_cast %swap3A_558 : vector<1x16xi32> to vector<16xi32>
      %swap3A_560 = vector.shape_cast %shift_right_logical3A_554 : vector<16xi32> to vector<1x16xi32>
      tpu.vector_store %arg8[%swap3A_556, %swap3A_557], %swap3A_560 {strides = array<i32>} : memref<3x80xi32, #tpu.memory_space<vmem>>, vector<1x16xi32>,
      %get3A_561 = arith.index_cast %add3A_538 : i32 to index
      %get3A_562 = arith.constant 16 : index
      %get3A_563 = tpu.vector_load %arg6[%get3A_561, %get3A_562] {strides = array<i32>} : memref<125x80xi32, #tpu.memory_space<vmem>>, vector<1x16xi32>,
      %get3A_564 = vector.shape_cast %get3A_563 : vector<1x16xi32> to vector<16xi32>
      %and3A_565 = arith.constant 65535 : i32
      %and3A_566 = vector.broadcast %and3A_565 : i32 to vector<16xi32>
      %and3A_567 = arith.andi %get3A_564, %and3A_566 : vector<16xi32>
      %swap3A_568 = arith.constant 1 : i32
      %swap3A_569 = arith.index_cast %swap3A_568 : i32 to index
      %swap3A_570 = arith.constant 16 : index
      %swap3A_571 = tpu.vector_load %arg7[%swap3A_569, %swap3A_570] {strides = array<i32>} : memref<3x80xi32, #tpu.memory_space<vmem>>, vector<1x16xi32>,
      %swap3A_572 = vector.shape_cast %swap3A_571 : vector<1x16xi32> to vector<16xi32>
      %swap3A_573 = vector.shape_cast %and3A_567 : vector<16xi32> to vector<1x16xi32>
      tpu.vector_store %arg7[%swap3A_569, %swap3A_570], %swap3A_573 {strides = array<i32>} : memref<3x80xi32, #tpu.memory_space<vmem>>, vector<1x16xi32>,
      %shift_right_logical3A_574 = arith.constant 16 : i32
      %shift_right_logical3A_575 = vector.broadcast %shift_right_logical3A_574 : i32 to vector<16xi32>
      %shift_right_logical3A_576 = arith.shrui %get3A_564, %shift_right_logical3A_575 : vector<16xi32>
      %swap3A_577 = arith.constant 1 : i32
      %swap3A_578 = arith.index_cast %swap3A_577 : i32 to index
      %swap3A_579 = arith.constant 16 : index
      %swap3A_580 = tpu.vector_load %arg8[%swap3A_578, %swap3A_579] {strides = array<i32>} : memref<3x80xi32, #tpu.memory_space<vmem>>, vector<1x16xi32>,
      %swap3A_581 = vector.shape_cast %swap3A_580 : vector<1x16xi32> to vector<16xi32>
      %swap3A_582 = vector.shape_cast %shift_right_logical3A_576 : vector<16xi32> to vector<1x16xi32>
      tpu.vector_store %arg8[%swap3A_578, %swap3A_579], %swap3A_582 {strides = array<i32>} : memref<3x80xi32, #tpu.memory_space<vmem>>, vector<1x16xi32>,
      %get3A_583 = arith.index_cast %add3A_538 : i32 to index
      %get3A_584 = arith.constant 32 : index
      %get3A_585 = tpu.vector_load %arg6[%get3A_583, %get3A_584] {strides = array<i32>} : memref<125x80xi32, #tpu.memory_space<vmem>>, vector<1x16xi32>,
      %get3A_586 = vector.shape_cast %get3A_585 : vector<1x16xi32> to vector<16xi32>
      %and3A_587 = arith.constant 65535 : i32
      %and3A_588 = vector.broadcast %and3A_587 : i32 to vector<16xi32>
      %and3A_589 = arith.andi %get3A_586, %and3A_588 : vector<16xi32>
      %swap3A_590 = arith.constant 1 : i32
      %swap3A_591 = arith.index_cast %swap3A_590 : i32 to index
      %swap3A_592 = arith.constant 32 : index
      %swap3A_593 = tpu.vector_load %arg7[%swap3A_591, %swap3A_592] {strides = array<i32>} : memref<3x80xi32, #tpu.memory_space<vmem>>, vector<1x16xi32>,
      %swap3A_594 = vector.shape_cast %swap3A_593 : vector<1x16xi32> to vector<16xi32>
      %swap3A_595 = vector.shape_cast %and3A_589 : vector<16xi32> to vector<1x16xi32>
      tpu.vector_store %arg7[%swap3A_591, %swap3A_592], %swap3A_595 {strides = array<i32>} : memref<3x80xi32, #tpu.memory_space<vmem>>, vector<1x16xi32>,
      %shift_right_logical3A_596 = arith.constant 16 : i32
      %shift_right_logical3A_597 = vector.broadcast %shift_right_logical3A_596 : i32 to vector<16xi32>
      %shift_right_logical3A_598 = arith.shrui %get3A_586, %shift_right_logical3A_597 : vector<16xi32>
      %swap3A_599 = arith.constant 1 : i32
      %swap3A_600 = arith.index_cast %swap3A_599 : i32 to index
      %swap3A_601 = arith.constant 32 : index
      %swap3A_602 = tpu.vector_load %arg8[%swap3A_600, %swap3A_601] {strides = array<i32>} : memref<3x80xi32, #tpu.memory_space<vmem>>, vector<1x16xi32>,
      %swap3A_603 = vector.shape_cast %swap3A_602 : vector<1x16xi32> to vector<16xi32>
      %swap3A_604 = vector.shape_cast %shift_right_logical3A_598 : vector<16xi32> to vector<1x16xi32>
      tpu.vector_store %arg8[%swap3A_600, %swap3A_601], %swap3A_604 {strides = array<i32>} : memref<3x80xi32, #tpu.memory_space<vmem>>, vector<1x16xi32>,
      %get3A_605 = arith.index_cast %add3A_538 : i32 to index
      %get3A_606 = arith.constant 48 : index
      %get3A_607 = tpu.vector_load %arg6[%get3A_605, %get3A_606] {strides = array<i32>} : memref<125x80xi32, #tpu.memory_space<vmem>>, vector<1x16xi32>,
      %get3A_608 = vector.shape_cast %get3A_607 : vector<1x16xi32> to vector<16xi32>
      %and3A_609 = arith.constant 65535 : i32
      %and3A_610 = vector.broadcast %and3A_609 : i32 to vector<16xi32>
      %and3A_611 = arith.andi %get3A_608, %and3A_610 : vector<16xi32>
      %swap3A_612 = arith.constant 1 : i32
      %swap3A_613 = arith.index_cast %swap3A_612 : i32 to index
      %swap3A_614 = arith.constant 48 : index
      %swap3A_615 = tpu.vector_load %arg7[%swap3A_613, %swap3A_614] {strides = array<i32>} : memref<3x80xi32, #tpu.memory_space<vmem>>, vector<1x16xi32>,
      %swap3A_616 = vector.shape_cast %swap3A_615 : vector<1x16xi32> to vector<16xi32>
      %swap3A_617 = vector.shape_cast %and3A_611 : vector<16xi32> to vector<1x16xi32>
      tpu.vector_store %arg7[%swap3A_613, %swap3A_614], %swap3A_617 {strides = array<i32>} : memref<3x80xi32, #tpu.memory_space<vmem>>, vector<1x16xi32>,
      %shift_right_logical3A_618 = arith.constant 16 : i32
      %shift_right_logical3A_619 = vector.broadcast %shift_right_logical3A_618 : i32 to vector<16xi32>
      %shift_right_logical3A_620 = arith.shrui %get3A_608, %shift_right_logical3A_619 : vector<16xi32>
      %swap3A_621 = arith.constant 1 : i32
      %swap3A_622 = arith.index_cast %swap3A_621 : i32 to index
      %swap3A_623 = arith.constant 48 : index
      %swap3A_624 = tpu.vector_load %arg8[%swap3A_622, %swap3A_623] {strides = array<i32>} : memref<3x80xi32, #tpu.memory_space<vmem>>, vector<1x16xi32>,
      %swap3A_625 = vector.shape_cast %swap3A_624 : vector<1x16xi32> to vector<16xi32>
      %swap3A_626 = vector.shape_cast %shift_right_logical3A_620 : vector<16xi32> to vector<1x16xi32>
      tpu.vector_store %arg8[%swap3A_622, %swap3A_623], %swap3A_626 {strides = array<i32>} : memref<3x80xi32, #tpu.memory_space<vmem>>, vector<1x16xi32>,
      %get3A_627 = arith.index_cast %add3A_538 : i32 to index
      %get3A_628 = arith.constant 64 : index
      %get3A_629 = tpu.vector_load %arg6[%get3A_627, %get3A_628] {strides = array<i32>} : memref<125x80xi32, #tpu.memory_space<vmem>>, vector<1x16xi32>,
      %get3A_630 = vector.shape_cast %get3A_629 : vector<1x16xi32> to vector<16xi32>
      %and3A_631 = arith.constant 65535 : i32
      %and3A_632 = vector.broadcast %and3A_631 : i32 to vector<16xi32>
      %and3A_633 = arith.andi %get3A_630, %and3A_632 : vector<16xi32>
      %swap3A_634 = arith.constant 1 : i32
      %swap3A_635 = arith.index_cast %swap3A_634 : i32 to index
      %swap3A_636 = arith.constant 64 : index
      %swap3A_637 = tpu.vector_load %arg7[%swap3A_635, %swap3A_636] {strides = array<i32>} : memref<3x80xi32, #tpu.memory_space<vmem>>, vector<1x16xi32>,
      %swap3A_638 = vector.shape_cast %swap3A_637 : vector<1x16xi32> to vector<16xi32>
      %swap3A_639 = vector.shape_cast %and3A_633 : vector<16xi32> to vector<1x16xi32>
      tpu.vector_store %arg7[%swap3A_635, %swap3A_636], %swap3A_639 {strides = array<i32>} : memref<3x80xi32, #tpu.memory_space<vmem>>, vector<1x16xi32>,
      %shift_right_logical3A_640 = arith.constant 16 : i32
      %shift_right_logical3A_641 = vector.broadcast %shift_right_logical3A_640 : i32 to vector<16xi32>
      %shift_right_logical3A_642 = arith.shrui %get3A_630, %shift_right_logical3A_641 : vector<16xi32>
      %swap3A_643 = arith.constant 1 : i32
      %swap3A_644 = arith.index_cast %swap3A_643 : i32 to index
      %swap3A_645 = arith.constant 64 : index
      %swap3A_646 = tpu.vector_load %arg8[%swap3A_644, %swap3A_645] {strides = array<i32>} : memref<3x80xi32, #tpu.memory_space<vmem>>, vector<1x16xi32>,
      %swap3A_647 = vector.shape_cast %swap3A_646 : vector<1x16xi32> to vector<16xi32>
      %swap3A_648 = vector.shape_cast %shift_right_logical3A_642 : vector<16xi32> to vector<1x16xi32>
      tpu.vector_store %arg8[%swap3A_644, %swap3A_645], %swap3A_648 {strides = array<i32>} : memref<3x80xi32, #tpu.memory_space<vmem>>, vector<1x16xi32>,
      %dma_start3A_649 = arith.constant 1 : i32
      %dma_start3A_650 = arith.constant 0 : i32
      %dma_start3A_651 = tpu.memref_slice %arg7[%dma_start3A_649, %dma_start3A_650] : memref<3x80xi32, #tpu.memory_space<vmem>> -> memref<1x80xi32, #tpu.memory_space<vmem>>
      %dma_start3A_652 = tpu.memref_squeeze %dma_start3A_651 : memref<1x80xi32, #tpu.memory_space<vmem>> -> memref<80xi32, #tpu.memory_space<vmem>>
      %dma_start3A_653 = arith.constant 0 : i32
      %dma_start3A_654 = arith.constant 0 : i32
      %dma_start3A_655 = tpu.memref_slice %arg2[%dma_start3A_653, %dma_start3A_654] : memref<10000x128xf32, #tpu.memory_space<hbm>> -> memref<10000x128xf32, #tpu.memory_space<hbm>>
      tpu.enqueue_indirect_dma source(%dma_start3A_655 : memref<10000x128xf32, #tpu.memory_space<hbm>>) target(%arg10 : memref<80x128xf32, #tpu.memory_space<vmem>>) offsets(%dma_start3A_652 : memref<80xi32, #tpu.memory_space<vmem>>) semaphore(%arg14 : memref<!tpu.dma_semaphore, #tpu.memory_space<semaphore_mem>>)
      %run_scoped3A_656 = arith.constant 2 : i32
      "tpu.region"() ({
        %run_scoped3A_657 = tpu.sem_alloc : memref<!tpu.dma_semaphore, #tpu.memory_space<semaphore_mem>>
        %dma_start3A_658 = arith.constant 0 : i32
        %dma_start3A_659 = tpu.memref_slice %arg8[%run_scoped3A_656, %dma_start3A_658] : memref<3x80xi32, #tpu.memory_space<vmem>> -> memref<1x80xi32, #tpu.memory_space<vmem>>
        %dma_start3A_660 = tpu.memref_squeeze %dma_start3A_659 : memref<1x80xi32, #tpu.memory_space<vmem>> -> memref<80xi32, #tpu.memory_space<vmem>>
        %dma_start3A_661 = arith.constant 0 : i32
        %dma_start3A_662 = arith.constant 0 : i32
        %dma_start3A_663 = tpu.memref_slice %arg12[%dma_start3A_661, %dma_start3A_662] : memref<10000x128xf32, #tpu.memory_space<vmem_shared>> -> memref<10000x128xf32, #tpu.memory_space<vmem_shared>>
        tpu.enqueue_indirect_dma source(%arg11 : memref<80x128xf32, #tpu.memory_space<vmem>>) target(%dma_start3A_663 : memref<10000x128xf32, #tpu.memory_space<vmem_shared>>) offsets(%dma_start3A_660 : memref<80xi32, #tpu.memory_space<vmem>>) semaphore(%run_scoped3A_657 : memref<!tpu.dma_semaphore, #tpu.memory_space<semaphore_mem>>) {add = true}
        %dma_wait3A_664 = arith.constant 0 : i32
        %dma_wait3A_665 = tpu.memref_slice %arg8[%run_scoped3A_656, %dma_wait3A_664] : memref<3x80xi32, #tpu.memory_space<vmem>> -> memref<1x80xi32, #tpu.memory_space<vmem>>
        %dma_wait3A_666 = tpu.memref_squeeze %dma_wait3A_665 : memref<1x80xi32, #tpu.memory_space<vmem>> -> memref<80xi32, #tpu.memory_space<vmem>>
        %dma_wait3A_667 = arith.constant 0 : i32
        %dma_wait3A_668 = arith.constant 0 : i32
        %dma_wait3A_669 = tpu.memref_slice %arg12[%dma_wait3A_667, %dma_wait3A_668] : memref<10000x128xf32, #tpu.memory_space<vmem_shared>> -> memref<10000x128xf32, #tpu.memory_space<vmem_shared>>
        tpu.wait_indirect_dma semaphore(%run_scoped3A_657 : memref<!tpu.dma_semaphore, #tpu.memory_space<semaphore_mem>>) src(%arg11 : memref<80x128xf32, #tpu.memory_space<vmem>>) dst(%dma_wait3A_669 : memref<10000x128xf32, #tpu.memory_space<vmem_shared>>)
        tpu.yield
      }) : () -> ()
    }
    %scan3A_248 = arith.constant 41 : i32
    %dma_wait3A = arith.constant 0 : i32
    %dma_wait3A_249 = arith.constant 0 : i32
    %dma_wait3A_250 = tpu.memref_slice %arg7[%dma_wait3A, %dma_wait3A_249] : memref<3x80xi32, #tpu.memory_space<vmem>> -> memref<1x80xi32, #tpu.memory_space<vmem>>
    %dma_wait3A_251 = tpu.memref_squeeze %dma_wait3A_250 : memref<1x80xi32, #tpu.memory_space<vmem>> -> memref<80xi32, #tpu.memory_space<vmem>>
    %dma_wait3A_252 = arith.constant 0 : i32
    %dma_wait3A_253 = arith.constant 0 : i32
    %dma_wait3A_254 = tpu.memref_slice %arg2[%dma_wait3A_252, %dma_wait3A_253] : memref<10000x128xf32, #tpu.memory_space<hbm>> -> memref<10000x128xf32, #tpu.memory_space<hbm>>
    tpu.wait_indirect_dma semaphore(%arg13 : memref<!tpu.dma_semaphore, #tpu.memory_space<semaphore_mem>>) src(%dma_wait3A_254 : memref<10000x128xf32, #tpu.memory_space<hbm>>) dst(%arg9 : memref<80x128xf32, #tpu.memory_space<vmem>>)
    %run_scoped3A = arith.constant 0 : i32
    "tpu.region"() ({
      %run_scoped3A_269 = tpu.sem_alloc : memref<!tpu.dma_semaphore, #tpu.memory_space<semaphore_mem>>
      %dma_start3A_270 = arith.constant 0 : i32
      %dma_start3A_271 = tpu.memref_slice %arg8[%run_scoped3A, %dma_start3A_270] : memref<3x80xi32, #tpu.memory_space<vmem>> -> memref<1x80xi32, #tpu.memory_space<vmem>>
      %dma_start3A_272 = tpu.memref_squeeze %dma_start3A_271 : memref<1x80xi32, #tpu.memory_space<vmem>> -> memref<80xi32, #tpu.memory_space<vmem>>
      %dma_start3A_273 = arith.constant 0 : i32
      %dma_start3A_274 = arith.constant 0 : i32
      %dma_start3A_275 = tpu.memref_slice %arg12[%dma_start3A_273, %dma_start3A_274] : memref<10000x128xf32, #tpu.memory_space<vmem_shared>> -> memref<10000x128xf32, #tpu.memory_space<vmem_shared>>
      tpu.enqueue_indirect_dma source(%arg9 : memref<80x128xf32, #tpu.memory_space<vmem>>) target(%dma_start3A_275 : memref<10000x128xf32, #tpu.memory_space<vmem_shared>>) offsets(%dma_start3A_272 : memref<80xi32, #tpu.memory_space<vmem>>) semaphore(%run_scoped3A_269 : memref<!tpu.dma_semaphore, #tpu.memory_space<semaphore_mem>>) {add = true}
      %dma_wait3A_276 = arith.constant 0 : i32
      %dma_wait3A_277 = tpu.memref_slice %arg8[%run_scoped3A, %dma_wait3A_276] : memref<3x80xi32, #tpu.memory_space<vmem>> -> memref<1x80xi32, #tpu.memory_space<vmem>>
      %dma_wait3A_278 = tpu.memref_squeeze %dma_wait3A_277 : memref<1x80xi32, #tpu.memory_space<vmem>> -> memref<80xi32, #tpu.memory_space<vmem>>
      %dma_wait3A_279 = arith.constant 0 : i32
      %dma_wait3A_280 = arith.constant 0 : i32
      %dma_wait3A_281 = tpu.memref_slice %arg12[%dma_wait3A_279, %dma_wait3A_280] : memref<10000x128xf32, #tpu.memory_space<vmem_shared>> -> memref<10000x128xf32, #tpu.memory_space<vmem_shared>>
      tpu.wait_indirect_dma semaphore(%run_scoped3A_269 : memref<!tpu.dma_semaphore, #tpu.memory_space<semaphore_mem>>) src(%arg9 : memref<80x128xf32, #tpu.memory_space<vmem>>) dst(%dma_wait3A_281 : memref<10000x128xf32, #tpu.memory_space<vmem_shared>>)
      tpu.yield
    }) : () -> ()
    %dma_wait3A_255 = arith.constant 1 : i32
    %dma_wait3A_256 = arith.constant 0 : i32
    %dma_wait3A_257 = tpu.memref_slice %arg7[%dma_wait3A_255, %dma_wait3A_256] : memref<3x80xi32, #tpu.memory_space<vmem>> -> memref<1x80xi32, #tpu.memory_space<vmem>>
    %dma_wait3A_258 = tpu.memref_squeeze %dma_wait3A_257 : memref<1x80xi32, #tpu.memory_space<vmem>> -> memref<80xi32, #tpu.memory_space<vmem>>
    %dma_wait3A_259 = arith.constant 0 : i32
    %dma_wait3A_260 = arith.constant 0 : i32
    %dma_wait3A_261 = tpu.memref_slice %arg2[%dma_wait3A_259, %dma_wait3A_260] : memref<10000x128xf32, #tpu.memory_space<hbm>> -> memref<10000x128xf32, #tpu.memory_space<hbm>>
    tpu.wait_indirect_dma semaphore(%arg14 : memref<!tpu.dma_semaphore, #tpu.memory_space<semaphore_mem>>) src(%dma_wait3A_261 : memref<10000x128xf32, #tpu.memory_space<hbm>>) dst(%arg10 : memref<80x128xf32, #tpu.memory_space<vmem>>)
    %run_scoped3A_262 = arith.constant 1 : i32
    "tpu.region"() ({
      %run_scoped3A_269 = tpu.sem_alloc : memref<!tpu.dma_semaphore, #tpu.memory_space<semaphore_mem>>
      %dma_start3A_270 = arith.constant 0 : i32
      %dma_start3A_271 = tpu.memref_slice %arg8[%run_scoped3A_262, %dma_start3A_270] : memref<3x80xi32, #tpu.memory_space<vmem>> -> memref<1x80xi32, #tpu.memory_space<vmem>>
      %dma_start3A_272 = tpu.memref_squeeze %dma_start3A_271 : memref<1x80xi32, #tpu.memory_space<vmem>> -> memref<80xi32, #tpu.memory_space<vmem>>
      %dma_start3A_273 = arith.constant 0 : i32
      %dma_start3A_274 = arith.constant 0 : i32
      %dma_start3A_275 = tpu.memref_slice %arg12[%dma_start3A_273, %dma_start3A_274] : memref<10000x128xf32, #tpu.memory_space<vmem_shared>> -> memref<10000x128xf32, #tpu.memory_space<vmem_shared>>
      tpu.enqueue_indirect_dma source(%arg10 : memref<80x128xf32, #tpu.memory_space<vmem>>) target(%dma_start3A_275 : memref<10000x128xf32, #tpu.memory_space<vmem_shared>>) offsets(%dma_start3A_272 : memref<80xi32, #tpu.memory_space<vmem>>) semaphore(%run_scoped3A_269 : memref<!tpu.dma_semaphore, #tpu.memory_space<semaphore_mem>>) {add = true}
      %dma_wait3A_276 = arith.constant 0 : i32
      %dma_wait3A_277 = tpu.memref_slice %arg8[%run_scoped3A_262, %dma_wait3A_276] : memref<3x80xi32, #tpu.memory_space<vmem>> -> memref<1x80xi32, #tpu.memory_space<vmem>>
      %dma_wait3A_278 = tpu.memref_squeeze %dma_wait3A_277 : memref<1x80xi32, #tpu.memory_space<vmem>> -> memref<80xi32, #tpu.memory_space<vmem>>
      %dma_wait3A_279 = arith.constant 0 : i32
      %dma_wait3A_280 = arith.constant 0 : i32
      %dma_wait3A_281 = tpu.memref_slice %arg12[%dma_wait3A_279, %dma_wait3A_280] : memref<10000x128xf32, #tpu.memory_space<vmem_shared>> -> memref<10000x128xf32, #tpu.memory_space<vmem_shared>>
      tpu.wait_indirect_dma semaphore(%run_scoped3A_269 : memref<!tpu.dma_semaphore, #tpu.memory_space<semaphore_mem>>) src(%arg10 : memref<80x128xf32, #tpu.memory_space<vmem>>) dst(%dma_wait3A_281 : memref<10000x128xf32, #tpu.memory_space<vmem_shared>>)
      tpu.yield
    }) : () -> ()
    %barrier3A_263 = arith.constant 0 : index
    tpu.barrier barrier_id(%barrier3A_263)
    "tpu.region"() ({
      %run_scoped3A_269 = tpu.sem_alloc : memref<!tpu.dma_semaphore, #tpu.memory_space<semaphore_mem>>
      %dma_start3A_270 = arith.constant 0 : i32
      %dma_start3A_271 = tpu.memref_slice %arg5[%arg0, %multiple_of3A, %dma_start3A_270] : memref<2x10000x128xf32, #tpu.memory_space<hbm>> -> memref<1x624x128xf32, #tpu.memory_space<hbm>>
      %dma_start3A_272 = tpu.memref_squeeze %dma_start3A_271 : memref<1x624x128xf32, #tpu.memory_space<hbm>> -> memref<624x128xf32, #tpu.memory_space<hbm>>
      %dma_start3A_273 = arith.constant 0 : i32
      %dma_start3A_274 = tpu.memref_slice %arg12[%multiple_of3A, %dma_start3A_273] : memref<10000x128xf32, #tpu.memory_space<vmem_shared>> -> memref<624x128xf32, #tpu.memory_space<vmem_shared>>
      tpu.enqueue_dma source(%dma_start3A_274 : memref<624x128xf32, #tpu.memory_space<vmem_shared>>) target(%dma_start3A_272 : memref<624x128xf32, #tpu.memory_space<hbm>>) target_semaphore(%run_scoped3A_269 : memref<!tpu.dma_semaphore, #tpu.memory_space<semaphore_mem>>)
      %dma_wait3A_275 = arith.constant 0 : i32
      %dma_wait3A_276 = tpu.memref_slice %arg5[%arg0, %multiple_of3A, %dma_wait3A_275] : memref<2x10000x128xf32, #tpu.memory_space<hbm>> -> memref<1x624x128xf32, #tpu.memory_space<hbm>>
      %dma_wait3A_277 = tpu.memref_squeeze %dma_wait3A_276 : memref<1x624x128xf32, #tpu.memory_space<hbm>> -> memref<624x128xf32, #tpu.memory_space<hbm>>
      %dma_wait3A_278 = arith.constant 0 : i32
      %dma_wait3A_279 = tpu.memref_slice %arg12[%multiple_of3A, %dma_wait3A_278] : memref<10000x128xf32, #tpu.memory_space<vmem_shared>> -> memref<624x128xf32, #tpu.memory_space<vmem_shared>>
      tpu.wait_dma2 semaphore(%run_scoped3A_269 : memref<!tpu.dma_semaphore, #tpu.memory_space<semaphore_mem>>) src(%dma_wait3A_279 : memref<624x128xf32, #tpu.memory_space<vmem_shared>>) dst(%dma_wait3A_277 : memref<624x128xf32, #tpu.memory_space<hbm>>)
      tpu.yield
    }) : () -> ()
    %eq3A_264 = arith.constant 15 : i32
    %eq3A_265 = arith.cmpi eq, %arg1, %eq3A_264 : i32
    %convert_element_type3A_266 = arith.extui %eq3A_265 : i1 to i32
    %cond3A_267 = arith.constant 0 : i32
    %cond3A_268 = arith.cmpi ne, %convert_element_type3A_266, %cond3A_267 : i32
    scf.if %cond3A_268 {
      "tpu.region"() ({
        %run_scoped3A_269 = tpu.sem_alloc : memref<!tpu.dma_semaphore, #tpu.memory_space<semaphore_mem>>
        %dma_start3A_270 = arith.constant 9984 : i32
        %dma_start3A_271 = arith.constant 0 : i32
        %dma_start3A_272 = tpu.memref_slice %arg5[%arg0, %dma_start3A_270, %dma_start3A_271] : memref<2x10000x128xf32, #tpu.memory_space<hbm>> -> memref<1x16x128xf32, #tpu.memory_space<hbm>>
        %dma_start3A_273 = tpu.memref_squeeze %dma_start3A_272 : memref<1x16x128xf32, #tpu.memory_space<hbm>> -> memref<16x128xf32, #tpu.memory_space<hbm>>
        %dma_start3A_274 = arith.constant 9984 : i32
        %dma_start3A_275 = arith.constant 0 : i32
        %dma_start3A_276 = tpu.memref_slice %arg12[%dma_start3A_274, %dma_start3A_275] : memref<10000x128xf32, #tpu.memory_space<vmem_shared>> -> memref<16x128xf32, #tpu.memory_space<vmem_shared>>
        tpu.enqueue_dma source(%dma_start3A_276 : memref<16x128xf32, #tpu.memory_space<vmem_shared>>) target(%dma_start3A_273 : memref<16x128xf32, #tpu.memory_space<hbm>>) target_semaphore(%run_scoped3A_269 : memref<!tpu.dma_semaphore, #tpu.memory_space<semaphore_mem>>)
        %dma_wait3A_277 = arith.constant 9984 : i32
        %dma_wait3A_278 = arith.constant 0 : i32
        %dma_wait3A_279 = tpu.memref_slice %arg5[%arg0, %dma_wait3A_277, %dma_wait3A_278] : memref<2x10000x128xf32, #tpu.memory_space<hbm>> -> memref<1x16x128xf32, #tpu.memory_space<hbm>>
        %dma_wait3A_280 = tpu.memref_squeeze %dma_wait3A_279 : memref<1x16x128xf32, #tpu.memory_space<hbm>> -> memref<16x128xf32, #tpu.memory_space<hbm>>
        %dma_wait3A_281 = arith.constant 9984 : i32
        %dma_wait3A_282 = arith.constant 0 : i32
        %dma_wait3A_283 = tpu.memref_slice %arg12[%dma_wait3A_281, %dma_wait3A_282] : memref<10000x128xf32, #tpu.memory_space<vmem_shared>> -> memref<16x128xf32, #tpu.memory_space<vmem_shared>>
        tpu.wait_dma2 semaphore(%run_scoped3A_269 : memref<!tpu.dma_semaphore, #tpu.memory_space<semaphore_mem>>) src(%dma_wait3A_283 : memref<16x128xf32, #tpu.memory_space<vmem_shared>>) dst(%dma_wait3A_280 : memref<16x128xf32, #tpu.memory_space<hbm>>)
        tpu.yield
      }) : () -> ()
    } else {
    }
    return
  }
}

module attributes {stable_mosaic.version = 14 : i64} {
  func.func @_dense1_body(%arg0: i32, %arg1: memref<2x1000x128xf32, #tpu.memory_space<vmem>>, %arg2: memref<1000x128xf32, #tpu.memory_space<vmem>>, %arg3: memref<2x1000x1xf32, #tpu.memory_space<vmem>>, %arg4: memref<128x128xf32, #tpu.memory_space<vmem>>, %arg5: memref<1x128xf32, #tpu.memory_space<vmem>>, %arg6: memref<1000x128xf32, #tpu.memory_space<vmem>>) attributes {dimension_semantics = [#tpu.dimension_semantics<arbitrary>], iteration_bounds = array<i64: 10>, scalar_prefetch = 0 : i64, scratch_operands = 0 : i64, tpu.core_type = #tpu.core_type<tc>, window_params = [{transform_indices = @transform_0, window_bounds = array<i64: 2, 1000, 128>}, {transform_indices = @transform_1, window_bounds = array<i64: 1000, 128>}, {transform_indices = @transform_2, window_bounds = array<i64: 2, 1000, 1>}, {pipeline_mode = #tpu.pipeline_mode<synchronous>, transform_indices = @transform_3, window_bounds = array<i64: 128, 128>}, {pipeline_mode = #tpu.pipeline_mode<synchronous>, transform_indices = @transform_4, window_bounds = array<i64: 1, 128>}, {transform_indices = @transform_5, window_bounds = array<i64: 1000, 128>}]} {
    %get3A = arith.constant 0 : index
    %get3A_0 = arith.constant 0 : index
    %get3A_1 = arith.constant 0 : index
    %get3A_2 = vector.load %arg1[%get3A, %get3A_0, %get3A_1] : memref<2x1000x128xf32, #tpu.memory_space<vmem>>, vector<1x1000x128xf32>
    %get3A_3 = vector.shape_cast %get3A_2 : vector<1x1000x128xf32> to vector<1000x128xf32>
    %get3A_4 = arith.constant 1 : index
    %get3A_5 = arith.constant 0 : index
    %get3A_6 = arith.constant 0 : index
    %get3A_7 = vector.load %arg1[%get3A_4, %get3A_5, %get3A_6] : memref<2x1000x128xf32, #tpu.memory_space<vmem>>, vector<1x1000x128xf32>
    %get3A_8 = vector.shape_cast %get3A_7 : vector<1x1000x128xf32> to vector<1000x128xf32>
    %add3A = arith.addf %get3A_3, %get3A_8 : vector<1000x128xf32>
    %get3A_9 = arith.constant 0 : index
    %get3A_10 = arith.constant 0 : index
    %get3A_11 = vector.load %arg2[%get3A_9, %get3A_10] : memref<1000x128xf32, #tpu.memory_space<vmem>>, vector<1000x128xf32>
    %add3A_12 = arith.addf %add3A, %get3A_11 : vector<1000x128xf32>
    %get3A_13 = arith.constant 0 : index
    %get3A_14 = arith.constant 0 : index
    %get3A_15 = arith.constant 0 : index
    %get3A_16 = vector.load %arg3[%get3A_13, %get3A_14, %get3A_15] : memref<2x1000x1xf32, #tpu.memory_space<vmem>>, vector<1x1000x1xf32>
    %get3A_17 = vector.shape_cast %get3A_16 : vector<1x1000x1xf32> to vector<1000x1xf32>
    %get3A_18 = arith.constant 1 : index
    %get3A_19 = arith.constant 0 : index
    %get3A_20 = arith.constant 0 : index
    %get3A_21 = vector.load %arg3[%get3A_18, %get3A_19, %get3A_20] : memref<2x1000x1xf32, #tpu.memory_space<vmem>>, vector<1x1000x1xf32>
    %get3A_22 = vector.shape_cast %get3A_21 : vector<1x1000x1xf32> to vector<1000x1xf32>
    %add3A_23 = arith.addf %get3A_17, %get3A_22 : vector<1000x1xf32>
    %add3A_24 = arith.constant 1.000000e+00 : f32
    %add3A_25 = vector.broadcast %add3A_24 : f32 to vector<1000x1xf32>
    %add3A_26 = arith.addf %add3A_23, %add3A_25 : vector<1000x1xf32>
    %div3A = vector.broadcast %add3A_26 : vector<1000x1xf32> to vector<1000x128xf32>
    %div3A_27 = arith.divf %add3A_12, %div3A : vector<1000x128xf32>
    %get3A_28 = arith.constant 0 : index
    %get3A_29 = arith.constant 0 : index
    %get3A_30 = vector.load %arg4[%get3A_28, %get3A_29] : memref<128x128xf32, #tpu.memory_space<vmem>>, vector<128x128xf32>
    %dot_general3A = arith.constant dense<0.000000e+00> : vector<1000x128xf32>
    %dot_general3A_31 = tpu.matmul %div3A_27, %get3A_30, %dot_general3A {dimension_numbers = #tpu.dot_dimension_numbers<[1], [0], [0], [1], [0, 0, 1, 1], [], []>, precision = #tpu.contract_precision<fp32>, transpose_lhs_hint = false} : vector<1000x128xf32>, vector<128x128xf32>, vector<1000x128xf32> -> vector<1000x128xf32>
    %get3A_32 = arith.constant 0 : index
    %get3A_33 = arith.constant 0 : index
    %get3A_34 = vector.load %arg5[%get3A_32, %get3A_33] : memref<1x128xf32, #tpu.memory_space<vmem>>, vector<1x128xf32>
    %add3A_35 = vector.broadcast %get3A_34 : vector<1x128xf32> to vector<1000x128xf32>
    %add3A_36 = arith.addf %dot_general3A_31, %add3A_35 : vector<1000x128xf32>
    %max3A = arith.constant 0.000000e+00 : f32
    %max3A_37 = vector.broadcast %max3A : f32 to vector<1000x128xf32>
    %max3A_38 = arith.maximumf %add3A_36, %max3A_37 : vector<1000x128xf32>
    %swap3A = arith.constant 0 : index
    %swap3A_39 = arith.constant 0 : index
    %swap3A_40 = vector.load %arg6[%swap3A, %swap3A_39] : memref<1000x128xf32, #tpu.memory_space<vmem>>, vector<1000x128xf32>
    tpu.vector_store %arg6[%swap3A, %swap3A_39], %max3A_38 {strides = array<i32>} : memref<1000x128xf32, #tpu.memory_space<vmem>>, vector<1000x128xf32>,
    return
  }
  func.func @transform_0(%arg0: i32) -> (i32, i32, i32) {
    %c0_i32 = arith.constant 0 : i32
    %c0_i32_0 = arith.constant 0 : i32
    %c0_i32_1 = arith.constant 0 : i32
    return %c0_i32, %arg0, %c0_i32_0 : i32, i32, i32
  }
  func.func @transform_1(%arg0: i32) -> (i32, i32) {
    %c0_i32 = arith.constant 0 : i32
    %c0_i32_0 = arith.constant 0 : i32
    return %arg0, %c0_i32 : i32, i32
  }
  func.func @transform_2(%arg0: i32) -> (i32, i32, i32) {
    %c0_i32 = arith.constant 0 : i32
    %c0_i32_0 = arith.constant 0 : i32
    %c0_i32_1 = arith.constant 0 : i32
    return %c0_i32, %arg0, %c0_i32_0 : i32, i32, i32
  }
  func.func @transform_3(%arg0: i32) -> (i32, i32) {
    %c0_i32 = arith.constant 0 : i32
    %c0_i32_0 = arith.constant 0 : i32
    %c0_i32_1 = arith.constant 0 : i32
    return %c0_i32, %c0_i32_0 : i32, i32
  }
  func.func @transform_4(%arg0: i32) -> (i32, i32) {
    %c0_i32 = arith.constant 0 : i32
    %c0_i32_0 = arith.constant 0 : i32
    %c0_i32_1 = arith.constant 0 : i32
    return %c0_i32, %c0_i32_0 : i32, i32
  }
  func.func @transform_5(%arg0: i32) -> (i32, i32) {
    %c0_i32 = arith.constant 0 : i32
    %c0_i32_0 = arith.constant 0 : i32
    return %arg0, %c0_i32 : i32, i32
  }
}

module attributes {stable_mosaic.version = 14 : i64} {
  func.func @_dense2_body(%arg0: i32, %arg1: memref<1000x128xf32, #tpu.memory_space<vmem>>, %arg2: memref<2x1000x128xf32, #tpu.memory_space<vmem>>, %arg3: memref<2x1000x1xf32, #tpu.memory_space<vmem>>, %arg4: memref<128x128xf32, #tpu.memory_space<vmem>>, %arg5: memref<128x128xf32, #tpu.memory_space<vmem>>, %arg6: memref<1x128xf32, #tpu.memory_space<vmem>>, %arg7: memref<1000x128xf32, #tpu.memory_space<vmem>>) attributes {dimension_semantics = [#tpu.dimension_semantics<arbitrary>], iteration_bounds = array<i64: 10>, scalar_prefetch = 0 : i64, scratch_operands = 0 : i64, tpu.core_type = #tpu.core_type<tc>, window_params = [{transform_indices = @transform_0, window_bounds = array<i64: 1000, 128>}, {transform_indices = @transform_1, window_bounds = array<i64: 2, 1000, 128>}, {transform_indices = @transform_2, window_bounds = array<i64: 2, 1000, 1>}, {pipeline_mode = #tpu.pipeline_mode<synchronous>, transform_indices = @transform_3, window_bounds = array<i64: 128, 128>}, {pipeline_mode = #tpu.pipeline_mode<synchronous>, transform_indices = @transform_4, window_bounds = array<i64: 128, 128>}, {pipeline_mode = #tpu.pipeline_mode<synchronous>, transform_indices = @transform_5, window_bounds = array<i64: 1, 128>}, {transform_indices = @transform_6, window_bounds = array<i64: 1000, 128>}]} {
    %get3A = arith.constant 0 : index
    %get3A_0 = arith.constant 0 : index
    %get3A_1 = arith.constant 0 : index
    %get3A_2 = vector.load %arg3[%get3A, %get3A_0, %get3A_1] : memref<2x1000x1xf32, #tpu.memory_space<vmem>>, vector<1x1000x1xf32>
    %get3A_3 = vector.shape_cast %get3A_2 : vector<1x1000x1xf32> to vector<1000x1xf32>
    %get3A_4 = arith.constant 1 : index
    %get3A_5 = arith.constant 0 : index
    %get3A_6 = arith.constant 0 : index
    %get3A_7 = vector.load %arg3[%get3A_4, %get3A_5, %get3A_6] : memref<2x1000x1xf32, #tpu.memory_space<vmem>>, vector<1x1000x1xf32>
    %get3A_8 = vector.shape_cast %get3A_7 : vector<1x1000x1xf32> to vector<1000x1xf32>
    %add3A = arith.addf %get3A_3, %get3A_8 : vector<1000x1xf32>
    %max3A = arith.constant 1.000000e+00 : f32
    %max3A_9 = vector.broadcast %max3A : f32 to vector<1000x1xf32>
    %max3A_10 = arith.maximumf %add3A, %max3A_9 : vector<1000x1xf32>
    %get3A_11 = arith.constant 0 : index
    %get3A_12 = arith.constant 0 : index
    %get3A_13 = arith.constant 0 : index
    %get3A_14 = vector.load %arg2[%get3A_11, %get3A_12, %get3A_13] : memref<2x1000x128xf32, #tpu.memory_space<vmem>>, vector<1x1000x128xf32>
    %get3A_15 = vector.shape_cast %get3A_14 : vector<1x1000x128xf32> to vector<1000x128xf32>
    %get3A_16 = arith.constant 1 : index
    %get3A_17 = arith.constant 0 : index
    %get3A_18 = arith.constant 0 : index
    %get3A_19 = vector.load %arg2[%get3A_16, %get3A_17, %get3A_18] : memref<2x1000x128xf32, #tpu.memory_space<vmem>>, vector<1x1000x128xf32>
    %get3A_20 = vector.shape_cast %get3A_19 : vector<1x1000x128xf32> to vector<1000x128xf32>
    %add3A_21 = arith.addf %get3A_15, %get3A_20 : vector<1000x128xf32>
    %div3A = vector.broadcast %max3A_10 : vector<1000x1xf32> to vector<1000x128xf32>
    %div3A_22 = arith.divf %add3A_21, %div3A : vector<1000x128xf32>
    %get3A_23 = arith.constant 0 : index
    %get3A_24 = arith.constant 0 : index
    %get3A_25 = vector.load %arg1[%get3A_23, %get3A_24] : memref<1000x128xf32, #tpu.memory_space<vmem>>, vector<1000x128xf32>
    %get3A_26 = arith.constant 0 : index
    %get3A_27 = arith.constant 0 : index
    %get3A_28 = vector.load %arg4[%get3A_26, %get3A_27] : memref<128x128xf32, #tpu.memory_space<vmem>>, vector<128x128xf32>
    %dot_general3A = arith.constant dense<0.000000e+00> : vector<1000x128xf32>
    %dot_general3A_29 = tpu.matmul %get3A_25, %get3A_28, %dot_general3A {dimension_numbers = #tpu.dot_dimension_numbers<[1], [0], [0], [1], [0, 0, 1, 1], [], []>, precision = #tpu.contract_precision<fp32>, transpose_lhs_hint = false} : vector<1000x128xf32>, vector<128x128xf32>, vector<1000x128xf32> -> vector<1000x128xf32>
    %get3A_30 = arith.constant 0 : index
    %get3A_31 = arith.constant 0 : index
    %get3A_32 = vector.load %arg5[%get3A_30, %get3A_31] : memref<128x128xf32, #tpu.memory_space<vmem>>, vector<128x128xf32>
    %dot_general3A_33 = arith.constant dense<0.000000e+00> : vector<1000x128xf32>
    %dot_general3A_34 = tpu.matmul %div3A_22, %get3A_32, %dot_general3A_33 {dimension_numbers = #tpu.dot_dimension_numbers<[1], [0], [0], [1], [0, 0, 1, 1], [], []>, precision = #tpu.contract_precision<fp32>, transpose_lhs_hint = false} : vector<1000x128xf32>, vector<128x128xf32>, vector<1000x128xf32> -> vector<1000x128xf32>
    %add3A_35 = arith.addf %dot_general3A_29, %dot_general3A_34 : vector<1000x128xf32>
    %get3A_36 = arith.constant 0 : index
    %get3A_37 = arith.constant 0 : index
    %get3A_38 = vector.load %arg6[%get3A_36, %get3A_37] : memref<1x128xf32, #tpu.memory_space<vmem>>, vector<1x128xf32>
    %add3A_39 = vector.broadcast %get3A_38 : vector<1x128xf32> to vector<1000x128xf32>
    %add3A_40 = arith.addf %add3A_35, %add3A_39 : vector<1000x128xf32>
    %swap3A = arith.constant 0 : index
    %swap3A_41 = arith.constant 0 : index
    %swap3A_42 = vector.load %arg7[%swap3A, %swap3A_41] : memref<1000x128xf32, #tpu.memory_space<vmem>>, vector<1000x128xf32>
    tpu.vector_store %arg7[%swap3A, %swap3A_41], %add3A_40 {strides = array<i32>} : memref<1000x128xf32, #tpu.memory_space<vmem>>, vector<1000x128xf32>,
    return
  }
  func.func @transform_0(%arg0: i32) -> (i32, i32) {
    %c0_i32 = arith.constant 0 : i32
    %c0_i32_0 = arith.constant 0 : i32
    return %arg0, %c0_i32 : i32, i32
  }
  func.func @transform_1(%arg0: i32) -> (i32, i32, i32) {
    %c0_i32 = arith.constant 0 : i32
    %c0_i32_0 = arith.constant 0 : i32
    %c0_i32_1 = arith.constant 0 : i32
    return %c0_i32, %arg0, %c0_i32_0 : i32, i32, i32
  }
  func.func @transform_2(%arg0: i32) -> (i32, i32, i32) {
    %c0_i32 = arith.constant 0 : i32
    %c0_i32_0 = arith.constant 0 : i32
    %c0_i32_1 = arith.constant 0 : i32
    return %c0_i32, %arg0, %c0_i32_0 : i32, i32, i32
  }
  func.func @transform_3(%arg0: i32) -> (i32, i32) {
    %c0_i32 = arith.constant 0 : i32
    %c0_i32_0 = arith.constant 0 : i32
    %c0_i32_1 = arith.constant 0 : i32
    return %c0_i32, %c0_i32_0 : i32, i32
  }
  func.func @transform_4(%arg0: i32) -> (i32, i32) {
    %c0_i32 = arith.constant 0 : i32
    %c0_i32_0 = arith.constant 0 : i32
    %c0_i32_1 = arith.constant 0 : i32
    return %c0_i32, %c0_i32_0 : i32, i32
  }
  func.func @transform_5(%arg0: i32) -> (i32, i32) {
    %c0_i32 = arith.constant 0 : i32
    %c0_i32_0 = arith.constant 0 : i32
    %c0_i32_1 = arith.constant 0 : i32
    return %c0_i32, %c0_i32_0 : i32, i32
  }
  func.func @transform_6(%arg0: i32) -> (i32, i32) {
    %c0_i32 = arith.constant 0 : i32
    %c0_i32_0 = arith.constant 0 : i32
    return %arg0, %c0_i32 : i32, i32
  }
}

</mosaic_0001>

<sc_bundles>
// kernel: kernel.6.cloned.1.call-start
scs
__scs_entry_jumppad:
0x0: {  	(pc) =	sbr.rel $0x88, $3  }
0x1: {  	(tag) =	ssettag $0x0;
	lr =	simm.s32 $0x1  }
0x2: {  	[smem:$0x3F9A] =	sst lr;
	_ =	strace $0xD0000000  }
0x3: {  	_ = 	snop  }
0x4: {  	_ = 	snop  }
0x5: {  	_ = 	snop  }
0x6: {  	_ = 	snop  }
0x7: {  	_ = 	snop  }
__scs_overlays_trampoline_lowered:
0x8: {  	[smem:$0x3FA9] =	sst s0  }
0x9: {  	[smem:$0x3FAA] =	sst s1  }
0xa: {  	[smem:$0x3FAB] =	sst s2  }
0xb: {  	[smem:$0x3FAC] =	sst s3  }
0xc: {  	[smem:$0x3FAD] =	sst s4  }
0xd: {  	[smem:$0x3FAE] =	sst s5  }
0xe: {  	[smem:$0x3FAF] =	sst s6  }
0xf: {  	[smem:$0x3FB0] =	sst s7  }
0x10: {  	[smem:$0x3FB1] =	sst s8  }
0x11: {  	[smem:$0x3FB2] =	sst s9;
	s0 =	simm.s32 @!p0 $0x0  }
0x12: {  	s1 =	sld [smem:$0x3F98];
	s0 =	simm.s32 @p0 $0x1  }
0x13: {  	[smem:$0x3FB3] =	sst s0;
	s0 =	simm.s32 @!p1 $0x0  }
0x14: {  	s2 =	sld [smem:$0x3F97];
	s0 =	simm.s32 @p1 $0x1  }
0x15: {  	[smem:$0x3FB4] =	sst s0;
	s0 =	simm.s32 @!p2 $0x0  }
0x16: {  	s3 =	sld [smem:$0x3FDB];
	s0 =	simm.s32 @p2 $0x1  }
0x17: {  	s4 =	simm.s32 $0x1BF5;
	[smem:$0x3FB6] =	sst s0  }
0x18: {  	s0 =	sld [smem:$0x3F99];
	_ =	swait.ge [sflag:s4], $0x0  }
0x19: {  	s7 =	sld [smem:$0x3F9A]  }
0x1a: {  	s8 =	sadd.s32 $0xFFFFE003, lr  }
0x1b: {  	s9 =	sadd.s32 $0xFFFFFEF7, lr;
	s5 =	simm.s32 $0xFFFFFFFF;
	p2 =	slt.u32 s8, $0xFFFFF086  }
0x1c: {  	p1 =	slt.u32 s9, $0xF7A;
	s5 =	simm.s32 @!p2 $0x0  }
0x1d: {  	s5 =	simm.s32 @p1 $0x1;
	p0 =	seq.s32 s7, s2  }
0x1e: {  	s7 =	smul.u32 @!p0 $0xF7A, s2;
	p2 =	seq.s32 @!p0 s5, $0x0  }
0x1f: {  	s9 =	smul.u32 $0xF7A, s1;
	s8 =	simm.s32 @!p0 $0x1BF5;
	p2 =	por !p2, p0  }
0x20: {  	[sflag:s8] =	ssyncset.s32 @!p0 $0xFFFFF086;
	s6 =	sadd.s32 @!p0 s3, s7;
	s7 =	simm.s32 @!p0 $0x108  }
0x21: {  	s3 =	sadd.s32 s3, s9;
	s6 =	sadd.s32 @!p0 $0x88, s6;
	s7 =	simm.s32 @p2 $0x1082  }
0x22: {  	[simem:s7], [sflag:s8] =	dma.local @!p0 [hbm:s6], $0xF7A  }
0x23: {  	s9 =	sor.u32 $0xD0000000, s2;
	s6 =	simm.s32 $0x108;
	_ =	swait.ge @!p0 [sflag:s8], $0x0  }
0x24: {  	s3 =	sadd.s32 $0x88, s3;
	s6 =	simm.s32 @!p1 $0x1082;
	[sflag:s4] =	ssyncset.s32 $0xFFFFF086  }
0x25: {  	[simem:s6], [sflag:s4] =	dma.local [hbm:s3], $0xF7A  }
0x26: {  	[smem:$0x3F9A] =	sst s1;
	(tag) =	ssettag s2;
	_ =	strace s9  }
0x27: {  	s1 =	sld [smem:$0x3FAA]  }
0x28: {  	s2 =	sld [smem:$0x3FAB]  }
0x29: {  	s4 =	sld [smem:$0x3FAD]  }
0x2a: {  	p0 =	seq.s32 s5, $0x0;
	s5 =	sld [smem:$0x3FAE]  }
0x2b: {  	s6 =	sld [smem:$0x3FAF]  }
0x2c: {  	s7 =	sld [smem:$0x3FB0]  }
0x2d: {  	s3 =	simm.s32 $0x108;
	s8 =	sld [smem:$0x3FB1]  }
0x2e: {  	s3 =	simm.s32 @!p0 $0x1082;
	s9 =	sld [smem:$0x3FB2]  }
0x2f: {  	lr =	sadd.s32 s0, s3;
	s0 =	sld [smem:$0x3FA9]  }
0x30: {  	s3 =	sld [smem:$0x3FAC]  }
0x31: {  	[smem:$0x3FB5] =	sst s10  }
0x32: {  	s10 =	sld [smem:$0x3FB3];
	_ =	sdelay $0x3  }
0x33: {  	p0 =	seq.s32 s10, $0x1;
	s10 =	sld [smem:$0x3FB5];
	_ =	sdelay $0x3  }
0x34: {  	[smem:$0x3FB5] =	sst s10  }
0x35: {  	s10 =	sld [smem:$0x3FB4];
	_ =	sdelay $0x3  }
0x36: {  	p1 =	seq.s32 s10, $0x1;
	s10 =	sld [smem:$0x3FB5];
	_ =	sdelay $0x3  }
0x37: {  	[smem:$0x3FB5] =	sst s10  }
0x38: {  	s10 =	sld [smem:$0x3FB6]  }
0x39: {  	_ = 	snop;
	(pc) =	sbr.ind lr, $3  }
0x3a: {  	_ = 	snop  }
0x3b: {  	_ = 	snop  }
0x3c: {  	p2 =	seq.s32 s10, $0x1;
	s10 =	sld [smem:$0x3FB5]  }
0x3d: {  	_ =	shalt  }
0x3e: {  	_ =	shalt  }
0x3f: {  	_ =	shalt  }
0x40: {  	_ =	shalt  }
0x41: {  	_ =	shalt  }
0x42: {  	_ =	shalt  }
0x43: {  	_ =	shalt  }
0x44: {  	_ =	shalt  }
0x45: {  	_ =	shalt  }
0x46: {  	_ =	shalt  }
0x47: {  	_ =	shalt  }
0x48: {  	_ =	shalt  }
0x49: {  	_ =	shalt  }
0x4a: {  	_ =	shalt  }
0x4b: {  	_ =	shalt  }
0x4c: {  	_ =	shalt  }
0x4d: {  	_ =	shalt  }
0x4e: {  	_ =	shalt  }
0x4f: {  	_ =	shalt  }
0x50: {  	_ =	shalt  }
0x51: {  	_ =	shalt  }
0x52: {  	_ =	shalt  }
0x53: {  	_ =	shalt  }
0x54: {  	_ =	shalt  }
0x55: {  	_ =	shalt  }
0x56: {  	_ =	shalt  }
0x57: {  	_ =	shalt  }
0x58: {  	_ =	shalt  }
0x59: {  	_ =	shalt  }
0x5a: {  	_ =	shalt  }
0x5b: {  	_ =	shalt  }
0x5c: {  	_ =	shalt  }
0x5d: {  	_ =	shalt  }
0x5e: {  	_ =	shalt  }
0x5f: {  	_ =	shalt  }
0x60: {  	_ =	shalt  }
0x61: {  	_ =	shalt  }
0x62: {  	_ =	shalt  }
0x63: {  	_ =	shalt  }
0x64: {  	_ =	shalt  }
0x65: {  	_ =	shalt  }
0x66: {  	_ =	shalt  }
0x67: {  	_ =	shalt  }
0x68: {  	_ =	shalt  }
0x69: {  	_ =	shalt  }
0x6a: {  	_ =	shalt  }
0x6b: {  	_ =	shalt  }
0x6c: {  	_ =	shalt  }
0x6d: {  	_ =	shalt  }
0x6e: {  	_ =	shalt  }
0x6f: {  	_ =	shalt  }
0x70: {  	_ =	shalt  }
0x71: {  	_ =	shalt  }
0x72: {  	_ =	shalt  }
0x73: {  	_ =	shalt  }
0x74: {  	_ =	shalt  }
0x75: {  	_ =	shalt  }
0x76: {  	_ =	shalt  }
0x77: {  	_ =	shalt  }
0x78: {  	_ =	shalt  }
0x79: {  	_ =	shalt  }
0x7a: {  	_ =	shalt  }
0x7b: {  	_ =	shalt  }
0x7c: {  	_ =	shalt  }
0x7d: {  	_ =	shalt  }
0x7e: {  	_ =	shalt  }
0x7f: {  	_ =	shalt  }
0x80: {  	_ =	shalt  }
0x81: {  	_ =	shalt  }
0x82: {  	_ =	shalt  }
0x83: {  	_ =	shalt  }
0x84: {  	_ =	shalt  }
0x85: {  	_ =	shalt  }
0x86: {  	_ =	shalt  }
0x87: {  	_ =	shalt  }
.Lfunc_end0:
.L_simem_size_0:
called_computation_lowered:
.L_overlay_start_0:
0x88: {  	s2 =	sld [smem:$0x3FD9]  }
0x89: {  	s3 =	sld [smem:$0x3FFE];
	_ =	sdelay $0x1  }
0x8a: {  	s1 =	srdreg.scid  }
0x8b: {  	s0 =	sand.u32 $0x1, s1  }
0x8c: {  	s17 =	sshll.u32 s0, $0xA;
	s2 =	sadd.s32 s3, s2  }
0x8d: {  	s2 =	sadd.s32 s2, s17  }
0x8e: {  	[smem:$0x3FC1] =	sst s2  }
0x8f: {  	_ = 	snop  }
0x90: {  	s2 =	sld [smem:$0x3FC9]  }
0x91: {  	s18 =	sld [smem:$0x3FD0];
	(tm) =	ssettm $0x1  }
0x92: {  	s4 =	sld [smem:$0x3FFB];
	_ =	sdelay $0x3  }
0x93: {  	_ =	strace s4  }
0x94: {  	s4 =	sld [smem:$0x3FFC];
	_ =	sdelay $0x3  }
0x95: {  	_ =	strace s4  }
0x96: {  	s4 =	sld [smem:$0x3FFD];
	_ =	sdelay $0x3  }
0x97: {  	_ =	strace s4  }
0x98: {  	_ =	strace $0x8FFFFFFF  }
0x99: {  	s19 =	sld [smem:$0x3FDB];
	_ =	sdelay $0x1  }
0x9a: {  	s5 =	simm.s32 $_scs_section_size  }
0x9b: {  	s6 =	simm.s32 $_size__tile_overlayer_lowered;
	s7 =	simm.s32 $_tile_overlayer_lowered  }
0x9c: {  	s22 =	simm.s32 $0x1BFF;
	s21 =	sshll.u32 s7, $0x1;
	s4 =	sadd.s32 s5, s19  }
0x9d: {  	s8 =	simm.s32 $0x0;
	s20 =	sshll.u32 s6, $0x1;
	s6 =	sadd.s32 s21, s4  }
0x9e: {  	[timem:s8], [sflag:s22] =	dma.local [hbm:s6], s20  }
0x9f: {  	_ =	swait.ge [sflag:s22], s20  }
0xa0: {  	s5 =	ssub.s32 $0x0, s20;
	[sflag:s22] =	ssyncset.done $0x0  }
0xa1: {  	[sflag:s22] =	ssyncadd.s32 s5;
	_ =	sdelay $0x1  }
0xa2: {  	s23 =	simm.s32 $0x1B8B  }
0xa3: {  	_ =	swait.ge [sflag:s23], $0x1  }
0xa4: {  	[sflag:s23] =	ssyncset.done $0x0  }
0xa5: {  	s25 =	simm.s32 $0x1B8E;
	s24 =	sld [smem:$0x3FFE];
	[sflag:s23] =	ssyncadd.s32 $0xFFFFFFFF  }
0xa6: {  	s26 =	simm.s32 $execute0_lowered;
	[smem:$0x3FD2] =	sst s25  }
0xa7: {  	s6 =	sshll.u32 s26, $0x1;
	_ =	strace $0x80000046;
	[dreg:$0x1] =	wrdreg $0xFFFFFFFF  }
0xa8: {  	s28 =	simm.s32 $_size_execute0_lowered;
	s4 =	sadd.s32 s4, s6;
	[dreg:$0x0] =	wrdreg $0x0  }
0xa9: {  	s6 =	sshll.u32 s28, $0x1;
	[dreg:$0x2] =	wrdreg s4  }
0xaa: {  	[dreg:$0x3] =	wrdreg s6  }
0xab: {  	[dreg:$0x4] =	wrdreg $0xC0  }
0xac: {  	_ =	task [dreg:s8], $0x5FFFF  }
0xad: {  	[dreg:$0x1] =	wrdreg $0xFFFFFFFF  }
0xae: {  	[dreg:$0x0] =	wrdreg $0x60  }
0xaf: {  	[dreg:$0x2] =	wrdreg s2  }
0xb0: {  	[dreg:$0x3] =	wrdreg s24  }
0xb1: {  	[dreg:$0x4] =	wrdreg s18  }
0xb2: {  	[dreg:$0x5] =	wrdreg $0xBC800  }
0xb3: {  	[dreg:$0x6] =	wrdreg $0x1F5000  }
0xb4: {  	[dreg:$0x7] =	wrdreg $0x9  }
0xb5: {  	_ =	task.clear_ibuf [dreg:s8], $0x8FFFF;
	_ =	strace $0x90000046  }
0xb6: {  	s29 =	simm.s32 $0x9;
	_ =	strace $0x80000048  }
0xb7: {  	_ =	swait.ge [sflag:s29], $0x1  }
0xb8: {  	[sflag:s29] =	ssyncadd.s32 $0xFFFFFFFF  }
0xb9: {  	_ =	strace $0x90000048  }
0xba: {  	_ =	sfence  }
0xbb: {  	s30 =	sld [smem:$0x0];
	_ =	sdelay $0x2  }
0xbc: {  	s31 =	sshll.u32 s1, $0xD;
	s1 =	sshrl.u32 s1, $0x2  }
0xbd: {  	s3 =	sand.u32 $0x4000, s31;
	s1 =	sadd.s32 s1, s30  }
0xbe: {  	s0 =	sor.u32 s3, s0;
	s1 =	sshll.u32 s1, $0x11  }
0xbf: {  	s0 =	sor.u32 s1, s0  }
0xc0: {  	s0 =	sadd.s32 $0x8F2B, s0  }
0xc1: {  	[sflag:s0] =	ssyncadd.remote.s32 $0x1  }
0xc2: {  	_ =	sfence.sel $0xFFFF  }
0xc3: {  	[dreg:$0x0] =	wrdreg $0xFFFFFFFF;
	(pc) =	sbr.abs _section_cstart, $3  }
0xc4: {  	[dreg:$0x1] =	wrdreg $0xFFFFFFFF  }
0xc5: {  	_ =	task.clear_ibuf [dreg:s8], $0x2FFFF;
	_ =	strace $0x9FFFFFFF  }
0xc6: {  	(tm) =	ssettm $0x7FFFFFFF  }
0xc7: {  	_ =	shalt  }
tec
execute0_lowered:
.L_overlay_start_1:
0x0: {  	(tag) =	ssettag $0x1  }
0x1: {  	s1 =	rddreg [dreg:$0x0]  }
0x2: {  	s0 =	rddreg [dreg:$0x1]  }
0x3: {  	s3 =	rddreg [dreg:$0x2]  }
0x4: {  	s2 =	rddreg [dreg:$0x3]  }
0x5: {  	s4 =	rddreg [dreg:$0x4];
	s5 =	simm.s32 $0x0  }
0x6: {  	s26 =	stileid.u32;
	s6 =	srdreg.scid;
	s15 =	simm.s32 $0x4  }
0x7: {  	p1 =	por $0x0, $0x0;
	s28 =	simm.s32 $0x9400;
	s29 =	simm.s32 $0x4200  }
0x8: {  	s30 =	simm.s32 $0xBC00;
	s31 =	simm.s32 $0x2;
	[smem:$0x7FF] =	sst s5  }
0x9: {  	s16 =	sshll.u32 s26, $0xB;
	s6 =	sand.u32 $0x1, s6;
	s9 =	smul.u32 $0x4E000, s26  }
0xa: {  	s7 =	sadd.s32 $0x12200, s0;
	s17 =	sadd.s32 $0x13200, s0;
	s12 =	smul.u32 $0x13800, s26  }
0xb: {  	s25 =	sshll.u32 s26, $0x6;
	p0 =	seq.s32 s26, $0x0;
	p4 =	sne.s32 s26, $0xF  }
0xc: {  	_ =	strace $0x80000047;
	s5 =	sadd.s32 s16, s0;
	[dreg:$0x6] =	wrdreg s7  }
0xd: {  	s8 =	sshll.u32 s6, $0x4;
	s18 =	ssub.s32 $0x2, s6;
	s11 =	sshll.u32 s6, $0xF  }
0xe: {  	s6 =	smul.u32 $0x138800, s6;
	s16 =	sor.u32 $0x1C04, s25;
	p3 =	sne.s32 @!p0 s26, $0xF  }
0xf: {  	s25 =	simm.s32 $0x1;
	s26 =	simm.s32 $0x4100;
	s0 =	sadd.s32 s8, s0  }
0x10: {  	s10 =	sshrl.u32 s18, $0x1;
	s5 =	sadd.s32 s11, s5;
	s19 =	sshrl.u32 s9, $0x2  }
0x11: {  	s20 =	sshrl.u32 s12, $0x3;
	p2 =	por p3, p0;
	p3 =	por !p3, p0  }
0x12: {  	s8 =	ssub.s32 s18, s10;
	s5 =	sadd.s32 $0x2200, s5;
	s9 =	sadd.s32 s3, s20  }
0x13: {  	s21 =	sadd.s32 s12, s6;
	s6 =	sshrl.u32 s6, $0x3;
	s3 =	sadd.s32 $0x27000, s3  }
0x14: {  	s13 =	sadd.s32 $0x12800, s0;
	s18 =	sshrl.u32 @p0 s4, $0x3;
	s20 =	simm.s32 $0x50  }
0x15: {  	s0 =	simm.s32 $0x4280;
	[dreg:$0x7] =	wrdreg s5;
	s5 =	sadd.s32 s19, s2  }
0x16: {  	[dreg:$0x8] =	wrdreg s9;
	s9 =	sadd.s32 $0x138000, s2;
	s22 =	sshrl.u32 s21, $0x3  }
0x17: {  	[dreg:$0x9] =	wrdreg s3;
	s24 =	sadd.s32 s17, s6;
	s14 =	smax.u32 s8, $0x1  }
0x18: {  	s21 =	simm.s32 $0x4000;
	s3 =	simm.s32 $0x3;
	s6 =	simm.s32 $0x0  }
0x19: {  	s23 =	sadd.s32 s17, s22;
	s12 =	sadd.s32 $0x27000, s24;
	s17 =	sshrl.u32 s5, $0x3  }
0x1a: {  	s19 =	sshrl.u32 @!p2 s9, $0x3;
	s22 =	simm.s32 $0x4400;
	s24 =	simm.s32 $0x6C00  }
0x1b: {  	v0 =	vimm.f32 $1.000000000e+00;
	s5 =	simm.s32 $0x4300;
	[dreg:$0xa] =	wrdreg s23;
	s23 =	simm.s32 $0x4080  }
.LBB2_1:
0x1c: {  	s7 =	simm.s32 $0x0;
	s8 =	rddreg [dreg:$0x7]  }
0x1d: {  	[tilespmem:s7], [sflag:$0x4] =	stream.linear.gather [hbm4b:s8+s7], $0x3E80, $0x38;
	[tilespmem:$0x1F778] =	vst v63  }
0x1e: {  	_ =	swait.ge [sflag:s15], $0x3E80  }
0x1f: {  	[sflag:s15] =	ssyncset.done $0x0  }
0x20: {  	s10 =	rddreg [dreg:$0x8];
	[sflag:s15] =	ssyncadd.s32 $0xFFFFC180  }
0x21: {  	[spmem:s17], [sflag:s16] =	dma.local [hbm:s10], $0x2700  }
0x22: {  	_ =	swait.ge [sflag:s15], $0x2700  }
0x23: {  	[sflag:s15] =	ssyncset.done $0x0  }
0x24: {  	s7 =	rddreg [dreg:$0x6];
	[sflag:s15] =	ssyncadd.s32 $0xFFFFD900  }
0x25: {  	[spmem:s18], [sflag:s16] =	dma.local @p0 [hbm:s7], $0x4F0  }
0x26: {  	s7 =	simm.s32 @p0 $0x4  }
0x27: {  	_ =	swait.ge @p0 [sflag:s7], $0x4F0  }
0x28: {  	[sflag:s7] =	ssyncset.done @p0 $0x0  }
0x29: {  	[sflag:s7] =	ssyncadd.s32 @p0 $0xFFFFFB10;
	s7 =	rddreg [dreg:$0x9]  }
0x2a: {  	[spmem:s19], [sflag:s16] =	dma.local @!p2 [hbm:s7], $0x100  }
0x2b: {  	s7 =	simm.s32 @!p2 $0x4  }
0x2c: {  	_ =	swait.ge @!p2 [sflag:s7], $0x100  }
0x2d: {  	[sflag:s7] =	ssyncset.done @!p2 $0x0  }
0x2e: {  	[sflag:s7] =	ssyncadd.s32 @!p2 $0xFFFFFF00  }
0x2f: {  	[tilespmem:$0xBC00] =	vst v0  }
0x30: {  	[tilespmem:$0xBC10] =	vst v0  }
0x31: {  	[tilespmem:$0xBC20] =	vst v0  }
0x32: {  	[tilespmem:$0xBC30] =	vst v0  }
0x33: {  	[tilespmem:$0xBC40] =	vst v0  }
0x34: {  	[bflag:$0x0] =	sbarrier.arrive $0xFFFF  }
0x35: {  	v1 =	vld [tilespmem:$0x0];
	_ =	sdelay $0x1  }
0x36: {  	v2 =	vld [tilespmem:$0x10];
	_ =	sdelay $0x1  }
0x37: {  	v3 =	vld [tilespmem:$0x20]  }
0x38: {  	v4 =	vand.u32 $0xFFFF, v1  }
0x39: {  	v61 =	vld [tilespmem:$0x30];
	v1 =	vshrl.u32 v1, $0x10;
	[tilespmem:$0x4000] =	vst v4  }
0x3a: {  	[tilespmem:$0x4200] =	vst v1;
	v1 =	vand.u32 $0xFFFF, v2  }
0x3b: {  	[tilespmem:$0x4010] =	vst v1;
	v1 =	vshrl.u32 v2, $0x10;
	v2 =	vld [tilespmem:$0x40]  }
0x3c: {  	[tilespmem:$0x4210] =	vst v1;
	v1 =	vand.u32 $0xFFFF, v3  }
0x3d: {  	[tilespmem:$0x4020] =	vst v1;
	v1 =	vshrl.u32 v3, $0x10  }
0x3e: {  	[tilespmem:$0x4220] =	vst v1;
	v1 =	vand.u32 $0xFFFF, v61  }
0x3f: {  	[tilespmem:$0x4030] =	vst v1;
	v1 =	vshrl.u32 v61, $0x10  }
0x40: {  	[tilespmem:$0x4230] =	vst v1;
	v1 =	vand.u32 $0xFFFF, v2  }
0x41: {  	[tilespmem:$0x4040] =	vst v1;
	v1 =	vshrl.u32 v2, $0x10  }
0x42: {  	[tilespmem:$0x4240] =	vst v1  }
0x43: {  	[tilespmem:s22], [sflag:$0x1] =	stream.indirect.gather [hbm4b:s1+s20], $0x80, s21, s20, $0xb8;
	[tilespmem:$0x1F778] =	vst v63  }
0x44: {  	v1 =	vld [tilespmem:$0x80];
	_ =	sdelay $0x1  }
0x45: {  	v2 =	vld [tilespmem:$0x90];
	_ =	sdelay $0x1  }
0x46: {  	v3 =	vld [tilespmem:$0xA0]  }
0x47: {  	v62 =	vand.u32 $0xFFFF, v1  }
0x48: {  	v63 =	vld [tilespmem:$0xB0];
	v1 =	vshrl.u32 v1, $0x10;
	[tilespmem:$0x4080] =	vst v62  }
0x49: {  	[tilespmem:$0x4280] =	vst v1;
	v1 =	vand.u32 $0xFFFF, v2  }
0x4a: {  	[tilespmem:$0x4090] =	vst v1;
	v1 =	vshrl.u32 v2, $0x10;
	v2 =	vld [tilespmem:$0xC0]  }
0x4b: {  	[tilespmem:$0x4290] =	vst v1;
	v1 =	vand.u32 $0xFFFF, v3  }
0x4c: {  	[tilespmem:$0x40A0] =	vst v1;
	v1 =	vshrl.u32 v3, $0x10  }
0x4d: {  	[tilespmem:$0x42A0] =	vst v1;
	v1 =	vand.u32 $0xFFFF, v63  }
0x4e: {  	[tilespmem:$0x40B0] =	vst v1;
	v1 =	vshrl.u32 v63, $0x10  }
0x4f: {  	[tilespmem:$0x42B0] =	vst v1;
	v1 =	vand.u32 $0xFFFF, v2  }
0x50: {  	[tilespmem:$0x40C0] =	vst v1;
	v1 =	vshrl.u32 v2, $0x10  }
0x51: {  	[tilespmem:$0x42C0] =	vst v1  }
0x52: {  	[tilespmem:s24], [sflag:$0x2] =	stream.indirect.gather [hbm4b:s1+s20], $0x80, s23, s20, $0xb8;
	[tilespmem:$0x1F778] =	vst v63  }
0x53: {  	_ =	swait.ge [sflag:s25], $0x2800  }
0x54: {  	[sflag:s25] =	ssyncset.done $0x0  }
0x55: {  	s11 =	simm.s32 $0x0;
	[sflag:s25] =	ssyncadd.s32 $0xFFFFD800  }
0x56: {  	v1 =	vld [tilespmem:s11+$0x100];
	_ =	sdelay $0x4  }
0x57: {  	v2 =	vand.u32 $0xFFFF, v1  }
0x58: {  	v1 =	vshrl.u32 v1, $0x10;
	[tilespmem:$0x4100] =	vst v2  }
0x59: {  	[tilespmem:$0x4300] =	vst v1  }
0x5a: {  	v1 =	vld [tilespmem:s11+$0x110];
	_ =	sdelay $0x4  }
0x5b: {  	v2 =	vand.u32 $0xFFFF, v1  }
0x5c: {  	v1 =	vshrl.u32 v1, $0x10;
	[tilespmem:$0x4110] =	vst v2  }
0x5d: {  	[tilespmem:$0x4310] =	vst v1  }
0x5e: {  	v1 =	vld [tilespmem:s11+$0x120];
	_ =	sdelay $0x4  }
0x5f: {  	v2 =	vand.u32 $0xFFFF, v1  }
0x60: {  	v1 =	vshrl.u32 v1, $0x10;
	[tilespmem:$0x4120] =	vst v2  }
0x61: {  	[tilespmem:$0x4320] =	vst v1  }
0x62: {  	v1 =	vld [tilespmem:s11+$0x130];
	_ =	sdelay $0x4  }
0x63: {  	v2 =	vand.u32 $0xFFFF, v1  }
0x64: {  	v1 =	vshrl.u32 v1, $0x10;
	[tilespmem:$0x4130] =	vst v2  }
0x65: {  	[tilespmem:$0x4330] =	vst v1  }
0x66: {  	v1 =	vld [tilespmem:s11+$0x140];
	_ =	sdelay $0x4  }
0x67: {  	v2 =	vand.u32 $0xFFFF, v1  }
0x68: {  	v1 =	vshrl.u32 v1, $0x10;
	[tilespmem:$0x4140] =	vst v2  }
0x69: {  	[tilespmem:$0x4340] =	vst v1  }
0x6a: {  	[tilespmem:s28], [sflag:$0x3] =	stream.indirect.gather [hbm4b:s1+s20], $0x80, s26, s20, $0xb8;
	[tilespmem:$0x1F778] =	vst v63  }
0x6b: {  	_ = 	snop  }
0x6c: {  	[spmem:s2] =	stream.indirect.scatter.add.f32 [tilespmem:s22], [sflag:$0x4], $0x80, s29, s20, $0xb8;
	[tilespmem:$0x1F778] =	vst v63  }
0x6d: {  	_ =	swait.ge [sflag:s15], $0x2800  }
0x6e: {  	[sflag:s15] =	ssyncset.done $0x0  }
0x6f: {  	[sflag:s15] =	ssyncadd.s32 $0xFFFFD800  }
0x70: {  	[spmem:s4] =	stream.indirect.scatter.add.f32 [tilespmem:s30], [sflag:$0x4], $0x1, s29, s20, $0xb8;
	[tilespmem:$0x1F778] =	vst v63  }
0x71: {  	_ =	swait.ge [sflag:s15], $0x50  }
0x72: {  	[sflag:s15] =	ssyncset.done $0x0  }
0x73: {  	[sflag:s15] =	ssyncadd.s32 $0xFFFFFFB0  }
0x74: {  	_ =	swait.ge [sflag:s31], $0x2800  }
0x75: {  	[sflag:s31] =	ssyncset.done $0x0  }
0x76: {  	[sflag:s31] =	ssyncadd.s32 $0xFFFFD800  }
0x77: {  	v1 =	vld [tilespmem:s11+$0x180];
	_ =	sdelay $0x4  }
0x78: {  	v2 =	vand.u32 $0xFFFF, v1  }
0x79: {  	v1 =	vshrl.u32 v1, $0x10;
	[tilespmem:$0x4000] =	vst v2  }
0x7a: {  	[tilespmem:$0x4200] =	vst v1  }
0x7b: {  	v1 =	vld [tilespmem:s11+$0x190];
	_ =	sdelay $0x4  }
0x7c: {  	v2 =	vand.u32 $0xFFFF, v1  }
0x7d: {  	v1 =	vshrl.u32 v1, $0x10;
	[tilespmem:$0x4010] =	vst v2  }
0x7e: {  	[tilespmem:$0x4210] =	vst v1  }
0x7f: {  	v1 =	vld [tilespmem:s11+$0x1A0];
	_ =	sdelay $0x4  }
0x80: {  	v2 =	vand.u32 $0xFFFF, v1  }
0x81: {  	v1 =	vshrl.u32 v1, $0x10;
	[tilespmem:$0x4020] =	vst v2  }
0x82: {  	[tilespmem:$0x4220] =	vst v1  }
0x83: {  	v1 =	vld [tilespmem:s11+$0x1B0];
	_ =	sdelay $0x4  }
0x84: {  	v2 =	vand.u32 $0xFFFF, v1  }
0x85: {  	v1 =	vshrl.u32 v1, $0x10;
	[tilespmem:$0x4030] =	vst v2  }
0x86: {  	[tilespmem:$0x4230] =	vst v1  }
0x87: {  	v1 =	vld [tilespmem:s11+$0x1C0];
	_ =	sdelay $0x4  }
0x88: {  	v2 =	vand.u32 $0xFFFF, v1  }
0x89: {  	v1 =	vshrl.u32 v1, $0x10;
	[tilespmem:$0x4040] =	vst v2  }
0x8a: {  	[tilespmem:$0x4240] =	vst v1  }
0x8b: {  	[tilespmem:s22], [sflag:$0x1] =	stream.indirect.gather [hbm4b:s1+s20], $0x80, s21, s20, $0xb8;
	[tilespmem:$0x1F778] =	vst v63  }
0x8c: {  	_ = 	snop  }
0x8d: {  	[spmem:s2] =	stream.indirect.scatter.add.f32 [tilespmem:s24], [sflag:$0x4], $0x80, s0, s20, $0xb8;
	[tilespmem:$0x1F778] =	vst v63  }
0x8e: {  	_ =	swait.ge [sflag:s15], $0x2800  }
0x8f: {  	[sflag:s15] =	ssyncset.done $0x0  }
0x90: {  	[sflag:s15] =	ssyncadd.s32 $0xFFFFD800  }
0x91: {  	[spmem:s4] =	stream.indirect.scatter.add.f32 [tilespmem:s30], [sflag:$0x4], $0x1, s0, s20, $0xb8;
	[tilespmem:$0x1F778] =	vst v63  }
0x92: {  	_ =	swait.ge [sflag:s15], $0x50  }
0x93: {  	[sflag:s15] =	ssyncset.done $0x0  }
0x94: {  	[sflag:s15] =	ssyncadd.s32 $0xFFFFFFB0  }
0x95: {  	_ =	swait.ge [sflag:s3], $0x2800  }
0x96: {  	[sflag:s3] =	ssyncset.done $0x0  }
0x97: {  	[sflag:s3] =	ssyncadd.s32 $0xFFFFD800  }
0x98: {  	v1 =	vld [tilespmem:s11+$0x200];
	_ =	sdelay $0x4  }
0x99: {  	v2 =	vand.u32 $0xFFFF, v1  }
0x9a: {  	v1 =	vshrl.u32 v1, $0x10;
	[tilespmem:$0x4080] =	vst v2  }
0x9b: {  	[tilespmem:$0x4280] =	vst v1  }
0x9c: {  	v1 =	vld [tilespmem:s11+$0x210];
	_ =	sdelay $0x4  }
0x9d: {  	v2 =	vand.u32 $0xFFFF, v1  }
0x9e: {  	v1 =	vshrl.u32 v1, $0x10;
	[tilespmem:$0x4090] =	vst v2  }
0x9f: {  	[tilespmem:$0x4290] =	vst v1  }
0xa0: {  	v1 =	vld [tilespmem:s11+$0x220];
	_ =	sdelay $0x4  }
0xa1: {  	v2 =	vand.u32 $0xFFFF, v1  }
0xa2: {  	v1 =	vshrl.u32 v1, $0x10;
	[tilespmem:$0x40A0] =	vst v2  }
0xa3: {  	[tilespmem:$0x42A0] =	vst v1  }
0xa4: {  	v1 =	vld [tilespmem:s11+$0x230];
	_ =	sdelay $0x4  }
0xa5: {  	v2 =	vand.u32 $0xFFFF, v1  }
0xa6: {  	p6 =	por @!p2 $0x0, $0x0;
	v1 =	vshrl.u32 v1, $0x10;
	[tilespmem:$0x40B0] =	vst v2  }
0xa7: {  	p5 =	por @p0 $0x1, $0x1;
	p6 =	por @!p3 p1, p1;
	[tilespmem:$0x42B0] =	vst v1  }
0xa8: {  	p5 =	por @!p0 p6, p6;
	s7 =	simm.s32 $0x600;
	v1 =	vld [tilespmem:s11+$0x240]  }
.LBB2_2:
0xa9: {  	_ = 	snop  }
0xaa: {  	p6 =	sne.s32 s7, $0xF000;
	s8 =	smov.u32 s7;
	s7 =	sadd.s32 $0x600, s7  }
0xab: {  	_ =	sdelay $0x1  }
0xac: {  	v2 =	vand.u32 $0xFFFF, v1;
	v1 =	vshrl.u32 v1, $0x10  }
0xad: {  	[tilespmem:$0x40C0] =	vst v2  }
0xae: {  	[tilespmem:$0x42C0] =	vst v1  }
0xaf: {  	[tilespmem:s24], [sflag:$0x2] =	stream.indirect.gather [hbm4b:s1+s20], $0x80, s23, s20, $0xb8;
	[tilespmem:$0x1F778] =	vst v63  }
0xb0: {  	_ = 	snop  }
0xb1: {  	[spmem:s2] =	stream.indirect.scatter.add.f32 [tilespmem:s28], [sflag:$0x4], $0x80, s5, s20, $0xb8;
	[tilespmem:$0x1F778] =	vst v63  }
0xb2: {  	_ =	swait.ge [sflag:s15], $0x2800  }
0xb3: {  	[sflag:s15] =	ssyncset.done $0x0  }
0xb4: {  	[sflag:s15] =	ssyncadd.s32 $0xFFFFD800  }
0xb5: {  	[spmem:s4] =	stream.indirect.scatter.add.f32 [tilespmem:s30], [sflag:$0x4], $0x1, s5, s20, $0xb8;
	[tilespmem:$0x1F778] =	vst v63  }
0xb6: {  	_ =	swait.ge [sflag:s15], $0x50  }
0xb7: {  	[sflag:s15] =	ssyncset.done $0x0  }
0xb8: {  	[sflag:s15] =	ssyncadd.s32 $0xFFFFFFB0  }
0xb9: {  	_ =	swait.ge [sflag:s25], $0x2800  }
0xba: {  	[sflag:s25] =	ssyncset.done $0x0  }
0xbb: {  	s8 =	sshra.s32 s8, $0x2;
	[sflag:s25] =	ssyncadd.s32 $0xFFFFD800  }
0xbc: {  	v1 =	vld [tilespmem:s8+$0x100];
	_ =	sdelay $0x4  }
0xbd: {  	v2 =	vand.u32 $0xFFFF, v1;
	v1 =	vshrl.u32 v1, $0x10  }
0xbe: {  	[tilespmem:$0x4100] =	vst v2  }
0xbf: {  	[tilespmem:$0x4300] =	vst v1  }
0xc0: {  	v1 =	vld [tilespmem:s8+$0x110];
	_ =	sdelay $0x4  }
0xc1: {  	v2 =	vand.u32 $0xFFFF, v1;
	v1 =	vshrl.u32 v1, $0x10  }
0xc2: {  	[tilespmem:$0x4110] =	vst v2  }
0xc3: {  	[tilespmem:$0x4310] =	vst v1  }
0xc4: {  	v1 =	vld [tilespmem:s8+$0x120];
	_ =	sdelay $0x4  }
0xc5: {  	v2 =	vand.u32 $0xFFFF, v1;
	v1 =	vshrl.u32 v1, $0x10  }
0xc6: {  	[tilespmem:$0x4120] =	vst v2  }
0xc7: {  	[tilespmem:$0x4320] =	vst v1  }
0xc8: {  	v1 =	vld [tilespmem:s8+$0x130];
	_ =	sdelay $0x4  }
0xc9: {  	v2 =	vand.u32 $0xFFFF, v1;
	v1 =	vshrl.u32 v1, $0x10  }
0xca: {  	[tilespmem:$0x4130] =	vst v2  }
0xcb: {  	[tilespmem:$0x4330] =	vst v1  }
0xcc: {  	v1 =	vld [tilespmem:s8+$0x140];
	_ =	sdelay $0x4  }
0xcd: {  	v2 =	vand.u32 $0xFFFF, v1;
	v1 =	vshrl.u32 v1, $0x10  }
0xce: {  	[tilespmem:$0x4140] =	vst v2  }
0xcf: {  	[tilespmem:$0x4340] =	vst v1  }
0xd0: {  	[tilespmem:s28], [sflag:$0x3] =	stream.indirect.gather [hbm4b:s1+s20], $0x80, s26, s20, $0xb8;
	[tilespmem:$0x1F778] =	vst v63  }
0xd1: {  	_ = 	snop  }
0xd2: {  	[spmem:s2] =	stream.indirect.scatter.add.f32 [tilespmem:s22], [sflag:$0x4], $0x80, s29, s20, $0xb8;
	[tilespmem:$0x1F778] =	vst v63  }
0xd3: {  	_ =	swait.ge [sflag:s15], $0x2800  }
0xd4: {  	[sflag:s15] =	ssyncset.done $0x0  }
0xd5: {  	[sflag:s15] =	ssyncadd.s32 $0xFFFFD800  }
0xd6: {  	[spmem:s4] =	stream.indirect.scatter.add.f32 [tilespmem:s30], [sflag:$0x4], $0x1, s29, s20, $0xb8;
	[tilespmem:$0x1F778] =	vst v63  }
0xd7: {  	_ =	swait.ge [sflag:s15], $0x50  }
0xd8: {  	[sflag:s15] =	ssyncset.done $0x0  }
0xd9: {  	[sflag:s15] =	ssyncadd.s32 $0xFFFFFFB0  }
0xda: {  	_ =	swait.ge [sflag:s31], $0x2800  }
0xdb: {  	[sflag:s31] =	ssyncset.done $0x0  }
0xdc: {  	[sflag:s31] =	ssyncadd.s32 $0xFFFFD800  }
0xdd: {  	v1 =	vld [tilespmem:s8+$0x180];
	_ =	sdelay $0x4  }
0xde: {  	v2 =	vand.u32 $0xFFFF, v1;
	v1 =	vshrl.u32 v1, $0x10  }
0xdf: {  	[tilespmem:$0x4000] =	vst v2  }
0xe0: {  	[tilespmem:$0x4200] =	vst v1  }
0xe1: {  	v1 =	vld [tilespmem:s8+$0x190];
	_ =	sdelay $0x4  }
0xe2: {  	v2 =	vand.u32 $0xFFFF, v1;
	v1 =	vshrl.u32 v1, $0x10  }
0xe3: {  	[tilespmem:$0x4010] =	vst v2  }
0xe4: {  	[tilespmem:$0x4210] =	vst v1  }
0xe5: {  	v1 =	vld [tilespmem:s8+$0x1A0];
	_ =	sdelay $0x4  }
0xe6: {  	v2 =	vand.u32 $0xFFFF, v1;
	v1 =	vshrl.u32 v1, $0x10  }
0xe7: {  	[tilespmem:$0x4020] =	vst v2  }
0xe8: {  	[tilespmem:$0x4220] =	vst v1  }
0xe9: {  	v1 =	vld [tilespmem:s8+$0x1B0];
	_ =	sdelay $0x4  }
0xea: {  	v2 =	vand.u32 $0xFFFF, v1;
	v1 =	vshrl.u32 v1, $0x10  }
0xeb: {  	[tilespmem:$0x4030] =	vst v2  }
0xec: {  	[tilespmem:$0x4230] =	vst v1  }
0xed: {  	v1 =	vld [tilespmem:s8+$0x1C0];
	_ =	sdelay $0x4  }
0xee: {  	v2 =	vand.u32 $0xFFFF, v1;
	v1 =	vshrl.u32 v1, $0x10  }
0xef: {  	[tilespmem:$0x4040] =	vst v2  }
0xf0: {  	[tilespmem:$0x4240] =	vst v1  }
0xf1: {  	[tilespmem:s22], [sflag:$0x1] =	stream.indirect.gather [hbm4b:s1+s20], $0x80, s21, s20, $0xb8;
	[tilespmem:$0x1F778] =	vst v63  }
0xf2: {  	_ = 	snop  }
0xf3: {  	[spmem:s2] =	stream.indirect.scatter.add.f32 [tilespmem:s24], [sflag:$0x4], $0x80, s0, s20, $0xb8;
	[tilespmem:$0x1F778] =	vst v63  }
0xf4: {  	_ =	swait.ge [sflag:s15], $0x2800  }
0xf5: {  	[sflag:s15] =	ssyncset.done $0x0  }
0xf6: {  	[sflag:s15] =	ssyncadd.s32 $0xFFFFD800  }
0xf7: {  	[spmem:s4] =	stream.indirect.scatter.add.f32 [tilespmem:s30], [sflag:$0x4], $0x1, s0, s20, $0xb8;
	[tilespmem:$0x1F778] =	vst v63  }
0xf8: {  	_ =	swait.ge [sflag:s15], $0x50  }
0xf9: {  	[sflag:s15] =	ssyncset.done $0x0  }
0xfa: {  	[sflag:s15] =	ssyncadd.s32 $0xFFFFFFB0  }
0xfb: {  	_ =	swait.ge [sflag:s3], $0x2800  }
0xfc: {  	[sflag:s3] =	ssyncset.done $0x0  }
0xfd: {  	[sflag:s3] =	ssyncadd.s32 $0xFFFFD800  }
0xfe: {  	v1 =	vld [tilespmem:s8+$0x200];
	_ =	sdelay $0x4  }
0xff: {  	v2 =	vand.u32 $0xFFFF, v1;
	v1 =	vshrl.u32 v1, $0x10  }
0x100: {  	[tilespmem:$0x4080] =	vst v2  }
0x101: {  	[tilespmem:$0x4280] =	vst v1  }
0x102: {  	v1 =	vld [tilespmem:s8+$0x210];
	_ =	sdelay $0x4  }
0x103: {  	v2 =	vand.u32 $0xFFFF, v1;
	v1 =	vshrl.u32 v1, $0x10  }
0x104: {  	[tilespmem:$0x4090] =	vst v2  }
0x105: {  	[tilespmem:$0x4290] =	vst v1  }
0x106: {  	v1 =	vld [tilespmem:s8+$0x220];
	_ =	sdelay $0x4  }
0x107: {  	v2 =	vand.u32 $0xFFFF, v1;
	v1 =	vshrl.u32 v1, $0x10  }
0x108: {  	[tilespmem:$0x40A0] =	vst v2  }
0x109: {  	[tilespmem:$0x42A0] =	vst v1  }
0x10a: {  	v1 =	vld [tilespmem:s8+$0x230];
	_ =	sdelay $0x3  }
.Ltmp0:
0x10b: {  	(pc) =	sbr.rel @p6 .LBB2_2-.Ltmp0, $4  }
0x10c: {  	v2 =	vand.u32 $0xFFFF, v1;
	v1 =	vshrl.u32 v1, $0x10  }
0x10d: {  	[tilespmem:$0x40B0] =	vst v2  }
0x10e: {  	[tilespmem:$0x42B0] =	vst v1  }
0x10f: {  	v1 =	vld [tilespmem:s8+$0x240]  }
0x110: {  	_ =	sdelay $0x3  }
0x111: {  	v2 =	vand.u32 $0xFFFF, v1  }
0x112: {  	v1 =	vshrl.u32 v1, $0x10;
	[tilespmem:$0x40C0] =	vst v2  }
0x113: {  	[tilespmem:$0x42C0] =	vst v1  }
0x114: {  	[tilespmem:s24], [sflag:$0x2] =	stream.indirect.gather [hbm4b:s1+s20], $0x80, s23, s20, $0xb8;
	[tilespmem:$0x1F778] =	vst v63  }
0x115: {  	_ = 	snop  }
0x116: {  	[spmem:s2] =	stream.indirect.scatter.add.f32 [tilespmem:s28], [sflag:$0x4], $0x80, s5, s20, $0xb8;
	[tilespmem:$0x1F778] =	vst v63  }
0x117: {  	_ =	swait.ge [sflag:s15], $0x2800  }
0x118: {  	[sflag:s15] =	ssyncset.done $0x0  }
0x119: {  	[sflag:s15] =	ssyncadd.s32 $0xFFFFD800  }
0x11a: {  	[spmem:s4] =	stream.indirect.scatter.add.f32 [tilespmem:s30], [sflag:$0x4], $0x1, s5, s20, $0xb8;
	[tilespmem:$0x1F778] =	vst v63  }
0x11b: {  	_ =	swait.ge [sflag:s15], $0x50  }
0x11c: {  	[sflag:s15] =	ssyncset.done $0x0  }
0x11d: {  	[sflag:s15] =	ssyncadd.s32 $0xFFFFFFB0  }
0x11e: {  	_ =	swait.ge [sflag:s25], $0x2800  }
0x11f: {  	[sflag:s25] =	ssyncset.done $0x0  }
0x120: {  	[sflag:s25] =	ssyncadd.s32 $0xFFFFD800  }
0x121: {  	[spmem:s2] =	stream.indirect.scatter.add.f32 [tilespmem:s22], [sflag:$0x4], $0x80, s29, s20, $0xb8;
	[tilespmem:$0x1F778] =	vst v63  }
0x122: {  	_ =	swait.ge [sflag:s15], $0x2800  }
0x123: {  	[sflag:s15] =	ssyncset.done $0x0  }
0x124: {  	[sflag:s15] =	ssyncadd.s32 $0xFFFFD800  }
0x125: {  	[spmem:s4] =	stream.indirect.scatter.add.f32 [tilespmem:s30], [sflag:$0x4], $0x1, s29, s20, $0xb8;
	[tilespmem:$0x1F778] =	vst v63  }
0x126: {  	_ =	swait.ge [sflag:s15], $0x50  }
0x127: {  	[sflag:s15] =	ssyncset.done $0x0  }
0x128: {  	[sflag:s15] =	ssyncadd.s32 $0xFFFFFFB0  }
0x129: {  	_ =	swait.ge [sflag:s31], $0x2800  }
0x12a: {  	[sflag:s31] =	ssyncset.done $0x0  }
0x12b: {  	[sflag:s31] =	ssyncadd.s32 $0xFFFFD800  }
0x12c: {  	[spmem:s2] =	stream.indirect.scatter.add.f32 [tilespmem:s24], [sflag:$0x4], $0x80, s0, s20, $0xb8;
	[tilespmem:$0x1F778] =	vst v63  }
0x12d: {  	_ =	swait.ge [sflag:s15], $0x2800  }
0x12e: {  	[sflag:s15] =	ssyncset.done $0x0  }
0x12f: {  	[sflag:s15] =	ssyncadd.s32 $0xFFFFD800  }
0x130: {  	[spmem:s4] =	stream.indirect.scatter.add.f32 [tilespmem:s30], [sflag:$0x4], $0x1, s0, s20, $0xb8;
	[tilespmem:$0x1F778] =	vst v63  }
0x131: {  	_ =	swait.ge [sflag:s15], $0x50  }
0x132: {  	[sflag:s15] =	ssyncset.done $0x0  }
0x133: {  	[sflag:s15] =	ssyncadd.s32 $0xFFFFFFB0  }
0x134: {  	[bflag:$0x0] =	sbarrier.arrive $0xFFFF  }
0x135: {  	s7 =	rddreg [dreg:$0xa]  }
0x136: {  	[hbm:s7], [sflag:s16] =	dma.local [spmem:s17], $0x2700  }
0x137: {  	_ =	swait.ge [sflag:s15], $0x2700  }
0x138: {  	[sflag:s15] =	ssyncset.done $0x0  }
0x139: {  	s7 =	sshrl.u32 @!p4 s9, $0x3;
	[sflag:s15] =	ssyncadd.s32 $0xFFFFD900  }
0x13a: {  	[hbm:s12], [sflag:s16] =	dma.local @!p4 [spmem:s7], $0x100  }
0x13b: {  	s7 =	simm.s32 @!p4 $0x4  }
0x13c: {  	s8 =	simm.s32 @p5 $0x1;
	s10 =	simm.s32 @p5 $0x20;
	_ =	swait.ge @!p4 [sflag:s7], $0x100  }
0x13d: {  	s11 =	simm.s32 @p5 $0x10;
	s6 =	sadd.s32 $0x1, s6;
	[sflag:s7] =	ssyncset.done @!p4 $0x0  }
0x13e: {  	p6 =	sne.s32 s6, s14;
	[sflag:s7] =	ssyncadd.s32 @!p4 $0xFFFFFF00;
	s7 =	sshrl.u32 @p5 s4, $0x3  }
0x13f: {  	[hbm:s13@s10], [sflag:s16] =	dma.strided @p5 [spmem:s7@s11], $0x4F0, s8, $0x10   }
.Ltmp1:
0x140: {  	_ = 	snop;
	(pc) =	sbr.rel @p6 .LBB2_1-.Ltmp1, $4  }
0x141: {  	s7 =	simm.s32 @p5 $0x4  }
0x142: {  	_ =	swait.ge @p5 [sflag:s7], $0x4F0  }
0x143: {  	[sflag:s7] =	ssyncset.done @p5 $0x0  }
0x144: {  	[sflag:s7] =	ssyncadd.s32 @p5 $0xFFFFFB10  }
0x145: {  	_ =	sfence.sel $0x180000  }
0x146: {  	[bflag:$0x0] =	sbarrier.arrive $0xFFFF  }
0x147: {  	_ =	strace $0x90000047  }
0x148: {  	s0 =	stileid.u32;
	[bflag:$0x2] =	sbarrier.arrive $0xFFFF  }
0x149: {  	p0 =	sne.s32 s0, $0x0;
	s0 =	rddreg [dreg:$0x5]  }
0x14a: {  	s0 =	sadd.s32 @!p0 $0x100000, s0  }
0x14b: {  	[sflag:s0] =	ssyncadd.tile.s32 @!p0 $0x1;
	_ =	shalt  }
.Lfunc_end2:
_tile_overlayer_lowered:
.L_overlay_start_2:
0x14c: {  	(tag) =	ssettag $0x2  }
0x14d: {  	s0 =	rddreg [dreg:$0x0];
	s2 =	stileid.u32  }
0x14e: {  	s1 =	rddreg [dreg:$0x1];
	p0 =	sne.s32 s2, $0x0  }
0x14f: {  	s3 =	rddreg [dreg:$0x2];
	[bflag:$0x3] =	sbarrier.arrive $0xFFFF;
	s2 =	simm.s32 @!p0 $0x1C04  }
0x150: {  	[timem:s3], [sflag:s2] =	dma.local @!p0 [hbm:s0], s1  }
0x151: {  	s0 =	simm.s32 @!p0 $0x4  }
0x152: {  	_ =	swait.ge @!p0 [sflag:s0], s1  }
0x153: {  	s1 =	ssub.s32 @!p0 $0x0, s1;
	[sflag:s0] =	ssyncset.done @!p0 $0x0  }
0x154: {  	[sflag:s0] =	ssyncadd.s32 @!p0 s1  }
0x155: {  	[bflag:$0x3] =	sbarrier.arrive $0xFFFF  }
0x156: {  	_ =	shalt  }

// kernel: kernel.9.cloned.1.call-start
scs
__scs_entry_jumppad:
0x0: {  	(pc) =	sbr.rel $0x88, $3  }
0x1: {  	(tag) =	ssettag $0x0;
	lr =	simm.s32 $0x1  }
0x2: {  	[smem:$0x3F9A] =	sst lr;
	_ =	strace $0xD0000000  }
0x3: {  	_ = 	snop  }
0x4: {  	_ = 	snop  }
0x5: {  	_ = 	snop  }
0x6: {  	_ = 	snop  }
0x7: {  	_ = 	snop  }
__scs_overlays_trampoline_lowered:
0x8: {  	[smem:$0x3FA9] =	sst s0  }
0x9: {  	[smem:$0x3FAA] =	sst s1  }
0xa: {  	[smem:$0x3FAB] =	sst s2  }
0xb: {  	[smem:$0x3FAC] =	sst s3  }
0xc: {  	[smem:$0x3FAD] =	sst s4  }
0xd: {  	[smem:$0x3FAE] =	sst s5  }
0xe: {  	[smem:$0x3FAF] =	sst s6  }
0xf: {  	[smem:$0x3FB0] =	sst s7  }
0x10: {  	[smem:$0x3FB1] =	sst s8  }
0x11: {  	[smem:$0x3FB2] =	sst s9;
	s0 =	simm.s32 @!p0 $0x0  }
0x12: {  	s1 =	sld [smem:$0x3F98];
	s0 =	simm.s32 @p0 $0x1  }
0x13: {  	[smem:$0x3FB3] =	sst s0;
	s0 =	simm.s32 @!p1 $0x0  }
0x14: {  	s2 =	sld [smem:$0x3F97];
	s0 =	simm.s32 @p1 $0x1  }
0x15: {  	[smem:$0x3FB4] =	sst s0;
	s0 =	simm.s32 @!p2 $0x0  }
0x16: {  	s3 =	sld [smem:$0x3FDB];
	s0 =	simm.s32 @p2 $0x1  }
0x17: {  	s4 =	simm.s32 $0x1BF5;
	[smem:$0x3FB6] =	sst s0  }
0x18: {  	s0 =	sld [smem:$0x3F99];
	_ =	swait.ge [sflag:s4], $0x0  }
0x19: {  	s7 =	sld [smem:$0x3F9A]  }
0x1a: {  	s8 =	sadd.s32 $0xFFFFE003, lr  }
0x1b: {  	s9 =	sadd.s32 $0xFFFFFEF7, lr;
	s5 =	simm.s32 $0xFFFFFFFF;
	p2 =	slt.u32 s8, $0xFFFFF086  }
0x1c: {  	p1 =	slt.u32 s9, $0xF7A;
	s5 =	simm.s32 @!p2 $0x0  }
0x1d: {  	s5 =	simm.s32 @p1 $0x1;
	p0 =	seq.s32 s7, s2  }
0x1e: {  	s7 =	smul.u32 @!p0 $0xF7A, s2;
	p2 =	seq.s32 @!p0 s5, $0x0  }
0x1f: {  	s9 =	smul.u32 $0xF7A, s1;
	s8 =	simm.s32 @!p0 $0x1BF5;
	p2 =	por !p2, p0  }
0x20: {  	[sflag:s8] =	ssyncset.s32 @!p0 $0xFFFFF086;
	s6 =	sadd.s32 @!p0 s3, s7;
	s7 =	simm.s32 @!p0 $0x108  }
0x21: {  	s3 =	sadd.s32 s3, s9;
	s6 =	sadd.s32 @!p0 $0x88, s6;
	s7 =	simm.s32 @p2 $0x1082  }
0x22: {  	[simem:s7], [sflag:s8] =	dma.local @!p0 [hbm:s6], $0xF7A  }
0x23: {  	s9 =	sor.u32 $0xD0000000, s2;
	s6 =	simm.s32 $0x108;
	_ =	swait.ge @!p0 [sflag:s8], $0x0  }
0x24: {  	s3 =	sadd.s32 $0x88, s3;
	s6 =	simm.s32 @!p1 $0x1082;
	[sflag:s4] =	ssyncset.s32 $0xFFFFF086  }
0x25: {  	[simem:s6], [sflag:s4] =	dma.local [hbm:s3], $0xF7A  }
0x26: {  	[smem:$0x3F9A] =	sst s1;
	(tag) =	ssettag s2;
	_ =	strace s9  }
0x27: {  	s1 =	sld [smem:$0x3FAA]  }
0x28: {  	s2 =	sld [smem:$0x3FAB]  }
0x29: {  	s4 =	sld [smem:$0x3FAD]  }
0x2a: {  	p0 =	seq.s32 s5, $0x0;
	s5 =	sld [smem:$0x3FAE]  }
0x2b: {  	s6 =	sld [smem:$0x3FAF]  }
0x2c: {  	s7 =	sld [smem:$0x3FB0]  }
0x2d: {  	s3 =	simm.s32 $0x108;
	s8 =	sld [smem:$0x3FB1]  }
0x2e: {  	s3 =	simm.s32 @!p0 $0x1082;
	s9 =	sld [smem:$0x3FB2]  }
0x2f: {  	lr =	sadd.s32 s0, s3;
	s0 =	sld [smem:$0x3FA9]  }
0x30: {  	s3 =	sld [smem:$0x3FAC]  }
0x31: {  	[smem:$0x3FB5] =	sst s10  }
0x32: {  	s10 =	sld [smem:$0x3FB3];
	_ =	sdelay $0x3  }
0x33: {  	p0 =	seq.s32 s10, $0x1;
	s10 =	sld [smem:$0x3FB5];
	_ =	sdelay $0x3  }
0x34: {  	[smem:$0x3FB5] =	sst s10  }
0x35: {  	s10 =	sld [smem:$0x3FB4];
	_ =	sdelay $0x3  }
0x36: {  	p1 =	seq.s32 s10, $0x1;
	s10 =	sld [smem:$0x3FB5];
	_ =	sdelay $0x3  }
0x37: {  	[smem:$0x3FB5] =	sst s10  }
0x38: {  	s10 =	sld [smem:$0x3FB6]  }
0x39: {  	_ = 	snop;
	(pc) =	sbr.ind lr, $3  }
0x3a: {  	_ = 	snop  }
0x3b: {  	_ = 	snop  }
0x3c: {  	p2 =	seq.s32 s10, $0x1;
	s10 =	sld [smem:$0x3FB5]  }
0x3d: {  	_ =	shalt  }
0x3e: {  	_ =	shalt  }
0x3f: {  	_ =	shalt  }
0x40: {  	_ =	shalt  }
0x41: {  	_ =	shalt  }
0x42: {  	_ =	shalt  }
0x43: {  	_ =	shalt  }
0x44: {  	_ =	shalt  }
0x45: {  	_ =	shalt  }
0x46: {  	_ =	shalt  }
0x47: {  	_ =	shalt  }
0x48: {  	_ =	shalt  }
0x49: {  	_ =	shalt  }
0x4a: {  	_ =	shalt  }
0x4b: {  	_ =	shalt  }
0x4c: {  	_ =	shalt  }
0x4d: {  	_ =	shalt  }
0x4e: {  	_ =	shalt  }
0x4f: {  	_ =	shalt  }
0x50: {  	_ =	shalt  }
0x51: {  	_ =	shalt  }
0x52: {  	_ =	shalt  }
0x53: {  	_ =	shalt  }
0x54: {  	_ =	shalt  }
0x55: {  	_ =	shalt  }
0x56: {  	_ =	shalt  }
0x57: {  	_ =	shalt  }
0x58: {  	_ =	shalt  }
0x59: {  	_ =	shalt  }
0x5a: {  	_ =	shalt  }
0x5b: {  	_ =	shalt  }
0x5c: {  	_ =	shalt  }
0x5d: {  	_ =	shalt  }
0x5e: {  	_ =	shalt  }
0x5f: {  	_ =	shalt  }
0x60: {  	_ =	shalt  }
0x61: {  	_ =	shalt  }
0x62: {  	_ =	shalt  }
0x63: {  	_ =	shalt  }
0x64: {  	_ =	shalt  }
0x65: {  	_ =	shalt  }
0x66: {  	_ =	shalt  }
0x67: {  	_ =	shalt  }
0x68: {  	_ =	shalt  }
0x69: {  	_ =	shalt  }
0x6a: {  	_ =	shalt  }
0x6b: {  	_ =	shalt  }
0x6c: {  	_ =	shalt  }
0x6d: {  	_ =	shalt  }
0x6e: {  	_ =	shalt  }
0x6f: {  	_ =	shalt  }
0x70: {  	_ =	shalt  }
0x71: {  	_ =	shalt  }
0x72: {  	_ =	shalt  }
0x73: {  	_ =	shalt  }
0x74: {  	_ =	shalt  }
0x75: {  	_ =	shalt  }
0x76: {  	_ =	shalt  }
0x77: {  	_ =	shalt  }
0x78: {  	_ =	shalt  }
0x79: {  	_ =	shalt  }
0x7a: {  	_ =	shalt  }
0x7b: {  	_ =	shalt  }
0x7c: {  	_ =	shalt  }
0x7d: {  	_ =	shalt  }
0x7e: {  	_ =	shalt  }
0x7f: {  	_ =	shalt  }
0x80: {  	_ =	shalt  }
0x81: {  	_ =	shalt  }
0x82: {  	_ =	shalt  }
0x83: {  	_ =	shalt  }
0x84: {  	_ =	shalt  }
0x85: {  	_ =	shalt  }
0x86: {  	_ =	shalt  }
0x87: {  	_ =	shalt  }
.Lfunc_end0:
.L_simem_size_0:
called_computation.1_lowered:
.L_overlay_start_0:
0x88: {  	s2 =	sld [smem:$0x3FD9]  }
0x89: {  	s3 =	sld [smem:$0x3FFE];
	_ =	sdelay $0x1  }
0x8a: {  	s1 =	srdreg.scid  }
0x8b: {  	s0 =	sand.u32 $0x1, s1  }
0x8c: {  	s17 =	sshll.u32 s0, $0xA;
	s2 =	sadd.s32 s3, s2  }
0x8d: {  	s2 =	sadd.s32 s2, s17  }
0x8e: {  	[smem:$0x3FC1] =	sst s2  }
0x8f: {  	_ = 	snop  }
0x90: {  	s2 =	sld [smem:$0x3FD0];
	(tm) =	ssettm $0x1  }
0x91: {  	s18 =	sld [smem:$0x3FFB];
	_ =	sdelay $0x3  }
0x92: {  	_ =	strace s18  }
0x93: {  	s3 =	sld [smem:$0x3FFC];
	_ =	sdelay $0x3  }
0x94: {  	_ =	strace s3  }
0x95: {  	s3 =	sld [smem:$0x3FFD];
	_ =	sdelay $0x3  }
0x96: {  	_ =	strace s3  }
0x97: {  	_ =	strace $0x8FFFFFFF  }
0x98: {  	s19 =	sld [smem:$0x3FDB];
	_ =	sdelay $0x1  }
0x99: {  	s4 =	simm.s32 $_scs_section_size  }
0x9a: {  	s5 =	simm.s32 $_size__tile_overlayer_lowered;
	s6 =	simm.s32 $_tile_overlayer_lowered  }
0x9b: {  	s22 =	simm.s32 $0x1BFF;
	s21 =	sshll.u32 s6, $0x1;
	s3 =	sadd.s32 s4, s19  }
0x9c: {  	s7 =	simm.s32 $0x0;
	s20 =	sshll.u32 s5, $0x1;
	s5 =	sadd.s32 s21, s3  }
0x9d: {  	[timem:s7], [sflag:s22] =	dma.local [hbm:s5], s20  }
0x9e: {  	_ =	swait.ge [sflag:s22], s20  }
0x9f: {  	s4 =	ssub.s32 $0x0, s20;
	[sflag:s22] =	ssyncset.done $0x0  }
0xa0: {  	[sflag:s22] =	ssyncadd.s32 s4;
	_ =	sdelay $0x1  }
0xa1: {  	s23 =	simm.s32 $0x1B8B  }
0xa2: {  	_ =	swait.ge [sflag:s23], $0x1  }
0xa3: {  	[sflag:s23] =	ssyncset.done $0x0  }
0xa4: {  	s25 =	simm.s32 $0x1B8E;
	s24 =	sld [smem:$0x3FFE];
	[sflag:s23] =	ssyncadd.s32 $0xFFFFFFFF  }
0xa5: {  	s26 =	simm.s32 $execute0_lowered;
	[smem:$0x3FD2] =	sst s25  }
0xa6: {  	s5 =	sshll.u32 s26, $0x1;
	_ =	strace $0x80000049;
	[dreg:$0x1] =	wrdreg $0xFFFFFFFF  }
0xa7: {  	s28 =	simm.s32 $_size_execute0_lowered;
	s3 =	sadd.s32 s3, s5;
	[dreg:$0x0] =	wrdreg $0x0  }
0xa8: {  	s5 =	sshll.u32 s28, $0x1;
	[dreg:$0x2] =	wrdreg s3  }
0xa9: {  	[dreg:$0x3] =	wrdreg s5  }
0xaa: {  	[dreg:$0x4] =	wrdreg $0xC0  }
0xab: {  	_ =	task [dreg:s7], $0x5FFFF  }
0xac: {  	[dreg:$0x1] =	wrdreg $0xFFFFFFFF  }
0xad: {  	[dreg:$0x0] =	wrdreg $0x60  }
0xae: {  	[dreg:$0x2] =	wrdreg s24  }
0xaf: {  	[dreg:$0x3] =	wrdreg s2  }
0xb0: {  	[dreg:$0x4] =	wrdreg $0xBC000  }
0xb1: {  	[dreg:$0x5] =	wrdreg $0x9  }
0xb2: {  	_ =	task.clear_ibuf [dreg:s7], $0x6FFFF;
	_ =	strace $0x90000049  }
0xb3: {  	s29 =	simm.s32 $0x9;
	_ =	strace $0x8000004B  }
0xb4: {  	_ =	swait.ge [sflag:s29], $0x1  }
0xb5: {  	[sflag:s29] =	ssyncadd.s32 $0xFFFFFFFF  }
0xb6: {  	_ =	strace $0x9000004B  }
0xb7: {  	_ =	sfence  }
0xb8: {  	s30 =	sld [smem:$0x0];
	_ =	sdelay $0x2  }
0xb9: {  	s31 =	sshll.u32 s1, $0xD;
	s1 =	sshrl.u32 s1, $0x2  }
0xba: {  	s3 =	sand.u32 $0x4000, s31;
	s1 =	sadd.s32 s1, s30  }
0xbb: {  	s0 =	sor.u32 s3, s0;
	s1 =	sshll.u32 s1, $0x11  }
0xbc: {  	s0 =	sor.u32 s1, s0  }
0xbd: {  	s0 =	sadd.s32 $0x8F2B, s0  }
0xbe: {  	[sflag:s0] =	ssyncadd.remote.s32 $0x1  }
0xbf: {  	_ =	sfence.sel $0xFFFF  }
0xc0: {  	[dreg:$0x0] =	wrdreg $0xFFFFFFFF;
	(pc) =	sbr.abs _section_cstart, $3  }
0xc1: {  	[dreg:$0x1] =	wrdreg $0xFFFFFFFF  }
0xc2: {  	_ =	task.clear_ibuf [dreg:s7], $0x2FFFF;
	_ =	strace $0x9FFFFFFF  }
0xc3: {  	(tm) =	ssettm $0x7FFFFFFF  }
tec
execute0_lowered:
.L_overlay_start_1:
0x0: {  	(tag) =	ssettag $0x1  }
0x1: {  	s5 =	rddreg [dreg:$0x0]  }
0x2: {  	s7 =	rddreg [dreg:$0x1]  }
0x3: {  	s2 =	rddreg [dreg:$0x2];
	s3 =	simm.s32 $0x0  }
0x4: {  	s1 =	stileid.u32;
	s4 =	srdreg.scid;
	s15 =	simm.s32 $0x50  }
0x5: {  	s16 =	simm.s32 $0x4000;
	s17 =	simm.s32 $0x4400;
	s18 =	simm.s32 $0x4080  }
0x6: {  	s19 =	simm.s32 $0x6C00;
	s20 =	simm.s32 $0x1;
	s21 =	simm.s32 $0x4100  }
0x7: {  	s28 =	simm.s32 $0x4300;
	s29 =	simm.s32 $0x0;
	[smem:$0x7FF] =	sst s3  }
0x8: {  	s6 =	sshll.u32 s1, $0xB;
	s8 =	sand.u32 $0x1, s4;
	s11 =	smul.u32 $0x4E000, s1  }
0x9: {  	s4 =	sadd.s32 $0x12200, s5;
	s10 =	sadd.s32 $0xAF600, s5;
	s24 =	smul.u32 $0x13800, s1  }
0xa: {  	s14 =	sadd.s32 $0x138000, s2;
	p0 =	sne.s32 s1, $0xF;
	s31 =	sshll.u32 s1, $0x6  }
0xb: {  	_ =	strace $0x8000004A;
	s6 =	sadd.s32 s6, s5;
	s9 =	ssub.s32 $0x2, s8  }
0xc: {  	s23 =	sshll.u32 s8, $0xF;
	s8 =	smul.u32 $0x138800, s8;
	s14 =	sshrl.u32 @!p0 s14, $0x3  }
0xd: {  	s22 =	sshrl.u32 s9, $0x1;
	s5 =	sadd.s32 s23, s6;
	s25 =	sshrl.u32 s11, $0x2  }
0xe: {  	s26 =	sshrl.u32 s24, $0x3;
	s11 =	simm.s32 $0x4;
	s23 =	simm.s32 $0x4200  }
0xf: {  	s12 =	ssub.s32 s9, s22;
	s5 =	sadd.s32 $0x2200, s5;
	s13 =	sadd.s32 s25, s2  }
0x10: {  	s6 =	sadd.s32 s7, s26;
	s9 =	sadd.s32 s24, s8;
	s8 =	sshrl.u32 s8, $0x3  }
0x11: {  	s7 =	sadd.s32 $0x27000, s7;
	s22 =	simm.s32 $0x9400;
	s24 =	simm.s32 $0x2  }
0x12: {  	s25 =	simm.s32 $0x4280;
	s26 =	simm.s32 $0x3;
	s9 =	sshrl.u32 s9, $0x3  }
0x13: {  	s30 =	sadd.s32 s10, s8;
	s13 =	sshrl.u32 s13, $0x3;
	s8 =	sadd.s32 s10, s9  }
0x14: {  	s9 =	sadd.s32 $0x27000, s30;
	s10 =	smax.u32 s12, $0x1;
	s12 =	sor.u32 $0x1C04, s31  }
.LBB2_1:
0x15: {  	[tilespmem:s3], [sflag:$0x4] =	stream.linear.gather [hbm4b:s5+s3], $0x3E80, $0x38;
	[tilespmem:$0x1F480] =	vst v63  }
0x16: {  	_ =	swait.ge [sflag:s11], $0x3E80  }
0x17: {  	[sflag:s11] =	ssyncset.done $0x0  }
0x18: {  	[sflag:s11] =	ssyncadd.s32 $0xFFFFC180  }
0x19: {  	[spmem:s13], [sflag:s12] =	dma.local [hbm:s6], $0x2700  }
0x1a: {  	_ =	swait.ge [sflag:s11], $0x2700  }
0x1b: {  	[sflag:s11] =	ssyncset.done $0x0  }
0x1c: {  	s30 =	simm.s32 @!p0 $0x4;
	[sflag:s11] =	ssyncadd.s32 $0xFFFFD900  }
0x1d: {  	[spmem:s14], [sflag:s12] =	dma.local @!p0 [hbm:s7], $0x100  }
0x1e: {  	_ =	swait.ge @!p0 [sflag:s30], $0x100  }
0x1f: {  	[sflag:s30] =	ssyncset.done @!p0 $0x0  }
0x20: {  	[sflag:s30] =	ssyncadd.s32 @!p0 $0xFFFFFF00  }
0x21: {  	[bflag:$0x0] =	sbarrier.arrive $0xFFFF  }
0x22: {  	v0 =	vld [tilespmem:$0x0];
	_ =	sdelay $0x1  }
0x23: {  	v1 =	vld [tilespmem:$0x10];
	_ =	sdelay $0x1  }
0x24: {  	v2 =	vld [tilespmem:$0x20]  }
0x25: {  	v3 =	vand.u32 $0xFFFF, v0  }
0x26: {  	v0 =	vshrl.u32 v0, $0x10;
	[tilespmem:$0x4000] =	vst v3;
	v3 =	vld [tilespmem:$0x30]  }
0x27: {  	[tilespmem:$0x4200] =	vst v0;
	v0 =	vand.u32 $0xFFFF, v1  }
0x28: {  	[tilespmem:$0x4010] =	vst v0;
	v0 =	vshrl.u32 v1, $0x10;
	v1 =	vld [tilespmem:$0x40]  }
0x29: {  	[tilespmem:$0x4210] =	vst v0;
	v0 =	vand.u32 $0xFFFF, v2  }
0x2a: {  	[tilespmem:$0x4020] =	vst v0;
	v0 =	vshrl.u32 v2, $0x10  }
0x2b: {  	[tilespmem:$0x4220] =	vst v0;
	v0 =	vand.u32 $0xFFFF, v3  }
0x2c: {  	[tilespmem:$0x4030] =	vst v0;
	v0 =	vshrl.u32 v3, $0x10  }
0x2d: {  	[tilespmem:$0x4230] =	vst v0;
	v0 =	vand.u32 $0xFFFF, v1  }
0x2e: {  	[tilespmem:$0x4040] =	vst v0;
	v0 =	vshrl.u32 v1, $0x10  }
0x2f: {  	[tilespmem:$0x4240] =	vst v0  }
0x30: {  	[tilespmem:s17], [sflag:$0x1] =	stream.indirect.gather [hbm4b:s4+s15], $0x80, s16, s15, $0xb8;
	[tilespmem:$0x1F480] =	vst v63  }
0x31: {  	v0 =	vld [tilespmem:$0x80];
	_ =	sdelay $0x1  }
0x32: {  	v1 =	vld [tilespmem:$0x90];
	_ =	sdelay $0x1  }
0x33: {  	v2 =	vld [tilespmem:$0xA0]  }
0x34: {  	v3 =	vand.u32 $0xFFFF, v0  }
0x35: {  	v0 =	vshrl.u32 v0, $0x10;
	[tilespmem:$0x4080] =	vst v3;
	v3 =	vld [tilespmem:$0xB0]  }
0x36: {  	[tilespmem:$0x4280] =	vst v0;
	v0 =	vand.u32 $0xFFFF, v1  }
0x37: {  	[tilespmem:$0x4090] =	vst v0;
	v0 =	vshrl.u32 v1, $0x10;
	v1 =	vld [tilespmem:$0xC0]  }
0x38: {  	[tilespmem:$0x4290] =	vst v0;
	v0 =	vand.u32 $0xFFFF, v2  }
0x39: {  	[tilespmem:$0x40A0] =	vst v0;
	v0 =	vshrl.u32 v2, $0x10  }
0x3a: {  	[tilespmem:$0x42A0] =	vst v0;
	v0 =	vand.u32 $0xFFFF, v3  }
0x3b: {  	[tilespmem:$0x40B0] =	vst v0;
	v0 =	vshrl.u32 v3, $0x10  }
0x3c: {  	[tilespmem:$0x42B0] =	vst v0;
	v0 =	vand.u32 $0xFFFF, v1  }
0x3d: {  	[tilespmem:$0x40C0] =	vst v0;
	v0 =	vshrl.u32 v1, $0x10  }
0x3e: {  	[tilespmem:$0x42C0] =	vst v0  }
0x3f: {  	[tilespmem:s19], [sflag:$0x2] =	stream.indirect.gather [hbm4b:s4+s15], $0x80, s18, s15, $0xb8;
	[tilespmem:$0x1F480] =	vst v63  }
0x40: {  	_ =	swait.ge [sflag:s20], $0x2800  }
0x41: {  	[sflag:s20] =	ssyncset.done $0x0  }
0x42: {  	s30 =	simm.s32 $0x0;
	[sflag:s20] =	ssyncadd.s32 $0xFFFFD800  }
0x43: {  	v0 =	vld [tilespmem:s30+$0x100];
	_ =	sdelay $0x4  }
0x44: {  	v1 =	vand.u32 $0xFFFF, v0  }
0x45: {  	v0 =	vshrl.u32 v0, $0x10;
	[tilespmem:$0x4100] =	vst v1  }
0x46: {  	[tilespmem:$0x4300] =	vst v0  }
0x47: {  	v0 =	vld [tilespmem:s30+$0x110];
	_ =	sdelay $0x4  }
0x48: {  	v1 =	vand.u32 $0xFFFF, v0  }
0x49: {  	v0 =	vshrl.u32 v0, $0x10;
	[tilespmem:$0x4110] =	vst v1  }
0x4a: {  	[tilespmem:$0x4310] =	vst v0  }
0x4b: {  	v0 =	vld [tilespmem:s30+$0x120];
	_ =	sdelay $0x4  }
0x4c: {  	v1 =	vand.u32 $0xFFFF, v0  }
0x4d: {  	v0 =	vshrl.u32 v0, $0x10;
	[tilespmem:$0x4120] =	vst v1  }
0x4e: {  	[tilespmem:$0x4320] =	vst v0  }
0x4f: {  	v0 =	vld [tilespmem:s30+$0x130];
	_ =	sdelay $0x4  }
0x50: {  	v1 =	vand.u32 $0xFFFF, v0  }
0x51: {  	v0 =	vshrl.u32 v0, $0x10;
	[tilespmem:$0x4130] =	vst v1  }
0x52: {  	[tilespmem:$0x4330] =	vst v0  }
0x53: {  	v0 =	vld [tilespmem:s30+$0x140];
	_ =	sdelay $0x4  }
0x54: {  	v1 =	vand.u32 $0xFFFF, v0  }
0x55: {  	v0 =	vshrl.u32 v0, $0x10;
	[tilespmem:$0x4140] =	vst v1  }
0x56: {  	[tilespmem:$0x4340] =	vst v0  }
0x57: {  	[tilespmem:s22], [sflag:$0x3] =	stream.indirect.gather [hbm4b:s4+s15], $0x80, s21, s15, $0xb8;
	[tilespmem:$0x1F480] =	vst v63  }
0x58: {  	_ = 	snop  }
0x59: {  	[spmem:s2] =	stream.indirect.scatter.add.f32 [tilespmem:s17], [sflag:$0x4], $0x80, s23, s15, $0xb8;
	[tilespmem:$0x1F480] =	vst v63  }
0x5a: {  	_ =	swait.ge [sflag:s11], $0x2800  }
0x5b: {  	[sflag:s11] =	ssyncset.done $0x0  }
0x5c: {  	[sflag:s11] =	ssyncadd.s32 $0xFFFFD800  }
0x5d: {  	_ =	swait.ge [sflag:s24], $0x2800  }
0x5e: {  	[sflag:s24] =	ssyncset.done $0x0  }
0x5f: {  	[sflag:s24] =	ssyncadd.s32 $0xFFFFD800  }
0x60: {  	v0 =	vld [tilespmem:s30+$0x180];
	_ =	sdelay $0x4  }
0x61: {  	v1 =	vand.u32 $0xFFFF, v0  }
0x62: {  	v0 =	vshrl.u32 v0, $0x10;
	[tilespmem:$0x4000] =	vst v1  }
0x63: {  	[tilespmem:$0x4200] =	vst v0  }
0x64: {  	v0 =	vld [tilespmem:s30+$0x190];
	_ =	sdelay $0x4  }
0x65: {  	v1 =	vand.u32 $0xFFFF, v0  }
0x66: {  	v0 =	vshrl.u32 v0, $0x10;
	[tilespmem:$0x4010] =	vst v1  }
0x67: {  	[tilespmem:$0x4210] =	vst v0  }
0x68: {  	v0 =	vld [tilespmem:s30+$0x1A0];
	_ =	sdelay $0x4  }
0x69: {  	v1 =	vand.u32 $0xFFFF, v0  }
0x6a: {  	v0 =	vshrl.u32 v0, $0x10;
	[tilespmem:$0x4020] =	vst v1  }
0x6b: {  	[tilespmem:$0x4220] =	vst v0  }
0x6c: {  	v0 =	vld [tilespmem:s30+$0x1B0];
	_ =	sdelay $0x4  }
0x6d: {  	v1 =	vand.u32 $0xFFFF, v0  }
0x6e: {  	v0 =	vshrl.u32 v0, $0x10;
	[tilespmem:$0x4030] =	vst v1  }
0x6f: {  	[tilespmem:$0x4230] =	vst v0  }
0x70: {  	v0 =	vld [tilespmem:s30+$0x1C0];
	_ =	sdelay $0x4  }
0x71: {  	v1 =	vand.u32 $0xFFFF, v0  }
0x72: {  	v0 =	vshrl.u32 v0, $0x10;
	[tilespmem:$0x4040] =	vst v1  }
0x73: {  	[tilespmem:$0x4240] =	vst v0  }
0x74: {  	[tilespmem:s17], [sflag:$0x1] =	stream.indirect.gather [hbm4b:s4+s15], $0x80, s16, s15, $0xb8;
	[tilespmem:$0x1F480] =	vst v63  }
0x75: {  	_ = 	snop  }
0x76: {  	[spmem:s2] =	stream.indirect.scatter.add.f32 [tilespmem:s19], [sflag:$0x4], $0x80, s25, s15, $0xb8;
	[tilespmem:$0x1F480] =	vst v63  }
0x77: {  	_ =	swait.ge [sflag:s11], $0x2800  }
0x78: {  	[sflag:s11] =	ssyncset.done $0x0  }
0x79: {  	[sflag:s11] =	ssyncadd.s32 $0xFFFFD800  }
0x7a: {  	_ =	swait.ge [sflag:s26], $0x2800  }
0x7b: {  	[sflag:s26] =	ssyncset.done $0x0  }
0x7c: {  	[sflag:s26] =	ssyncadd.s32 $0xFFFFD800  }
0x7d: {  	v0 =	vld [tilespmem:s30+$0x200];
	_ =	sdelay $0x4  }
0x7e: {  	v1 =	vand.u32 $0xFFFF, v0  }
0x7f: {  	v0 =	vshrl.u32 v0, $0x10;
	[tilespmem:$0x4080] =	vst v1  }
0x80: {  	[tilespmem:$0x4280] =	vst v0  }
0x81: {  	v0 =	vld [tilespmem:s30+$0x210];
	_ =	sdelay $0x4  }
0x82: {  	v1 =	vand.u32 $0xFFFF, v0  }
0x83: {  	v0 =	vshrl.u32 v0, $0x10;
	[tilespmem:$0x4090] =	vst v1  }
0x84: {  	[tilespmem:$0x4290] =	vst v0  }
0x85: {  	v0 =	vld [tilespmem:s30+$0x220];
	_ =	sdelay $0x4  }
0x86: {  	v1 =	vand.u32 $0xFFFF, v0  }
0x87: {  	v0 =	vshrl.u32 v0, $0x10;
	[tilespmem:$0x40A0] =	vst v1  }
0x88: {  	[tilespmem:$0x42A0] =	vst v0  }
0x89: {  	v0 =	vld [tilespmem:s30+$0x230];
	_ =	sdelay $0x4  }
0x8a: {  	s31 =	simm.s32 $0x600;
	v1 =	vand.u32 $0xFFFF, v0;
	v0 =	vshrl.u32 v0, $0x10  }
.LBB2_2:
0x8b: {  	p1 =	sne.s32 s31, $0xF000;
	[tilespmem:$0x40B0] =	vst v1;
	s0 =	smov.u32 s31;
	s31 =	sadd.s32 $0x600, s31  }
0x8c: {  	[tilespmem:$0x42B0] =	vst v0  }
0x8d: {  	v0 =	vld [tilespmem:s30+$0x240];
	_ =	sdelay $0x4  }
0x8e: {  	v1 =	vand.u32 $0xFFFF, v0;
	v0 =	vshrl.u32 v0, $0x10  }
0x8f: {  	[tilespmem:$0x40C0] =	vst v1  }
0x90: {  	[tilespmem:$0x42C0] =	vst v0  }
0x91: {  	[tilespmem:s19], [sflag:$0x2] =	stream.indirect.gather [hbm4b:s4+s15], $0x80, s18, s15, $0xb8;
	[tilespmem:$0x1F480] =	vst v63  }
0x92: {  	_ = 	snop  }
0x93: {  	[spmem:s2] =	stream.indirect.scatter.add.f32 [tilespmem:s22], [sflag:$0x4], $0x80, s28, s15, $0xb8;
	[tilespmem:$0x1F480] =	vst v63  }
0x94: {  	_ =	swait.ge [sflag:s11], $0x2800  }
0x95: {  	[sflag:s11] =	ssyncset.done $0x0  }
0x96: {  	[sflag:s11] =	ssyncadd.s32 $0xFFFFD800  }
0x97: {  	_ =	swait.ge [sflag:s20], $0x2800  }
0x98: {  	[sflag:s20] =	ssyncset.done $0x0  }
0x99: {  	s30 =	sshra.s32 s0, $0x2;
	[sflag:s20] =	ssyncadd.s32 $0xFFFFD800  }
0x9a: {  	v0 =	vld [tilespmem:s30+$0x100];
	_ =	sdelay $0x4  }
0x9b: {  	v1 =	vand.u32 $0xFFFF, v0;
	v0 =	vshrl.u32 v0, $0x10  }
0x9c: {  	[tilespmem:$0x4100] =	vst v1  }
0x9d: {  	[tilespmem:$0x4300] =	vst v0  }
0x9e: {  	v0 =	vld [tilespmem:s30+$0x110];
	_ =	sdelay $0x4  }
0x9f: {  	v1 =	vand.u32 $0xFFFF, v0;
	v0 =	vshrl.u32 v0, $0x10  }
0xa0: {  	[tilespmem:$0x4110] =	vst v1  }
0xa1: {  	[tilespmem:$0x4310] =	vst v0  }
0xa2: {  	v0 =	vld [tilespmem:s30+$0x120];
	_ =	sdelay $0x4  }
0xa3: {  	v1 =	vand.u32 $0xFFFF, v0;
	v0 =	vshrl.u32 v0, $0x10  }
0xa4: {  	[tilespmem:$0x4120] =	vst v1  }
0xa5: {  	[tilespmem:$0x4320] =	vst v0  }
0xa6: {  	v0 =	vld [tilespmem:s30+$0x130];
	_ =	sdelay $0x4  }
0xa7: {  	v1 =	vand.u32 $0xFFFF, v0;
	v0 =	vshrl.u32 v0, $0x10  }
0xa8: {  	[tilespmem:$0x4130] =	vst v1  }
0xa9: {  	[tilespmem:$0x4330] =	vst v0  }
0xaa: {  	v0 =	vld [tilespmem:s30+$0x140];
	_ =	sdelay $0x4  }
0xab: {  	v1 =	vand.u32 $0xFFFF, v0;
	v0 =	vshrl.u32 v0, $0x10  }
0xac: {  	[tilespmem:$0x4140] =	vst v1  }
0xad: {  	[tilespmem:$0x4340] =	vst v0  }
0xae: {  	[tilespmem:s22], [sflag:$0x3] =	stream.indirect.gather [hbm4b:s4+s15], $0x80, s21, s15, $0xb8;
	[tilespmem:$0x1F480] =	vst v63  }
0xaf: {  	_ = 	snop  }
0xb0: {  	[spmem:s2] =	stream.indirect.scatter.add.f32 [tilespmem:s17], [sflag:$0x4], $0x80, s23, s15, $0xb8;
	[tilespmem:$0x1F480] =	vst v63  }
0xb1: {  	_ =	swait.ge [sflag:s11], $0x2800  }
0xb2: {  	[sflag:s11] =	ssyncset.done $0x0  }
0xb3: {  	[sflag:s11] =	ssyncadd.s32 $0xFFFFD800  }
0xb4: {  	_ =	swait.ge [sflag:s24], $0x2800  }
0xb5: {  	[sflag:s24] =	ssyncset.done $0x0  }
0xb6: {  	[sflag:s24] =	ssyncadd.s32 $0xFFFFD800  }
0xb7: {  	v0 =	vld [tilespmem:s30+$0x180];
	_ =	sdelay $0x4  }
0xb8: {  	v1 =	vand.u32 $0xFFFF, v0;
	v0 =	vshrl.u32 v0, $0x10  }
0xb9: {  	[tilespmem:$0x4000] =	vst v1  }
0xba: {  	[tilespmem:$0x4200] =	vst v0  }
0xbb: {  	v0 =	vld [tilespmem:s30+$0x190];
	_ =	sdelay $0x4  }
0xbc: {  	v1 =	vand.u32 $0xFFFF, v0;
	v0 =	vshrl.u32 v0, $0x10  }
0xbd: {  	[tilespmem:$0x4010] =	vst v1  }
0xbe: {  	[tilespmem:$0x4210] =	vst v0  }
0xbf: {  	v0 =	vld [tilespmem:s30+$0x1A0];
	_ =	sdelay $0x4  }
0xc0: {  	v1 =	vand.u32 $0xFFFF, v0;
	v0 =	vshrl.u32 v0, $0x10  }
0xc1: {  	[tilespmem:$0x4020] =	vst v1  }
0xc2: {  	[tilespmem:$0x4220] =	vst v0  }
0xc3: {  	v0 =	vld [tilespmem:s30+$0x1B0];
	_ =	sdelay $0x4  }
0xc4: {  	v1 =	vand.u32 $0xFFFF, v0;
	v0 =	vshrl.u32 v0, $0x10  }
0xc5: {  	[tilespmem:$0x4030] =	vst v1  }
0xc6: {  	[tilespmem:$0x4230] =	vst v0  }
0xc7: {  	v0 =	vld [tilespmem:s30+$0x1C0];
	_ =	sdelay $0x4  }
0xc8: {  	v1 =	vand.u32 $0xFFFF, v0;
	v0 =	vshrl.u32 v0, $0x10  }
0xc9: {  	[tilespmem:$0x4040] =	vst v1  }
0xca: {  	[tilespmem:$0x4240] =	vst v0  }
0xcb: {  	[tilespmem:s17], [sflag:$0x1] =	stream.indirect.gather [hbm4b:s4+s15], $0x80, s16, s15, $0xb8;
	[tilespmem:$0x1F480] =	vst v63  }
0xcc: {  	_ = 	snop  }
0xcd: {  	[spmem:s2] =	stream.indirect.scatter.add.f32 [tilespmem:s19], [sflag:$0x4], $0x80, s25, s15, $0xb8;
	[tilespmem:$0x1F480] =	vst v63  }
0xce: {  	_ =	swait.ge [sflag:s11], $0x2800  }
0xcf: {  	[sflag:s11] =	ssyncset.done $0x0  }
0xd0: {  	[sflag:s11] =	ssyncadd.s32 $0xFFFFD800  }
0xd1: {  	_ =	swait.ge [sflag:s26], $0x2800  }
0xd2: {  	[sflag:s26] =	ssyncset.done $0x0  }
0xd3: {  	[sflag:s26] =	ssyncadd.s32 $0xFFFFD800  }
0xd4: {  	v0 =	vld [tilespmem:s30+$0x200];
	_ =	sdelay $0x4  }
0xd5: {  	v1 =	vand.u32 $0xFFFF, v0;
	v0 =	vshrl.u32 v0, $0x10  }
0xd6: {  	[tilespmem:$0x4080] =	vst v1  }
0xd7: {  	[tilespmem:$0x4280] =	vst v0  }
0xd8: {  	v0 =	vld [tilespmem:s30+$0x210];
	_ =	sdelay $0x4  }
0xd9: {  	v1 =	vand.u32 $0xFFFF, v0;
	v0 =	vshrl.u32 v0, $0x10  }
0xda: {  	[tilespmem:$0x4090] =	vst v1  }
0xdb: {  	[tilespmem:$0x4290] =	vst v0  }
0xdc: {  	v0 =	vld [tilespmem:s30+$0x220];
	_ =	sdelay $0x4  }
0xdd: {  	v1 =	vand.u32 $0xFFFF, v0;
	v0 =	vshrl.u32 v0, $0x10  }
0xde: {  	[tilespmem:$0x40A0] =	vst v1  }
0xdf: {  	[tilespmem:$0x42A0] =	vst v0  }
0xe0: {  	v0 =	vld [tilespmem:s30+$0x230]  }
.Ltmp0:
0xe1: {  	(pc) =	sbr.rel @p1 .LBB2_2-.Ltmp0, $2  }
0xe2: {  	_ =	sdelay $0x2  }
0xe3: {  	v1 =	vand.u32 $0xFFFF, v0;
	v0 =	vshrl.u32 v0, $0x10  }
0xe4: {  	[tilespmem:$0x40B0] =	vst v1  }
0xe5: {  	[tilespmem:$0x42B0] =	vst v0  }
0xe6: {  	v0 =	vld [tilespmem:s30+$0x240];
	_ =	sdelay $0x4  }
0xe7: {  	v63 =	vand.u32 $0xFFFF, v0  }
0xe8: {  	v0 =	vshrl.u32 v0, $0x10;
	[tilespmem:$0x40C0] =	vst v63  }
0xe9: {  	[tilespmem:$0x42C0] =	vst v0  }
0xea: {  	[tilespmem:s19], [sflag:$0x2] =	stream.indirect.gather [hbm4b:s4+s15], $0x80, s18, s15, $0xb8;
	[tilespmem:$0x1F480] =	vst v63  }
0xeb: {  	_ = 	snop  }
0xec: {  	[spmem:s2] =	stream.indirect.scatter.add.f32 [tilespmem:s22], [sflag:$0x4], $0x80, s28, s15, $0xb8;
	[tilespmem:$0x1F480] =	vst v63  }
0xed: {  	_ =	swait.ge [sflag:s11], $0x2800  }
0xee: {  	[sflag:s11] =	ssyncset.done $0x0  }
0xef: {  	[sflag:s11] =	ssyncadd.s32 $0xFFFFD800  }
0xf0: {  	_ =	swait.ge [sflag:s20], $0x2800  }
0xf1: {  	[sflag:s20] =	ssyncset.done $0x0  }
0xf2: {  	[sflag:s20] =	ssyncadd.s32 $0xFFFFD800  }
0xf3: {  	[spmem:s2] =	stream.indirect.scatter.add.f32 [tilespmem:s17], [sflag:$0x4], $0x80, s23, s15, $0xb8;
	[tilespmem:$0x1F480] =	vst v63  }
0xf4: {  	_ =	swait.ge [sflag:s11], $0x2800  }
0xf5: {  	[sflag:s11] =	ssyncset.done $0x0  }
0xf6: {  	[sflag:s11] =	ssyncadd.s32 $0xFFFFD800  }
0xf7: {  	_ =	swait.ge [sflag:s24], $0x2800  }
0xf8: {  	[sflag:s24] =	ssyncset.done $0x0  }
0xf9: {  	[sflag:s24] =	ssyncadd.s32 $0xFFFFD800  }
0xfa: {  	[spmem:s2] =	stream.indirect.scatter.add.f32 [tilespmem:s19], [sflag:$0x4], $0x80, s25, s15, $0xb8;
	[tilespmem:$0x1F480] =	vst v63  }
0xfb: {  	_ =	swait.ge [sflag:s11], $0x2800  }
0xfc: {  	[sflag:s11] =	ssyncset.done $0x0  }
0xfd: {  	[sflag:s11] =	ssyncadd.s32 $0xFFFFD800  }
0xfe: {  	[bflag:$0x0] =	sbarrier.arrive $0xFFFF  }
0xff: {  	[hbm:s8], [sflag:s12] =	dma.local [spmem:s13], $0x2700  }
0x100: {  	s29 =	sadd.s32 $0x1, s29;
	_ =	swait.ge [sflag:s11], $0x2700  }
0x101: {  	p1 =	sne.s32 s29, s10;
	[sflag:s11] =	ssyncset.done $0x0  }
.Ltmp1:
0x102: {  	s0 =	simm.s32 @!p0 $0x4;
	[sflag:s11] =	ssyncadd.s32 $0xFFFFD900;
	(pc) =	sbr.rel @p1 .LBB2_1-.Ltmp1, $4  }
0x103: {  	[hbm:s9], [sflag:s12] =	dma.local @!p0 [spmem:s14], $0x100  }
0x104: {  	_ =	swait.ge @!p0 [sflag:s0], $0x100  }
0x105: {  	[sflag:s0] =	ssyncset.done @!p0 $0x0  }
0x106: {  	[sflag:s0] =	ssyncadd.s32 @!p0 $0xFFFFFF00  }
0x107: {  	_ =	sfence.sel $0x180000  }
0x108: {  	[bflag:$0x0] =	sbarrier.arrive $0xFFFF  }
0x109: {  	_ =	strace $0x9000004A  }
0x10a: {  	[bflag:$0x2] =	sbarrier.arrive $0xFFFF  }
0x10b: {  	p0 =	sne.s32 s1, $0x0;
	s0 =	rddreg [dreg:$0x3]  }
0x10c: {  	s0 =	sadd.s32 @!p0 $0x100000, s0  }
0x10d: {  	[sflag:s0] =	ssyncadd.tile.s32 @!p0 $0x1;
	_ =	shalt  }
.Lfunc_end2:
_tile_overlayer_lowered:
.L_overlay_start_2:
0x10e: {  	(tag) =	ssettag $0x2  }
0x10f: {  	s0 =	rddreg [dreg:$0x0];
	s2 =	stileid.u32  }
0x110: {  	s1 =	rddreg [dreg:$0x1];
	p0 =	sne.s32 s2, $0x0  }
0x111: {  	s3 =	rddreg [dreg:$0x2];
	[bflag:$0x3] =	sbarrier.arrive $0xFFFF;
	s2 =	simm.s32 @!p0 $0x1C04  }
0x112: {  	[timem:s3], [sflag:s2] =	dma.local @!p0 [hbm:s0], s1  }
0x113: {  	s0 =	simm.s32 @!p0 $0x4  }
0x114: {  	_ =	swait.ge @!p0 [sflag:s0], s1  }
0x115: {  	s1 =	ssub.s32 @!p0 $0x0, s1;
	[sflag:s0] =	ssyncset.done @!p0 $0x0  }
0x116: {  	[sflag:s0] =	ssyncadd.s32 @!p0 s1  }
0x117: {  	[bflag:$0x3] =	sbarrier.arrive $0xFFFF  }
0x118: {  	_ =	shalt  }

</sc_bundles>
